<compile_context>
chip_gen: v7x
topology: tpu7x:2x2x1
jax: 0.10.2.dev20260603
libtpu: 0.0.44.dev20260713+nightly
codegen_flags: <defaults>
</compile_context>

<pallas_src>
import jax
import jax.numpy as jnp
from jax import lax
from jax.experimental import pallas as pl
from jax.experimental.pallas import tpu as pltpu
from jax.experimental.pallas import tpu_sc as plsc

_B, _N, _P, _R = 4, 48, 17, 8
_NQ = 4
_NI = _N // _NQ
_NRQ = 2
_RL = _R // _NRQ
_TW = _NI * _N * _P
_MW = _NI * _N * _R
_OW = _RL * _NI * _N


def _sc_body(trans_hbm, tmask_hbm, rules_hbm, w_hbm, b_hbm, out_hbm,
             trans_v, tm_v, rules_v, w_v, b_v, out_v, sem1, sem2):
    wid = lax.axis_index("s") * 2 + lax.axis_index("c")
    b = wid // 8
    rq = (wid % 8) // _NQ
    q = wid % _NQ

    c1 = pltpu.make_async_copy(trans_hbm.at[b * _NQ + q], trans_v, sem1)
    c1.start()
    c2 = pltpu.make_async_copy(tmask_hbm.at[b * _NQ + q], tm_v, sem2)
    c2.start()
    pltpu.sync_copy(rules_hbm, rules_v)
    pltpu.sync_copy(w_hbm, w_v)
    pltpu.sync_copy(b_hbm, b_v)
    c1.wait()
    c2.wait()

    lane = lax.iota(jnp.int32, 16)
    lane17 = lane * 17
    lane8 = lane * 8

    def bcast_i(ref, k):
        return plsc.load_gather(ref, [jnp.full((16,), 0, jnp.int32) + k])

    for rl in range(_RL):
        rel = _RL * rq + rl
        pre0 = [lane17 + bcast_i(rules_v, 12 * rel + 2 * m) for m in range(6)]
        pre1 = [lane17 + bcast_i(rules_v, 12 * rel + 2 * m + 1) for m in range(6)]
        w = [bcast_i(w_v, 6 * rel + k) for k in range(6)]
        bias0 = bcast_i(b_v, 2 * rel)
        bias1 = bcast_i(b_v, 2 * rel + 1)

        def body(i, carry):
            base_i = i * (_N * _P)
            tm_base = i * (_N * _R) + rel

            rms = []
            for m in range(6):
                v = plsc.load_gather(trans_v, [pre0[m] + base_i])
                for jb in range(1, 3):
                    v = jnp.maximum(v, plsc.load_gather(
                        trans_v, [pre0[m] + (base_i + jb * 272)]))
                rms.append(jnp.max(v))

            for jb in range(3):
                off = base_i + jb * 272
                acc0 = bias0
                acc1 = bias1
                for m in range(3):
                    t1v = plsc.load_gather(trans_v, [pre1[m] + off])
                    acc0 = acc0 + w[m] * jnp.exp(t1v + rms[m])
                for m in range(3, 6):
                    t1v = plsc.load_gather(trans_v, [pre1[m] + off])
                    acc1 = acc1 + w[m] * jnp.exp(t1v + rms[m])
                tmv = plsc.load_gather(tm_v, [lane8 + (tm_base + jb * 128)])
                res = jnp.where(tmv == 0, acc0, acc1)
                out_v[pl.ds(rl * (_NI * _N) + i * _N + jb * 16, 16)] = res
            return carry

        lax.fori_loop(0, _NI, body, 0)

    pltpu.sync_copy(out_v, out_hbm.at[wid])


def _sc_call(trans_rows, tmask_rows, rules_flat, w_flat, biases):
    mesh = plsc.VectorSubcoreMesh(core_axis_name="c", subcore_axis_name="s")
    f = pl.kernel(
        _sc_body,
        out_type=jax.ShapeDtypeStruct((32, _OW), jnp.float32),
        mesh=mesh,
        compiler_params=pltpu.CompilerParams(needs_layout_passes=False),
        scratch_types=[
            pltpu.VMEM((_TW,), jnp.float32),
            pltpu.VMEM((_MW,), jnp.int32),
            pltpu.VMEM((96,), jnp.int32),
            pltpu.VMEM((48,), jnp.float32),
            pltpu.VMEM((16,), jnp.float32),
            pltpu.VMEM((_OW,), jnp.float32),
            pltpu.SemaphoreType.DMA,
            pltpu.SemaphoreType.DMA,
        ],
    )
    return f(trans_rows, tmask_rows, rules_flat, w_flat, biases)


def kernel(transitions, type_mask, rules, weights, biases, t_sections, c_sections):
    B, N, _, P = transitions.shape
    R = type_mask.shape[-1]
    trans_rows = transitions.reshape(B * _NQ, _TW)
    tmask_rows = type_mask.reshape(B * _NQ, _MW)
    rules_flat = rules.reshape(96).astype(jnp.int32)
    w_flat = weights.reshape(48)
    out = _sc_call(trans_rows, tmask_rows, rules_flat, w_flat, biases)
    out = out.reshape(B, _NRQ, _NQ, _RL, _NI, N)
    out = out.transpose(0, 2, 4, 5, 1, 3)
    return out.reshape(B, N, N, R)

# --- scband reference (transcript-rebuilt; emitter-appended) ---
"""Pipeline reference for scband-rule-scorer-54374285968080 (READ-ONLY COPY).

The authoritative reference and input builder live on the scoring server;
editing this copy changes nothing except your own understanding.
"""

import jax, jax.numpy as jnp
import numpy as np

T_SEC = [2] * 8
C_SEC = [3] * 16


def setup_inputs(seed: int = 0):
    key = jax.random.key(seed)
    ks = jax.random.split(key, 4)
    B, N, R = 4, 48, 8
    Nc, L = 48, 2
    transitions = jax.random.normal(ks[0], (B, N, N, 2 * R + 1), dtype=jnp.float32)
    type_mask = jax.random.randint(ks[1], (B, N, N, R), 0, 2, dtype=jnp.int32)
    j = np.arange(Nc)
    rules = jnp.asarray(np.stack([j % 17, (j * 7 + 3) % 17], axis=1), dtype=jnp.int32)
    bound = 1.0 / np.sqrt(3.0)
    weights = jax.random.uniform(ks[2], (16, 3, 1), minval=-bound, maxval=bound, dtype=jnp.float32)
    biases = jax.random.uniform(ks[3], (16,), minval=-1.0, maxval=1.0, dtype=jnp.float32)
    t_sections = jnp.asarray(T_SEC, dtype=jnp.int32)
    c_sections = jnp.asarray(C_SEC, dtype=jnp.int32)
    return {"transitions": transitions, "type_mask": type_mask, "rules": rules,
            "weights": weights, "biases": biases,
            "t_sections": t_sections, "c_sections": c_sections}


def _path_scores(transitions, rules):
    Nc, L = rules.shape
    t0 = jnp.take(transitions, rules[:, 0], axis=-1)
    t1 = jnp.take(transitions, rules[:, 1], axis=-1)
    path = jnp.max(t0[:, :, :, None, :] + t1[:, :, None, :, :], axis=2)
    for i in range(2, L):
        ti_ = jnp.take(transitions, rules[:, i], axis=-1)
        path = jnp.max(path[:, :, :, None, :] + ti_[:, :, None, :, :], axis=2)
    return path


def _forward(transitions, weights, biases, type_mask, rules):
    B, N, _, R = type_mask.shape
    scores = jnp.exp(_path_scores(transitions, rules))
    splits = np.cumsum(C_SEC)[:-1].tolist()
    scores_split = jnp.split(scores, splits, axis=-1)
    out = jnp.full((B, N, N, R), -1000.0, dtype=transitions.dtype)
    ci = 0
    for i in range(R):
        if T_SEC[i] == 0:
            continue
        for ti in range(T_SEC[i]):
            idx = ci + ti
            s = jnp.sum(scores_split[idx][..., None] * weights[idx][None, None, None, :, :], axis=-2) + biases[idx]
            s = s[..., 0]
            mask_i = type_mask[:, :, :, i] == ti
            out = out.at[:, :, :, i].set(jnp.where(mask_i, s, out[:, :, :, i]))
        ci += T_SEC[i]
    return out


def reference(transitions, type_mask, rules, weights, biases, t_sections, c_sections):
    return _forward(transitions, weights, biases, type_mask, rules)

if __name__ == "__main__":
    import jax
    _d = setup_inputs()
    print(jax.jit(kernel)(*tuple(_d.values())))

</pallas_src>

<mosaic_0001>
#map = affine_map<(d0, d1) -> (0, 0)>
#map1 = affine_map<(d0, d1) -> (0)>
module attributes {stable_mosaic.version = 14 : i64} {
  func.func @_sc_body(%arg0: i32, %arg1: i32, %arg2: memref<16x9792xf32, #tpu.memory_space<hbm>>, %arg3: memref<16x4608xi32, #tpu.memory_space<hbm>>, %arg4: memref<96xi32, #tpu.memory_space<hbm>>, %arg5: memref<48xf32, #tpu.memory_space<hbm>>, %arg6: memref<16xf32, #tpu.memory_space<hbm>>, %arg7: memref<32x2304xf32, #tpu.memory_space<hbm>>, %arg8: memref<9792xf32, #tpu.memory_space<vmem>>, %arg9: memref<4608xi32, #tpu.memory_space<vmem>>, %arg10: memref<96xi32, #tpu.memory_space<vmem>>, %arg11: memref<48xf32, #tpu.memory_space<vmem>>, %arg12: memref<16xf32, #tpu.memory_space<vmem>>, %arg13: memref<2304xf32, #tpu.memory_space<vmem>>, %arg14: memref<!tpu.dma_semaphore, #tpu.memory_space<semaphore_mem>>, %arg15: memref<!tpu.dma_semaphore, #tpu.memory_space<semaphore_mem>>) attributes {dimension_semantics = [#tpu.dimension_semantics<core_parallel>, #tpu.dimension_semantics<subcore_parallel>], iteration_bounds = array<i64: 2, 16>, scalar_prefetch = 0 : i64, scratch_operands = 8 : i64, tpu.core_type = #tpu.core_type<sc_vector_subcore>, window_params = [{transform_indices = #map}, {transform_indices = #map}, {transform_indices = #map1}, {transform_indices = #map1}, {transform_indices = #map1}, {transform_indices = #map}]} {
    %mul3A = arith.constant 2 : i32
    %mul3A_0 = arith.muli %arg1, %mul3A : i32
    %add3A = arith.addi %mul3A_0, %arg0 : i32
    %jit3A = arith.constant 8 : i32
    %div3A = arith.divsi %add3A, %jit3A : i32
    %sign3A = arith.constant 0 : i32
    %sign3A_1 = arith.cmpi sgt, %add3A, %sign3A : i32
    %sign3A_2 = arith.extui %sign3A_1 : i1 to i32
    %sign3A_3 = arith.constant 0 : i32
    %sign3A_4 = arith.cmpi slt, %add3A, %sign3A_3 : i32
    %sign3A_5 = arith.extui %sign3A_4 : i1 to i32
    %sign3A_6 = arith.subi %sign3A_2, %sign3A_5 : i32
    %sign3A_7 = arith.constant 0 : i32
    %sign3A_8 = arith.cmpi sgt, %jit3A, %sign3A_7 : i32
    %sign3A_9 = arith.extui %sign3A_8 : i1 to i32
    %sign3A_10 = arith.constant 0 : i32
    %sign3A_11 = arith.cmpi slt, %jit3A, %sign3A_10 : i32
    %sign3A_12 = arith.extui %sign3A_11 : i1 to i32
    %sign3A_13 = arith.subi %sign3A_9, %sign3A_12 : i32
    %ne3A = arith.cmpi ne, %sign3A_6, %sign3A_13 : i32
    %rem3A = arith.remsi %add3A, %jit3A : i32
    %ne3A_14 = arith.constant 0 : i32
    %ne3A_15 = arith.cmpi ne, %rem3A, %ne3A_14 : i32
    %and3A = arith.andi %ne3A, %ne3A_15 : i1
    %sub3A = arith.constant 1 : i32
    %sub3A_16 = arith.subi %div3A, %sub3A : i32
    %select_n3A = arith.select %and3A, %sub3A_16, %div3A : i32
    %jit3A_17 = arith.constant 8 : i32
    %eq3A = arith.constant 0 : i32
    %eq3A_18 = arith.cmpi eq, %jit3A_17, %eq3A : i32
    %jit3A_19 = arith.constant 1 : i32
    %select_n3A_20 = arith.select %eq3A_18, %jit3A_19, %jit3A_17 : i32
    %rem3A_21 = arith.remsi %add3A, %select_n3A_20 : i32
    %ne3A_22 = arith.constant 0 : i32
    %ne3A_23 = arith.cmpi ne, %rem3A_21, %ne3A_22 : i32
    %lt3A = arith.constant 0 : i32
    %lt3A_24 = arith.cmpi slt, %rem3A_21, %lt3A : i32
    %lt3A_25 = arith.constant 0 : i32
    %lt3A_26 = arith.cmpi slt, %select_n3A_20, %lt3A_25 : i32
    %ne3A_27 = arith.xori %lt3A_24, %lt3A_26 : i1
    %and3A_28 = arith.andi %ne3A_27, %ne3A_23 : i1
    %add3A_29 = arith.addi %rem3A_21, %select_n3A_20 : i32
    %select_n3A_30 = arith.select %and3A_28, %add3A_29, %rem3A_21 : i32
    %jit3A_31 = arith.constant 4 : i32
    %div3A_32 = arith.divsi %select_n3A_30, %jit3A_31 : i32
    %sign3A_33 = arith.constant 0 : i32
    %sign3A_34 = arith.cmpi sgt, %select_n3A_30, %sign3A_33 : i32
    %sign3A_35 = arith.extui %sign3A_34 : i1 to i32
    %sign3A_36 = arith.constant 0 : i32
    %sign3A_37 = arith.cmpi slt, %select_n3A_30, %sign3A_36 : i32
    %sign3A_38 = arith.extui %sign3A_37 : i1 to i32
    %sign3A_39 = arith.subi %sign3A_35, %sign3A_38 : i32
    %sign3A_40 = arith.constant 0 : i32
    %sign3A_41 = arith.cmpi sgt, %jit3A_31, %sign3A_40 : i32
    %sign3A_42 = arith.extui %sign3A_41 : i1 to i32
    %sign3A_43 = arith.constant 0 : i32
    %sign3A_44 = arith.cmpi slt, %jit3A_31, %sign3A_43 : i32
    %sign3A_45 = arith.extui %sign3A_44 : i1 to i32
    %sign3A_46 = arith.subi %sign3A_42, %sign3A_45 : i32
    %ne3A_47 = arith.cmpi ne, %sign3A_39, %sign3A_46 : i32
    %rem3A_48 = arith.remsi %select_n3A_30, %jit3A_31 : i32
    %ne3A_49 = arith.constant 0 : i32
    %ne3A_50 = arith.cmpi ne, %rem3A_48, %ne3A_49 : i32
    %and3A_51 = arith.andi %ne3A_47, %ne3A_50 : i1
    %sub3A_52 = arith.constant 1 : i32
    %sub3A_53 = arith.subi %div3A_32, %sub3A_52 : i32
    %select_n3A_54 = arith.select %and3A_51, %sub3A_53, %div3A_32 : i32
    %jit3A_55 = arith.constant 4 : i32
    %eq3A_56 = arith.constant 0 : i32
    %eq3A_57 = arith.cmpi eq, %jit3A_55, %eq3A_56 : i32
    %jit3A_58 = arith.constant 1 : i32
    %select_n3A_59 = arith.select %eq3A_57, %jit3A_58, %jit3A_55 : i32
    %rem3A_60 = arith.remsi %add3A, %select_n3A_59 : i32
    %ne3A_61 = arith.constant 0 : i32
    %ne3A_62 = arith.cmpi ne, %rem3A_60, %ne3A_61 : i32
    %lt3A_63 = arith.constant 0 : i32
    %lt3A_64 = arith.cmpi slt, %rem3A_60, %lt3A_63 : i32
    %lt3A_65 = arith.constant 0 : i32
    %lt3A_66 = arith.cmpi slt, %select_n3A_59, %lt3A_65 : i32
    %ne3A_67 = arith.xori %lt3A_64, %lt3A_66 : i1
    %and3A_68 = arith.andi %ne3A_67, %ne3A_62 : i1
    %add3A_69 = arith.addi %rem3A_60, %select_n3A_59 : i32
    %select_n3A_70 = arith.select %and3A_68, %add3A_69, %rem3A_60 : i32
    %mul3A_71 = arith.constant 4 : i32
    %mul3A_72 = arith.muli %select_n3A, %mul3A_71 : i32
    %add3A_73 = arith.addi %mul3A_72, %select_n3A_70 : i32
    %dma_start3A = arith.constant 0 : i32
    %dma_start3A_74 = tpu.memref_slice %arg2[%add3A_73, %dma_start3A] : memref<16x9792xf32, #tpu.memory_space<hbm>> -> memref<1x9792xf32, #tpu.memory_space<hbm>>
    %dma_start3A_75 = tpu.memref_squeeze %dma_start3A_74 : memref<1x9792xf32, #tpu.memory_space<hbm>> -> memref<9792xf32, #tpu.memory_space<hbm>>
    %dma_start3A_76 = arith.constant 0 : i32
    %dma_start3A_77 = tpu.memref_slice %arg2[%add3A_73, %dma_start3A_76] : memref<16x9792xf32, #tpu.memory_space<hbm>> -> memref<1x9792xf32, #tpu.memory_space<hbm>>
    %dma_start3A_78 = tpu.memref_squeeze %dma_start3A_77 : memref<1x9792xf32, #tpu.memory_space<hbm>> -> memref<9792xf32, #tpu.memory_space<hbm>>
    tpu.enqueue_dma source(%dma_start3A_78 : memref<9792xf32, #tpu.memory_space<hbm>>) target(%arg8 : memref<9792xf32, #tpu.memory_space<vmem>>) target_semaphore(%arg14 : memref<!tpu.dma_semaphore, #tpu.memory_space<semaphore_mem>>)
    %mul3A_79 = arith.constant 4 : i32
    %mul3A_80 = arith.muli %select_n3A, %mul3A_79 : i32
    %add3A_81 = arith.addi %mul3A_80, %select_n3A_70 : i32
    %dma_start3A_82 = arith.constant 0 : i32
    %dma_start3A_83 = tpu.memref_slice %arg3[%add3A_81, %dma_start3A_82] : memref<16x4608xi32, #tpu.memory_space<hbm>> -> memref<1x4608xi32, #tpu.memory_space<hbm>>
    %dma_start3A_84 = tpu.memref_squeeze %dma_start3A_83 : memref<1x4608xi32, #tpu.memory_space<hbm>> -> memref<4608xi32, #tpu.memory_space<hbm>>
    %dma_start3A_85 = arith.constant 0 : i32
    %dma_start3A_86 = tpu.memref_slice %arg3[%add3A_81, %dma_start3A_85] : memref<16x4608xi32, #tpu.memory_space<hbm>> -> memref<1x4608xi32, #tpu.memory_space<hbm>>
    %dma_start3A_87 = tpu.memref_squeeze %dma_start3A_86 : memref<1x4608xi32, #tpu.memory_space<hbm>> -> memref<4608xi32, #tpu.memory_space<hbm>>
    tpu.enqueue_dma source(%dma_start3A_87 : memref<4608xi32, #tpu.memory_space<hbm>>) target(%arg9 : memref<4608xi32, #tpu.memory_space<vmem>>) target_semaphore(%arg15 : memref<!tpu.dma_semaphore, #tpu.memory_space<semaphore_mem>>)
    "tpu.region"() ({
      %run_scoped3A = tpu.sem_alloc : memref<!tpu.dma_semaphore, #tpu.memory_space<semaphore_mem>>
      tpu.enqueue_dma source(%arg4 : memref<96xi32, #tpu.memory_space<hbm>>) target(%arg10 : memref<96xi32, #tpu.memory_space<vmem>>) target_semaphore(%run_scoped3A : memref<!tpu.dma_semaphore, #tpu.memory_space<semaphore_mem>>)
      tpu.wait_dma2 semaphore(%run_scoped3A : memref<!tpu.dma_semaphore, #tpu.memory_space<semaphore_mem>>) src(%arg4 : memref<96xi32, #tpu.memory_space<hbm>>) dst(%arg10 : memref<96xi32, #tpu.memory_space<vmem>>)
      tpu.yield
    }) : () -> ()
    "tpu.region"() ({
      %run_scoped3A = tpu.sem_alloc : memref<!tpu.dma_semaphore, #tpu.memory_space<semaphore_mem>>
      tpu.enqueue_dma source(%arg5 : memref<48xf32, #tpu.memory_space<hbm>>) target(%arg11 : memref<48xf32, #tpu.memory_space<vmem>>) target_semaphore(%run_scoped3A : memref<!tpu.dma_semaphore, #tpu.memory_space<semaphore_mem>>)
      tpu.wait_dma2 semaphore(%run_scoped3A : memref<!tpu.dma_semaphore, #tpu.memory_space<semaphore_mem>>) src(%arg5 : memref<48xf32, #tpu.memory_space<hbm>>) dst(%arg11 : memref<48xf32, #tpu.memory_space<vmem>>)
      tpu.yield
    }) : () -> ()
    "tpu.region"() ({
      %run_scoped3A = tpu.sem_alloc : memref<!tpu.dma_semaphore, #tpu.memory_space<semaphore_mem>>
      tpu.enqueue_dma source(%arg6 : memref<16xf32, #tpu.memory_space<hbm>>) target(%arg12 : memref<16xf32, #tpu.memory_space<vmem>>) target_semaphore(%run_scoped3A : memref<!tpu.dma_semaphore, #tpu.memory_space<semaphore_mem>>)
      tpu.wait_dma2 semaphore(%run_scoped3A : memref<!tpu.dma_semaphore, #tpu.memory_space<semaphore_mem>>) src(%arg6 : memref<16xf32, #tpu.memory_space<hbm>>) dst(%arg12 : memref<16xf32, #tpu.memory_space<vmem>>)
      tpu.yield
    }) : () -> ()
    %dma_wait3A = arith.constant 0 : i32
    %dma_wait3A_88 = tpu.memref_slice %arg2[%add3A_73, %dma_wait3A] : memref<16x9792xf32, #tpu.memory_space<hbm>> -> memref<1x9792xf32, #tpu.memory_space<hbm>>
    %dma_wait3A_89 = tpu.memref_squeeze %dma_wait3A_88 : memref<1x9792xf32, #tpu.memory_space<hbm>> -> memref<9792xf32, #tpu.memory_space<hbm>>
    %dma_wait3A_90 = arith.constant 0 : i32
    %dma_wait3A_91 = tpu.memref_slice %arg2[%add3A_73, %dma_wait3A_90] : memref<16x9792xf32, #tpu.memory_space<hbm>> -> memref<1x9792xf32, #tpu.memory_space<hbm>>
    %dma_wait3A_92 = tpu.memref_squeeze %dma_wait3A_91 : memref<1x9792xf32, #tpu.memory_space<hbm>> -> memref<9792xf32, #tpu.memory_space<hbm>>
    tpu.wait_dma2 semaphore(%arg14 : memref<!tpu.dma_semaphore, #tpu.memory_space<semaphore_mem>>) src(%dma_wait3A_92 : memref<9792xf32, #tpu.memory_space<hbm>>) dst(%arg8 : memref<9792xf32, #tpu.memory_space<vmem>>)
    %dma_wait3A_93 = arith.constant 0 : i32
    %dma_wait3A_94 = tpu.memref_slice %arg3[%add3A_81, %dma_wait3A_93] : memref<16x4608xi32, #tpu.memory_space<hbm>> -> memref<1x4608xi32, #tpu.memory_space<hbm>>
    %dma_wait3A_95 = tpu.memref_squeeze %dma_wait3A_94 : memref<1x4608xi32, #tpu.memory_space<hbm>> -> memref<4608xi32, #tpu.memory_space<hbm>>
    %dma_wait3A_96 = arith.constant 0 : i32
    %dma_wait3A_97 = tpu.memref_slice %arg3[%add3A_81, %dma_wait3A_96] : memref<16x4608xi32, #tpu.memory_space<hbm>> -> memref<1x4608xi32, #tpu.memory_space<hbm>>
    %dma_wait3A_98 = tpu.memref_squeeze %dma_wait3A_97 : memref<1x4608xi32, #tpu.memory_space<hbm>> -> memref<4608xi32, #tpu.memory_space<hbm>>
    tpu.wait_dma2 semaphore(%arg15 : memref<!tpu.dma_semaphore, #tpu.memory_space<semaphore_mem>>) src(%dma_wait3A_98 : memref<4608xi32, #tpu.memory_space<hbm>>) dst(%arg9 : memref<4608xi32, #tpu.memory_space<vmem>>)
    %iota3A = tpu.iota {dimensions = array<i32: 0>} : vector<16xi32>
    %mul3A_99 = arith.constant 17 : i32
    %mul3A_100 = vector.broadcast %mul3A_99 : i32 to vector<16xi32>
    %mul3A_101 = arith.muli %iota3A, %mul3A_100 : vector<16xi32>
    %mul3A_102 = arith.constant 8 : i32
    %mul3A_103 = vector.broadcast %mul3A_102 : i32 to vector<16xi32>
    %mul3A_104 = arith.muli %iota3A, %mul3A_103 : vector<16xi32>
    %mul3A_105 = arith.constant 4 : i32
    %mul3A_106 = arith.muli %mul3A_105, %select_n3A_54 : i32
    %add3A_107 = arith.constant 0 : i32
    %add3A_108 = arith.addi %mul3A_106, %add3A_107 : i32
    %mul3A_109 = arith.constant 12 : i32
    %mul3A_110 = arith.muli %mul3A_109, %add3A_108 : i32
    %add3A_111 = arith.constant 0 : i32
    %add3A_112 = arith.addi %mul3A_110, %add3A_111 : i32
    %broadcast_in_dim3A = arith.constant 0 : i32
    %broadcast_in_dim3A_113 = vector.broadcast %broadcast_in_dim3A : i32 to vector<16xi32>
    %add3A_114 = vector.broadcast %add3A_112 : i32 to vector<16xi32>
    %add3A_115 = arith.addi %broadcast_in_dim3A_113, %add3A_114 : vector<16xi32>
    %gather3A = tpu.vector_load_idx %arg10[%add3A_115] : memref<96xi32, #tpu.memory_space<vmem>>[vector<16xi32>], vector<16xi32>,
    %add3A_116 = arith.addi %mul3A_101, %gather3A : vector<16xi32>
    %mul3A_117 = arith.constant 12 : i32
    %mul3A_118 = arith.muli %mul3A_117, %add3A_108 : i32
    %add3A_119 = arith.constant 2 : i32
    %add3A_120 = arith.addi %mul3A_118, %add3A_119 : i32
    %broadcast_in_dim3A_121 = arith.constant 0 : i32
    %broadcast_in_dim3A_122 = vector.broadcast %broadcast_in_dim3A_121 : i32 to vector<16xi32>
    %add3A_123 = vector.broadcast %add3A_120 : i32 to vector<16xi32>
    %add3A_124 = arith.addi %broadcast_in_dim3A_122, %add3A_123 : vector<16xi32>
    %gather3A_125 = tpu.vector_load_idx %arg10[%add3A_124] : memref<96xi32, #tpu.memory_space<vmem>>[vector<16xi32>], vector<16xi32>,
    %add3A_126 = arith.addi %mul3A_101, %gather3A_125 : vector<16xi32>
    %mul3A_127 = arith.constant 12 : i32
    %mul3A_128 = arith.muli %mul3A_127, %add3A_108 : i32
    %add3A_129 = arith.constant 4 : i32
    %add3A_130 = arith.addi %mul3A_128, %add3A_129 : i32
    %broadcast_in_dim3A_131 = arith.constant 0 : i32
    %broadcast_in_dim3A_132 = vector.broadcast %broadcast_in_dim3A_131 : i32 to vector<16xi32>
    %add3A_133 = vector.broadcast %add3A_130 : i32 to vector<16xi32>
    %add3A_134 = arith.addi %broadcast_in_dim3A_132, %add3A_133 : vector<16xi32>
    %gather3A_135 = tpu.vector_load_idx %arg10[%add3A_134] : memref<96xi32, #tpu.memory_space<vmem>>[vector<16xi32>], vector<16xi32>,
    %add3A_136 = arith.addi %mul3A_101, %gather3A_135 : vector<16xi32>
    %mul3A_137 = arith.constant 12 : i32
    %mul3A_138 = arith.muli %mul3A_137, %add3A_108 : i32
    %add3A_139 = arith.constant 6 : i32
    %add3A_140 = arith.addi %mul3A_138, %add3A_139 : i32
    %broadcast_in_dim3A_141 = arith.constant 0 : i32
    %broadcast_in_dim3A_142 = vector.broadcast %broadcast_in_dim3A_141 : i32 to vector<16xi32>
    %add3A_143 = vector.broadcast %add3A_140 : i32 to vector<16xi32>
    %add3A_144 = arith.addi %broadcast_in_dim3A_142, %add3A_143 : vector<16xi32>
    %gather3A_145 = tpu.vector_load_idx %arg10[%add3A_144] : memref<96xi32, #tpu.memory_space<vmem>>[vector<16xi32>], vector<16xi32>,
    %add3A_146 = arith.addi %mul3A_101, %gather3A_145 : vector<16xi32>
    %mul3A_147 = arith.constant 12 : i32
    %mul3A_148 = arith.muli %mul3A_147, %add3A_108 : i32
    %add3A_149 = arith.constant 8 : i32
    %add3A_150 = arith.addi %mul3A_148, %add3A_149 : i32
    %broadcast_in_dim3A_151 = arith.constant 0 : i32
    %broadcast_in_dim3A_152 = vector.broadcast %broadcast_in_dim3A_151 : i32 to vector<16xi32>
    %add3A_153 = vector.broadcast %add3A_150 : i32 to vector<16xi32>
    %add3A_154 = arith.addi %broadcast_in_dim3A_152, %add3A_153 : vector<16xi32>
    %gather3A_155 = tpu.vector_load_idx %arg10[%add3A_154] : memref<96xi32, #tpu.memory_space<vmem>>[vector<16xi32>], vector<16xi32>,
    %add3A_156 = arith.addi %mul3A_101, %gather3A_155 : vector<16xi32>
    %mul3A_157 = arith.constant 12 : i32
    %mul3A_158 = arith.muli %mul3A_157, %add3A_108 : i32
    %add3A_159 = arith.constant 10 : i32
    %add3A_160 = arith.addi %mul3A_158, %add3A_159 : i32
    %broadcast_in_dim3A_161 = arith.constant 0 : i32
    %broadcast_in_dim3A_162 = vector.broadcast %broadcast_in_dim3A_161 : i32 to vector<16xi32>
    %add3A_163 = vector.broadcast %add3A_160 : i32 to vector<16xi32>
    %add3A_164 = arith.addi %broadcast_in_dim3A_162, %add3A_163 : vector<16xi32>
    %gather3A_165 = tpu.vector_load_idx %arg10[%add3A_164] : memref<96xi32, #tpu.memory_space<vmem>>[vector<16xi32>], vector<16xi32>,
    %add3A_166 = arith.addi %mul3A_101, %gather3A_165 : vector<16xi32>
    %mul3A_167 = arith.constant 12 : i32
    %mul3A_168 = arith.muli %mul3A_167, %add3A_108 : i32
    %add3A_169 = arith.constant 0 : i32
    %add3A_170 = arith.addi %mul3A_168, %add3A_169 : i32
    %add3A_171 = arith.constant 1 : i32
    %add3A_172 = arith.addi %add3A_170, %add3A_171 : i32
    %broadcast_in_dim3A_173 = arith.constant 0 : i32
    %broadcast_in_dim3A_174 = vector.broadcast %broadcast_in_dim3A_173 : i32 to vector<16xi32>
    %add3A_175 = vector.broadcast %add3A_172 : i32 to vector<16xi32>
    %add3A_176 = arith.addi %broadcast_in_dim3A_174, %add3A_175 : vector<16xi32>
    %gather3A_177 = tpu.vector_load_idx %arg10[%add3A_176] : memref<96xi32, #tpu.memory_space<vmem>>[vector<16xi32>], vector<16xi32>,
    %add3A_178 = arith.addi %mul3A_101, %gather3A_177 : vector<16xi32>
    %mul3A_179 = arith.constant 12 : i32
    %mul3A_180 = arith.muli %mul3A_179, %add3A_108 : i32
    %add3A_181 = arith.constant 2 : i32
    %add3A_182 = arith.addi %mul3A_180, %add3A_181 : i32
    %add3A_183 = arith.constant 1 : i32
    %add3A_184 = arith.addi %add3A_182, %add3A_183 : i32
    %broadcast_in_dim3A_185 = arith.constant 0 : i32
    %broadcast_in_dim3A_186 = vector.broadcast %broadcast_in_dim3A_185 : i32 to vector<16xi32>
    %add3A_187 = vector.broadcast %add3A_184 : i32 to vector<16xi32>
    %add3A_188 = arith.addi %broadcast_in_dim3A_186, %add3A_187 : vector<16xi32>
    %gather3A_189 = tpu.vector_load_idx %arg10[%add3A_188] : memref<96xi32, #tpu.memory_space<vmem>>[vector<16xi32>], vector<16xi32>,
    %add3A_190 = arith.addi %mul3A_101, %gather3A_189 : vector<16xi32>
    %mul3A_191 = arith.constant 12 : i32
    %mul3A_192 = arith.muli %mul3A_191, %add3A_108 : i32
    %add3A_193 = arith.constant 4 : i32
    %add3A_194 = arith.addi %mul3A_192, %add3A_193 : i32
    %add3A_195 = arith.constant 1 : i32
    %add3A_196 = arith.addi %add3A_194, %add3A_195 : i32
    %broadcast_in_dim3A_197 = arith.constant 0 : i32
    %broadcast_in_dim3A_198 = vector.broadcast %broadcast_in_dim3A_197 : i32 to vector<16xi32>
    %add3A_199 = vector.broadcast %add3A_196 : i32 to vector<16xi32>
    %add3A_200 = arith.addi %broadcast_in_dim3A_198, %add3A_199 : vector<16xi32>
    %gather3A_201 = tpu.vector_load_idx %arg10[%add3A_200] : memref<96xi32, #tpu.memory_space<vmem>>[vector<16xi32>], vector<16xi32>,
    %add3A_202 = arith.addi %mul3A_101, %gather3A_201 : vector<16xi32>
    %mul3A_203 = arith.constant 12 : i32
    %mul3A_204 = arith.muli %mul3A_203, %add3A_108 : i32
    %add3A_205 = arith.constant 6 : i32
    %add3A_206 = arith.addi %mul3A_204, %add3A_205 : i32
    %add3A_207 = arith.constant 1 : i32
    %add3A_208 = arith.addi %add3A_206, %add3A_207 : i32
    %broadcast_in_dim3A_209 = arith.constant 0 : i32
    %broadcast_in_dim3A_210 = vector.broadcast %broadcast_in_dim3A_209 : i32 to vector<16xi32>
    %add3A_211 = vector.broadcast %add3A_208 : i32 to vector<16xi32>
    %add3A_212 = arith.addi %broadcast_in_dim3A_210, %add3A_211 : vector<16xi32>
    %gather3A_213 = tpu.vector_load_idx %arg10[%add3A_212] : memref<96xi32, #tpu.memory_space<vmem>>[vector<16xi32>], vector<16xi32>,
    %add3A_214 = arith.addi %mul3A_101, %gather3A_213 : vector<16xi32>
    %mul3A_215 = arith.constant 12 : i32
    %mul3A_216 = arith.muli %mul3A_215, %add3A_108 : i32
    %add3A_217 = arith.constant 8 : i32
    %add3A_218 = arith.addi %mul3A_216, %add3A_217 : i32
    %add3A_219 = arith.constant 1 : i32
    %add3A_220 = arith.addi %add3A_218, %add3A_219 : i32
    %broadcast_in_dim3A_221 = arith.constant 0 : i32
    %broadcast_in_dim3A_222 = vector.broadcast %broadcast_in_dim3A_221 : i32 to vector<16xi32>
    %add3A_223 = vector.broadcast %add3A_220 : i32 to vector<16xi32>
    %add3A_224 = arith.addi %broadcast_in_dim3A_222, %add3A_223 : vector<16xi32>
    %gather3A_225 = tpu.vector_load_idx %arg10[%add3A_224] : memref<96xi32, #tpu.memory_space<vmem>>[vector<16xi32>], vector<16xi32>,
    %add3A_226 = arith.addi %mul3A_101, %gather3A_225 : vector<16xi32>
    %mul3A_227 = arith.constant 12 : i32
    %mul3A_228 = arith.muli %mul3A_227, %add3A_108 : i32
    %add3A_229 = arith.constant 10 : i32
    %add3A_230 = arith.addi %mul3A_228, %add3A_229 : i32
    %add3A_231 = arith.constant 1 : i32
    %add3A_232 = arith.addi %add3A_230, %add3A_231 : i32
    %broadcast_in_dim3A_233 = arith.constant 0 : i32
    %broadcast_in_dim3A_234 = vector.broadcast %broadcast_in_dim3A_233 : i32 to vector<16xi32>
    %add3A_235 = vector.broadcast %add3A_232 : i32 to vector<16xi32>
    %add3A_236 = arith.addi %broadcast_in_dim3A_234, %add3A_235 : vector<16xi32>
    %gather3A_237 = tpu.vector_load_idx %arg10[%add3A_236] : memref<96xi32, #tpu.memory_space<vmem>>[vector<16xi32>], vector<16xi32>,
    %add3A_238 = arith.addi %mul3A_101, %gather3A_237 : vector<16xi32>
    %mul3A_239 = arith.constant 6 : i32
    %mul3A_240 = arith.muli %mul3A_239, %add3A_108 : i32
    %add3A_241 = arith.constant 0 : i32
    %add3A_242 = arith.addi %mul3A_240, %add3A_241 : i32
    %broadcast_in_dim3A_243 = arith.constant 0 : i32
    %broadcast_in_dim3A_244 = vector.broadcast %broadcast_in_dim3A_243 : i32 to vector<16xi32>
    %add3A_245 = vector.broadcast %add3A_242 : i32 to vector<16xi32>
    %add3A_246 = arith.addi %broadcast_in_dim3A_244, %add3A_245 : vector<16xi32>
    %gather3A_247 = tpu.vector_load_idx %arg11[%add3A_246] : memref<48xf32, #tpu.memory_space<vmem>>[vector<16xi32>], vector<16xf32>,
    %mul3A_248 = arith.constant 6 : i32
    %mul3A_249 = arith.muli %mul3A_248, %add3A_108 : i32
    %add3A_250 = arith.constant 1 : i32
    %add3A_251 = arith.addi %mul3A_249, %add3A_250 : i32
    %broadcast_in_dim3A_252 = arith.constant 0 : i32
    %broadcast_in_dim3A_253 = vector.broadcast %broadcast_in_dim3A_252 : i32 to vector<16xi32>
    %add3A_254 = vector.broadcast %add3A_251 : i32 to vector<16xi32>
    %add3A_255 = arith.addi %broadcast_in_dim3A_253, %add3A_254 : vector<16xi32>
    %gather3A_256 = tpu.vector_load_idx %arg11[%add3A_255] : memref<48xf32, #tpu.memory_space<vmem>>[vector<16xi32>], vector<16xf32>,
    %mul3A_257 = arith.constant 6 : i32
    %mul3A_258 = arith.muli %mul3A_257, %add3A_108 : i32
    %add3A_259 = arith.constant 2 : i32
    %add3A_260 = arith.addi %mul3A_258, %add3A_259 : i32
    %broadcast_in_dim3A_261 = arith.constant 0 : i32
    %broadcast_in_dim3A_262 = vector.broadcast %broadcast_in_dim3A_261 : i32 to vector<16xi32>
    %add3A_263 = vector.broadcast %add3A_260 : i32 to vector<16xi32>
    %add3A_264 = arith.addi %broadcast_in_dim3A_262, %add3A_263 : vector<16xi32>
    %gather3A_265 = tpu.vector_load_idx %arg11[%add3A_264] : memref<48xf32, #tpu.memory_space<vmem>>[vector<16xi32>], vector<16xf32>,
    %mul3A_266 = arith.constant 6 : i32
    %mul3A_267 = arith.muli %mul3A_266, %add3A_108 : i32
    %add3A_268 = arith.constant 3 : i32
    %add3A_269 = arith.addi %mul3A_267, %add3A_268 : i32
    %broadcast_in_dim3A_270 = arith.constant 0 : i32
    %broadcast_in_dim3A_271 = vector.broadcast %broadcast_in_dim3A_270 : i32 to vector<16xi32>
    %add3A_272 = vector.broadcast %add3A_269 : i32 to vector<16xi32>
    %add3A_273 = arith.addi %broadcast_in_dim3A_271, %add3A_272 : vector<16xi32>
    %gather3A_274 = tpu.vector_load_idx %arg11[%add3A_273] : memref<48xf32, #tpu.memory_space<vmem>>[vector<16xi32>], vector<16xf32>,
    %mul3A_275 = arith.constant 6 : i32
    %mul3A_276 = arith.muli %mul3A_275, %add3A_108 : i32
    %add3A_277 = arith.constant 4 : i32
    %add3A_278 = arith.addi %mul3A_276, %add3A_277 : i32
    %broadcast_in_dim3A_279 = arith.constant 0 : i32
    %broadcast_in_dim3A_280 = vector.broadcast %broadcast_in_dim3A_279 : i32 to vector<16xi32>
    %add3A_281 = vector.broadcast %add3A_278 : i32 to vector<16xi32>
    %add3A_282 = arith.addi %broadcast_in_dim3A_280, %add3A_281 : vector<16xi32>
    %gather3A_283 = tpu.vector_load_idx %arg11[%add3A_282] : memref<48xf32, #tpu.memory_space<vmem>>[vector<16xi32>], vector<16xf32>,
    %mul3A_284 = arith.constant 6 : i32
    %mul3A_285 = arith.muli %mul3A_284, %add3A_108 : i32
    %add3A_286 = arith.constant 5 : i32
    %add3A_287 = arith.addi %mul3A_285, %add3A_286 : i32
    %broadcast_in_dim3A_288 = arith.constant 0 : i32
    %broadcast_in_dim3A_289 = vector.broadcast %broadcast_in_dim3A_288 : i32 to vector<16xi32>
    %add3A_290 = vector.broadcast %add3A_287 : i32 to vector<16xi32>
    %add3A_291 = arith.addi %broadcast_in_dim3A_289, %add3A_290 : vector<16xi32>
    %gather3A_292 = tpu.vector_load_idx %arg11[%add3A_291] : memref<48xf32, #tpu.memory_space<vmem>>[vector<16xi32>], vector<16xf32>,
    %mul3A_293 = arith.constant 2 : i32
    %mul3A_294 = arith.muli %mul3A_293, %add3A_108 : i32
    %broadcast_in_dim3A_295 = arith.constant 0 : i32
    %broadcast_in_dim3A_296 = vector.broadcast %broadcast_in_dim3A_295 : i32 to vector<16xi32>
    %add3A_297 = vector.broadcast %mul3A_294 : i32 to vector<16xi32>
    %add3A_298 = arith.addi %broadcast_in_dim3A_296, %add3A_297 : vector<16xi32>
    %gather3A_299 = tpu.vector_load_idx %arg12[%add3A_298] : memref<16xf32, #tpu.memory_space<vmem>>[vector<16xi32>], vector<16xf32>,
    %mul3A_300 = arith.constant 2 : i32
    %mul3A_301 = arith.muli %mul3A_300, %add3A_108 : i32
    %add3A_302 = arith.constant 1 : i32
    %add3A_303 = arith.addi %mul3A_301, %add3A_302 : i32
    %broadcast_in_dim3A_304 = arith.constant 0 : i32
    %broadcast_in_dim3A_305 = vector.broadcast %broadcast_in_dim3A_304 : i32 to vector<16xi32>
    %add3A_306 = vector.broadcast %add3A_303 : i32 to vector<16xi32>
    %add3A_307 = arith.addi %broadcast_in_dim3A_305, %add3A_306 : vector<16xi32>
    %gather3A_308 = tpu.vector_load_idx %arg12[%add3A_307] : memref<16xf32, #tpu.memory_space<vmem>>[vector<16xi32>], vector<16xf32>,
    %scan3A = arith.constant 0 : i32
    %scan3A_309 = arith.constant 0 : i32
    %scan3A_310 = arith.constant 12 : i32
    %scan3A_311 = arith.addi %scan3A_309, %scan3A_310 : i32
    %scan3A_312 = arith.constant 1 : i32
    scf.for %scan3A_950 = %scan3A_309 to %scan3A_311 step %scan3A_312  : i32 {
      %mul3A_951 = arith.constant 816 : i32
      %mul3A_952 = arith.muli %scan3A_950, %mul3A_951 : i32
      %mul3A_953 = arith.constant 384 : i32
      %mul3A_954 = arith.muli %scan3A_950, %mul3A_953 : i32
      %add3A_955 = arith.addi %mul3A_954, %add3A_108 : i32
      %add3A_956 = vector.broadcast %mul3A_952 : i32 to vector<16xi32>
      %add3A_957 = arith.addi %add3A_116, %add3A_956 : vector<16xi32>
      %gather3A_958 = tpu.vector_load_idx %arg8[%add3A_957] : memref<9792xf32, #tpu.memory_space<vmem>>[vector<16xi32>], vector<16xf32>,
      %add3A_959 = arith.constant 272 : i32
      %add3A_960 = arith.addi %mul3A_952, %add3A_959 : i32
      %add3A_961 = vector.broadcast %add3A_960 : i32 to vector<16xi32>
      %add3A_962 = arith.addi %add3A_116, %add3A_961 : vector<16xi32>
      %gather3A_963 = tpu.vector_load_idx %arg8[%add3A_962] : memref<9792xf32, #tpu.memory_space<vmem>>[vector<16xi32>], vector<16xf32>,
      %max3A = arith.maximumf %gather3A_958, %gather3A_963 : vector<16xf32>
      %add3A_964 = arith.constant 544 : i32
      %add3A_965 = arith.addi %mul3A_952, %add3A_964 : i32
      %add3A_966 = vector.broadcast %add3A_965 : i32 to vector<16xi32>
      %add3A_967 = arith.addi %add3A_116, %add3A_966 : vector<16xi32>
      %gather3A_968 = tpu.vector_load_idx %arg8[%add3A_967] : memref<9792xf32, #tpu.memory_space<vmem>>[vector<16xi32>], vector<16xf32>,
      %max3A_969 = arith.maximumf %max3A, %gather3A_968 : vector<16xf32>
      %reduce_max3A = arith.constant true
      %reduce_max3A_970 = vector.broadcast %reduce_max3A : i1 to vector<16xi1>
      %reduce_max3A_971 = tpu.scan <max>, %max3A_969 masked %reduce_max3A_970 : vector<16xf32>, vector<16xi1> -> vector<16xf32>
      %reduce_max3A_972 = vector.extract %reduce_max3A_971[15] : f32 from vector<16xf32>
      %add3A_973 = vector.broadcast %mul3A_952 : i32 to vector<16xi32>
      %add3A_974 = arith.addi %add3A_126, %add3A_973 : vector<16xi32>
      %gather3A_975 = tpu.vector_load_idx %arg8[%add3A_974] : memref<9792xf32, #tpu.memory_space<vmem>>[vector<16xi32>], vector<16xf32>,
      %add3A_976 = arith.constant 272 : i32
      %add3A_977 = arith.addi %mul3A_952, %add3A_976 : i32
      %add3A_978 = vector.broadcast %add3A_977 : i32 to vector<16xi32>
      %add3A_979 = arith.addi %add3A_126, %add3A_978 : vector<16xi32>
      %gather3A_980 = tpu.vector_load_idx %arg8[%add3A_979] : memref<9792xf32, #tpu.memory_space<vmem>>[vector<16xi32>], vector<16xf32>,
      %max3A_981 = arith.maximumf %gather3A_975, %gather3A_980 : vector<16xf32>
      %add3A_982 = arith.constant 544 : i32
      %add3A_983 = arith.addi %mul3A_952, %add3A_982 : i32
      %add3A_984 = vector.broadcast %add3A_983 : i32 to vector<16xi32>
      %add3A_985 = arith.addi %add3A_126, %add3A_984 : vector<16xi32>
      %gather3A_986 = tpu.vector_load_idx %arg8[%add3A_985] : memref<9792xf32, #tpu.memory_space<vmem>>[vector<16xi32>], vector<16xf32>,
      %max3A_987 = arith.maximumf %max3A_981, %gather3A_986 : vector<16xf32>
      %reduce_max3A_988 = arith.constant true
      %reduce_max3A_989 = vector.broadcast %reduce_max3A_988 : i1 to vector<16xi1>
      %reduce_max3A_990 = tpu.scan <max>, %max3A_987 masked %reduce_max3A_989 : vector<16xf32>, vector<16xi1> -> vector<16xf32>
      %reduce_max3A_991 = vector.extract %reduce_max3A_990[15] : f32 from vector<16xf32>
      %add3A_992 = vector.broadcast %mul3A_952 : i32 to vector<16xi32>
      %add3A_993 = arith.addi %add3A_136, %add3A_992 : vector<16xi32>
      %gather3A_994 = tpu.vector_load_idx %arg8[%add3A_993] : memref<9792xf32, #tpu.memory_space<vmem>>[vector<16xi32>], vector<16xf32>,
      %add3A_995 = arith.constant 272 : i32
      %add3A_996 = arith.addi %mul3A_952, %add3A_995 : i32
      %add3A_997 = vector.broadcast %add3A_996 : i32 to vector<16xi32>
      %add3A_998 = arith.addi %add3A_136, %add3A_997 : vector<16xi32>
      %gather3A_999 = tpu.vector_load_idx %arg8[%add3A_998] : memref<9792xf32, #tpu.memory_space<vmem>>[vector<16xi32>], vector<16xf32>,
      %max3A_1000 = arith.maximumf %gather3A_994, %gather3A_999 : vector<16xf32>
      %add3A_1001 = arith.constant 544 : i32
      %add3A_1002 = arith.addi %mul3A_952, %add3A_1001 : i32
      %add3A_1003 = vector.broadcast %add3A_1002 : i32 to vector<16xi32>
      %add3A_1004 = arith.addi %add3A_136, %add3A_1003 : vector<16xi32>
      %gather3A_1005 = tpu.vector_load_idx %arg8[%add3A_1004] : memref<9792xf32, #tpu.memory_space<vmem>>[vector<16xi32>], vector<16xf32>,
      %max3A_1006 = arith.maximumf %max3A_1000, %gather3A_1005 : vector<16xf32>
      %reduce_max3A_1007 = arith.constant true
      %reduce_max3A_1008 = vector.broadcast %reduce_max3A_1007 : i1 to vector<16xi1>
      %reduce_max3A_1009 = tpu.scan <max>, %max3A_1006 masked %reduce_max3A_1008 : vector<16xf32>, vector<16xi1> -> vector<16xf32>
      %reduce_max3A_1010 = vector.extract %reduce_max3A_1009[15] : f32 from vector<16xf32>
      %add3A_1011 = vector.broadcast %mul3A_952 : i32 to vector<16xi32>
      %add3A_1012 = arith.addi %add3A_146, %add3A_1011 : vector<16xi32>
      %gather3A_1013 = tpu.vector_load_idx %arg8[%add3A_1012] : memref<9792xf32, #tpu.memory_space<vmem>>[vector<16xi32>], vector<16xf32>,
      %add3A_1014 = arith.constant 272 : i32
      %add3A_1015 = arith.addi %mul3A_952, %add3A_1014 : i32
      %add3A_1016 = vector.broadcast %add3A_1015 : i32 to vector<16xi32>
      %add3A_1017 = arith.addi %add3A_146, %add3A_1016 : vector<16xi32>
      %gather3A_1018 = tpu.vector_load_idx %arg8[%add3A_1017] : memref<9792xf32, #tpu.memory_space<vmem>>[vector<16xi32>], vector<16xf32>,
      %max3A_1019 = arith.maximumf %gather3A_1013, %gather3A_1018 : vector<16xf32>
      %add3A_1020 = arith.constant 544 : i32
      %add3A_1021 = arith.addi %mul3A_952, %add3A_1020 : i32
      %add3A_1022 = vector.broadcast %add3A_1021 : i32 to vector<16xi32>
      %add3A_1023 = arith.addi %add3A_146, %add3A_1022 : vector<16xi32>
      %gather3A_1024 = tpu.vector_load_idx %arg8[%add3A_1023] : memref<9792xf32, #tpu.memory_space<vmem>>[vector<16xi32>], vector<16xf32>,
      %max3A_1025 = arith.maximumf %max3A_1019, %gather3A_1024 : vector<16xf32>
      %reduce_max3A_1026 = arith.constant true
      %reduce_max3A_1027 = vector.broadcast %reduce_max3A_1026 : i1 to vector<16xi1>
      %reduce_max3A_1028 = tpu.scan <max>, %max3A_1025 masked %reduce_max3A_1027 : vector<16xf32>, vector<16xi1> -> vector<16xf32>
      %reduce_max3A_1029 = vector.extract %reduce_max3A_1028[15] : f32 from vector<16xf32>
      %add3A_1030 = vector.broadcast %mul3A_952 : i32 to vector<16xi32>
      %add3A_1031 = arith.addi %add3A_156, %add3A_1030 : vector<16xi32>
      %gather3A_1032 = tpu.vector_load_idx %arg8[%add3A_1031] : memref<9792xf32, #tpu.memory_space<vmem>>[vector<16xi32>], vector<16xf32>,
      %add3A_1033 = arith.constant 272 : i32
      %add3A_1034 = arith.addi %mul3A_952, %add3A_1033 : i32
      %add3A_1035 = vector.broadcast %add3A_1034 : i32 to vector<16xi32>
      %add3A_1036 = arith.addi %add3A_156, %add3A_1035 : vector<16xi32>
      %gather3A_1037 = tpu.vector_load_idx %arg8[%add3A_1036] : memref<9792xf32, #tpu.memory_space<vmem>>[vector<16xi32>], vector<16xf32>,
      %max3A_1038 = arith.maximumf %gather3A_1032, %gather3A_1037 : vector<16xf32>
      %add3A_1039 = arith.constant 544 : i32
      %add3A_1040 = arith.addi %mul3A_952, %add3A_1039 : i32
      %add3A_1041 = vector.broadcast %add3A_1040 : i32 to vector<16xi32>
      %add3A_1042 = arith.addi %add3A_156, %add3A_1041 : vector<16xi32>
      %gather3A_1043 = tpu.vector_load_idx %arg8[%add3A_1042] : memref<9792xf32, #tpu.memory_space<vmem>>[vector<16xi32>], vector<16xf32>,
      %max3A_1044 = arith.maximumf %max3A_1038, %gather3A_1043 : vector<16xf32>
      %reduce_max3A_1045 = arith.constant true
      %reduce_max3A_1046 = vector.broadcast %reduce_max3A_1045 : i1 to vector<16xi1>
      %reduce_max3A_1047 = tpu.scan <max>, %max3A_1044 masked %reduce_max3A_1046 : vector<16xf32>, vector<16xi1> -> vector<16xf32>
      %reduce_max3A_1048 = vector.extract %reduce_max3A_1047[15] : f32 from vector<16xf32>
      %add3A_1049 = vector.broadcast %mul3A_952 : i32 to vector<16xi32>
      %add3A_1050 = arith.addi %add3A_166, %add3A_1049 : vector<16xi32>
      %gather3A_1051 = tpu.vector_load_idx %arg8[%add3A_1050] : memref<9792xf32, #tpu.memory_space<vmem>>[vector<16xi32>], vector<16xf32>,
      %add3A_1052 = arith.constant 272 : i32
      %add3A_1053 = arith.addi %mul3A_952, %add3A_1052 : i32
      %add3A_1054 = vector.broadcast %add3A_1053 : i32 to vector<16xi32>
      %add3A_1055 = arith.addi %add3A_166, %add3A_1054 : vector<16xi32>
      %gather3A_1056 = tpu.vector_load_idx %arg8[%add3A_1055] : memref<9792xf32, #tpu.memory_space<vmem>>[vector<16xi32>], vector<16xf32>,
      %max3A_1057 = arith.maximumf %gather3A_1051, %gather3A_1056 : vector<16xf32>
      %add3A_1058 = arith.constant 544 : i32
      %add3A_1059 = arith.addi %mul3A_952, %add3A_1058 : i32
      %add3A_1060 = vector.broadcast %add3A_1059 : i32 to vector<16xi32>
      %add3A_1061 = arith.addi %add3A_166, %add3A_1060 : vector<16xi32>
      %gather3A_1062 = tpu.vector_load_idx %arg8[%add3A_1061] : memref<9792xf32, #tpu.memory_space<vmem>>[vector<16xi32>], vector<16xf32>,
      %max3A_1063 = arith.maximumf %max3A_1057, %gather3A_1062 : vector<16xf32>
      %reduce_max3A_1064 = arith.constant true
      %reduce_max3A_1065 = vector.broadcast %reduce_max3A_1064 : i1 to vector<16xi1>
      %reduce_max3A_1066 = tpu.scan <max>, %max3A_1063 masked %reduce_max3A_1065 : vector<16xf32>, vector<16xi1> -> vector<16xf32>
      %reduce_max3A_1067 = vector.extract %reduce_max3A_1066[15] : f32 from vector<16xf32>
      %add3A_1068 = arith.constant 0 : i32
      %add3A_1069 = arith.addi %mul3A_952, %add3A_1068 : i32
      %add3A_1070 = vector.broadcast %add3A_1069 : i32 to vector<16xi32>
      %add3A_1071 = arith.addi %add3A_178, %add3A_1070 : vector<16xi32>
      %gather3A_1072 = tpu.vector_load_idx %arg8[%add3A_1071] : memref<9792xf32, #tpu.memory_space<vmem>>[vector<16xi32>], vector<16xf32>,
      %add3A_1073 = vector.broadcast %reduce_max3A_972 : f32 to vector<16xf32>
      %add3A_1074 = arith.addf %gather3A_1072, %add3A_1073 : vector<16xf32>
      %exp3A = math.exp %add3A_1074 : vector<16xf32>
      %mul3A_1075 = arith.mulf %gather3A_247, %exp3A : vector<16xf32>
      %add3A_1076 = arith.addf %gather3A_299, %mul3A_1075 : vector<16xf32>
      %add3A_1077 = vector.broadcast %add3A_1069 : i32 to vector<16xi32>
      %add3A_1078 = arith.addi %add3A_190, %add3A_1077 : vector<16xi32>
      %gather3A_1079 = tpu.vector_load_idx %arg8[%add3A_1078] : memref<9792xf32, #tpu.memory_space<vmem>>[vector<16xi32>], vector<16xf32>,
      %add3A_1080 = vector.broadcast %reduce_max3A_991 : f32 to vector<16xf32>
      %add3A_1081 = arith.addf %gather3A_1079, %add3A_1080 : vector<16xf32>
      %exp3A_1082 = math.exp %add3A_1081 : vector<16xf32>
      %mul3A_1083 = arith.mulf %gather3A_256, %exp3A_1082 : vector<16xf32>
      %add3A_1084 = arith.addf %add3A_1076, %mul3A_1083 : vector<16xf32>
      %add3A_1085 = vector.broadcast %add3A_1069 : i32 to vector<16xi32>
      %add3A_1086 = arith.addi %add3A_202, %add3A_1085 : vector<16xi32>
      %gather3A_1087 = tpu.vector_load_idx %arg8[%add3A_1086] : memref<9792xf32, #tpu.memory_space<vmem>>[vector<16xi32>], vector<16xf32>,
      %add3A_1088 = vector.broadcast %reduce_max3A_1010 : f32 to vector<16xf32>
      %add3A_1089 = arith.addf %gather3A_1087, %add3A_1088 : vector<16xf32>
      %exp3A_1090 = math.exp %add3A_1089 : vector<16xf32>
      %mul3A_1091 = arith.mulf %gather3A_265, %exp3A_1090 : vector<16xf32>
      %add3A_1092 = arith.addf %add3A_1084, %mul3A_1091 : vector<16xf32>
      %add3A_1093 = vector.broadcast %add3A_1069 : i32 to vector<16xi32>
      %add3A_1094 = arith.addi %add3A_214, %add3A_1093 : vector<16xi32>
      %gather3A_1095 = tpu.vector_load_idx %arg8[%add3A_1094] : memref<9792xf32, #tpu.memory_space<vmem>>[vector<16xi32>], vector<16xf32>,
      %add3A_1096 = vector.broadcast %reduce_max3A_1029 : f32 to vector<16xf32>
      %add3A_1097 = arith.addf %gather3A_1095, %add3A_1096 : vector<16xf32>
      %exp3A_1098 = math.exp %add3A_1097 : vector<16xf32>
      %mul3A_1099 = arith.mulf %gather3A_274, %exp3A_1098 : vector<16xf32>
      %add3A_1100 = arith.addf %gather3A_308, %mul3A_1099 : vector<16xf32>
      %add3A_1101 = vector.broadcast %add3A_1069 : i32 to vector<16xi32>
      %add3A_1102 = arith.addi %add3A_226, %add3A_1101 : vector<16xi32>
      %gather3A_1103 = tpu.vector_load_idx %arg8[%add3A_1102] : memref<9792xf32, #tpu.memory_space<vmem>>[vector<16xi32>], vector<16xf32>,
      %add3A_1104 = vector.broadcast %reduce_max3A_1048 : f32 to vector<16xf32>
      %add3A_1105 = arith.addf %gather3A_1103, %add3A_1104 : vector<16xf32>
      %exp3A_1106 = math.exp %add3A_1105 : vector<16xf32>
      %mul3A_1107 = arith.mulf %gather3A_283, %exp3A_1106 : vector<16xf32>
      %add3A_1108 = arith.addf %add3A_1100, %mul3A_1107 : vector<16xf32>
      %add3A_1109 = vector.broadcast %add3A_1069 : i32 to vector<16xi32>
      %add3A_1110 = arith.addi %add3A_238, %add3A_1109 : vector<16xi32>
      %gather3A_1111 = tpu.vector_load_idx %arg8[%add3A_1110] : memref<9792xf32, #tpu.memory_space<vmem>>[vector<16xi32>], vector<16xf32>,
      %add3A_1112 = vector.broadcast %reduce_max3A_1067 : f32 to vector<16xf32>
      %add3A_1113 = arith.addf %gather3A_1111, %add3A_1112 : vector<16xf32>
      %exp3A_1114 = math.exp %add3A_1113 : vector<16xf32>
      %mul3A_1115 = arith.mulf %gather3A_292, %exp3A_1114 : vector<16xf32>
      %add3A_1116 = arith.addf %add3A_1108, %mul3A_1115 : vector<16xf32>
      %add3A_1117 = arith.constant 0 : i32
      %add3A_1118 = arith.addi %add3A_955, %add3A_1117 : i32
      %add3A_1119 = vector.broadcast %add3A_1118 : i32 to vector<16xi32>
      %add3A_1120 = arith.addi %mul3A_104, %add3A_1119 : vector<16xi32>
      %gather3A_1121 = tpu.vector_load_idx %arg9[%add3A_1120] : memref<4608xi32, #tpu.memory_space<vmem>>[vector<16xi32>], vector<16xi32>,
      %eq3A_1122 = arith.constant 0 : i32
      %eq3A_1123 = vector.broadcast %eq3A_1122 : i32 to vector<16xi32>
      %eq3A_1124 = arith.cmpi eq, %gather3A_1121, %eq3A_1123 : vector<16xi32>
      %select_n3A_1125 = arith.select %eq3A_1124, %add3A_1092, %add3A_1116 : vector<16xi1>, vector<16xf32>
      %mul3A_1126 = arith.constant 48 : i32
      %mul3A_1127 = arith.muli %scan3A_950, %mul3A_1126 : i32
      %add3A_1128 = arith.constant 0 : i32
      %add3A_1129 = arith.addi %add3A_1128, %mul3A_1127 : i32
      %add3A_1130 = arith.constant 0 : i32
      %add3A_1131 = arith.addi %add3A_1129, %add3A_1130 : i32
      %swap3A = arith.index_cast %add3A_1131 : i32 to index
      %swap3A_1132 = tpu.vector_load %arg13[%swap3A] {strides = array<i32>} : memref<2304xf32, #tpu.memory_space<vmem>>, vector<16xf32>,
      tpu.vector_store %arg13[%swap3A], %select_n3A_1125 {strides = array<i32>} : memref<2304xf32, #tpu.memory_space<vmem>>, vector<16xf32>,
      %add3A_1133 = arith.constant 272 : i32
      %add3A_1134 = arith.addi %mul3A_952, %add3A_1133 : i32
      %add3A_1135 = vector.broadcast %add3A_1134 : i32 to vector<16xi32>
      %add3A_1136 = arith.addi %add3A_178, %add3A_1135 : vector<16xi32>
      %gather3A_1137 = tpu.vector_load_idx %arg8[%add3A_1136] : memref<9792xf32, #tpu.memory_space<vmem>>[vector<16xi32>], vector<16xf32>,
      %add3A_1138 = vector.broadcast %reduce_max3A_972 : f32 to vector<16xf32>
      %add3A_1139 = arith.addf %gather3A_1137, %add3A_1138 : vector<16xf32>
      %exp3A_1140 = math.exp %add3A_1139 : vector<16xf32>
      %mul3A_1141 = arith.mulf %gather3A_247, %exp3A_1140 : vector<16xf32>
      %add3A_1142 = arith.addf %gather3A_299, %mul3A_1141 : vector<16xf32>
      %add3A_1143 = vector.broadcast %add3A_1134 : i32 to vector<16xi32>
      %add3A_1144 = arith.addi %add3A_190, %add3A_1143 : vector<16xi32>
      %gather3A_1145 = tpu.vector_load_idx %arg8[%add3A_1144] : memref<9792xf32, #tpu.memory_space<vmem>>[vector<16xi32>], vector<16xf32>,
      %add3A_1146 = vector.broadcast %reduce_max3A_991 : f32 to vector<16xf32>
      %add3A_1147 = arith.addf %gather3A_1145, %add3A_1146 : vector<16xf32>
      %exp3A_1148 = math.exp %add3A_1147 : vector<16xf32>
      %mul3A_1149 = arith.mulf %gather3A_256, %exp3A_1148 : vector<16xf32>
      %add3A_1150 = arith.addf %add3A_1142, %mul3A_1149 : vector<16xf32>
      %add3A_1151 = vector.broadcast %add3A_1134 : i32 to vector<16xi32>
      %add3A_1152 = arith.addi %add3A_202, %add3A_1151 : vector<16xi32>
      %gather3A_1153 = tpu.vector_load_idx %arg8[%add3A_1152] : memref<9792xf32, #tpu.memory_space<vmem>>[vector<16xi32>], vector<16xf32>,
      %add3A_1154 = vector.broadcast %reduce_max3A_1010 : f32 to vector<16xf32>
      %add3A_1155 = arith.addf %gather3A_1153, %add3A_1154 : vector<16xf32>
      %exp3A_1156 = math.exp %add3A_1155 : vector<16xf32>
      %mul3A_1157 = arith.mulf %gather3A_265, %exp3A_1156 : vector<16xf32>
      %add3A_1158 = arith.addf %add3A_1150, %mul3A_1157 : vector<16xf32>
      %add3A_1159 = vector.broadcast %add3A_1134 : i32 to vector<16xi32>
      %add3A_1160 = arith.addi %add3A_214, %add3A_1159 : vector<16xi32>
      %gather3A_1161 = tpu.vector_load_idx %arg8[%add3A_1160] : memref<9792xf32, #tpu.memory_space<vmem>>[vector<16xi32>], vector<16xf32>,
      %add3A_1162 = vector.broadcast %reduce_max3A_1029 : f32 to vector<16xf32>
      %add3A_1163 = arith.addf %gather3A_1161, %add3A_1162 : vector<16xf32>
      %exp3A_1164 = math.exp %add3A_1163 : vector<16xf32>
      %mul3A_1165 = arith.mulf %gather3A_274, %exp3A_1164 : vector<16xf32>
      %add3A_1166 = arith.addf %gather3A_308, %mul3A_1165 : vector<16xf32>
      %add3A_1167 = vector.broadcast %add3A_1134 : i32 to vector<16xi32>
      %add3A_1168 = arith.addi %add3A_226, %add3A_1167 : vector<16xi32>
      %gather3A_1169 = tpu.vector_load_idx %arg8[%add3A_1168] : memref<9792xf32, #tpu.memory_space<vmem>>[vector<16xi32>], vector<16xf32>,
      %add3A_1170 = vector.broadcast %reduce_max3A_1048 : f32 to vector<16xf32>
      %add3A_1171 = arith.addf %gather3A_1169, %add3A_1170 : vector<16xf32>
      %exp3A_1172 = math.exp %add3A_1171 : vector<16xf32>
      %mul3A_1173 = arith.mulf %gather3A_283, %exp3A_1172 : vector<16xf32>
      %add3A_1174 = arith.addf %add3A_1166, %mul3A_1173 : vector<16xf32>
      %add3A_1175 = vector.broadcast %add3A_1134 : i32 to vector<16xi32>
      %add3A_1176 = arith.addi %add3A_238, %add3A_1175 : vector<16xi32>
      %gather3A_1177 = tpu.vector_load_idx %arg8[%add3A_1176] : memref<9792xf32, #tpu.memory_space<vmem>>[vector<16xi32>], vector<16xf32>,
      %add3A_1178 = vector.broadcast %reduce_max3A_1067 : f32 to vector<16xf32>
      %add3A_1179 = arith.addf %gather3A_1177, %add3A_1178 : vector<16xf32>
      %exp3A_1180 = math.exp %add3A_1179 : vector<16xf32>
      %mul3A_1181 = arith.mulf %gather3A_292, %exp3A_1180 : vector<16xf32>
      %add3A_1182 = arith.addf %add3A_1174, %mul3A_1181 : vector<16xf32>
      %add3A_1183 = arith.constant 128 : i32
      %add3A_1184 = arith.addi %add3A_955, %add3A_1183 : i32
      %add3A_1185 = vector.broadcast %add3A_1184 : i32 to vector<16xi32>
      %add3A_1186 = arith.addi %mul3A_104, %add3A_1185 : vector<16xi32>
      %gather3A_1187 = tpu.vector_load_idx %arg9[%add3A_1186] : memref<4608xi32, #tpu.memory_space<vmem>>[vector<16xi32>], vector<16xi32>,
      %eq3A_1188 = arith.constant 0 : i32
      %eq3A_1189 = vector.broadcast %eq3A_1188 : i32 to vector<16xi32>
      %eq3A_1190 = arith.cmpi eq, %gather3A_1187, %eq3A_1189 : vector<16xi32>
      %select_n3A_1191 = arith.select %eq3A_1190, %add3A_1158, %add3A_1182 : vector<16xi1>, vector<16xf32>
      %mul3A_1192 = arith.constant 48 : i32
      %mul3A_1193 = arith.muli %scan3A_950, %mul3A_1192 : i32
      %add3A_1194 = arith.constant 0 : i32
      %add3A_1195 = arith.addi %add3A_1194, %mul3A_1193 : i32
      %add3A_1196 = arith.constant 16 : i32
      %add3A_1197 = arith.addi %add3A_1195, %add3A_1196 : i32
      %swap3A_1198 = arith.index_cast %add3A_1197 : i32 to index
      %swap3A_1199 = tpu.vector_load %arg13[%swap3A_1198] {strides = array<i32>} : memref<2304xf32, #tpu.memory_space<vmem>>, vector<16xf32>,
      tpu.vector_store %arg13[%swap3A_1198], %select_n3A_1191 {strides = array<i32>} : memref<2304xf32, #tpu.memory_space<vmem>>, vector<16xf32>,
      %add3A_1200 = arith.constant 544 : i32
      %add3A_1201 = arith.addi %mul3A_952, %add3A_1200 : i32
      %add3A_1202 = vector.broadcast %add3A_1201 : i32 to vector<16xi32>
      %add3A_1203 = arith.addi %add3A_178, %add3A_1202 : vector<16xi32>
      %gather3A_1204 = tpu.vector_load_idx %arg8[%add3A_1203] : memref<9792xf32, #tpu.memory_space<vmem>>[vector<16xi32>], vector<16xf32>,
      %add3A_1205 = vector.broadcast %reduce_max3A_972 : f32 to vector<16xf32>
      %add3A_1206 = arith.addf %gather3A_1204, %add3A_1205 : vector<16xf32>
      %exp3A_1207 = math.exp %add3A_1206 : vector<16xf32>
      %mul3A_1208 = arith.mulf %gather3A_247, %exp3A_1207 : vector<16xf32>
      %add3A_1209 = arith.addf %gather3A_299, %mul3A_1208 : vector<16xf32>
      %add3A_1210 = vector.broadcast %add3A_1201 : i32 to vector<16xi32>
      %add3A_1211 = arith.addi %add3A_190, %add3A_1210 : vector<16xi32>
      %gather3A_1212 = tpu.vector_load_idx %arg8[%add3A_1211] : memref<9792xf32, #tpu.memory_space<vmem>>[vector<16xi32>], vector<16xf32>,
      %add3A_1213 = vector.broadcast %reduce_max3A_991 : f32 to vector<16xf32>
      %add3A_1214 = arith.addf %gather3A_1212, %add3A_1213 : vector<16xf32>
      %exp3A_1215 = math.exp %add3A_1214 : vector<16xf32>
      %mul3A_1216 = arith.mulf %gather3A_256, %exp3A_1215 : vector<16xf32>
      %add3A_1217 = arith.addf %add3A_1209, %mul3A_1216 : vector<16xf32>
      %add3A_1218 = vector.broadcast %add3A_1201 : i32 to vector<16xi32>
      %add3A_1219 = arith.addi %add3A_202, %add3A_1218 : vector<16xi32>
      %gather3A_1220 = tpu.vector_load_idx %arg8[%add3A_1219] : memref<9792xf32, #tpu.memory_space<vmem>>[vector<16xi32>], vector<16xf32>,
      %add3A_1221 = vector.broadcast %reduce_max3A_1010 : f32 to vector<16xf32>
      %add3A_1222 = arith.addf %gather3A_1220, %add3A_1221 : vector<16xf32>
      %exp3A_1223 = math.exp %add3A_1222 : vector<16xf32>
      %mul3A_1224 = arith.mulf %gather3A_265, %exp3A_1223 : vector<16xf32>
      %add3A_1225 = arith.addf %add3A_1217, %mul3A_1224 : vector<16xf32>
      %add3A_1226 = vector.broadcast %add3A_1201 : i32 to vector<16xi32>
      %add3A_1227 = arith.addi %add3A_214, %add3A_1226 : vector<16xi32>
      %gather3A_1228 = tpu.vector_load_idx %arg8[%add3A_1227] : memref<9792xf32, #tpu.memory_space<vmem>>[vector<16xi32>], vector<16xf32>,
      %add3A_1229 = vector.broadcast %reduce_max3A_1029 : f32 to vector<16xf32>
      %add3A_1230 = arith.addf %gather3A_1228, %add3A_1229 : vector<16xf32>
      %exp3A_1231 = math.exp %add3A_1230 : vector<16xf32>
      %mul3A_1232 = arith.mulf %gather3A_274, %exp3A_1231 : vector<16xf32>
      %add3A_1233 = arith.addf %gather3A_308, %mul3A_1232 : vector<16xf32>
      %add3A_1234 = vector.broadcast %add3A_1201 : i32 to vector<16xi32>
      %add3A_1235 = arith.addi %add3A_226, %add3A_1234 : vector<16xi32>
      %gather3A_1236 = tpu.vector_load_idx %arg8[%add3A_1235] : memref<9792xf32, #tpu.memory_space<vmem>>[vector<16xi32>], vector<16xf32>,
      %add3A_1237 = vector.broadcast %reduce_max3A_1048 : f32 to vector<16xf32>
      %add3A_1238 = arith.addf %gather3A_1236, %add3A_1237 : vector<16xf32>
      %exp3A_1239 = math.exp %add3A_1238 : vector<16xf32>
      %mul3A_1240 = arith.mulf %gather3A_283, %exp3A_1239 : vector<16xf32>
      %add3A_1241 = arith.addf %add3A_1233, %mul3A_1240 : vector<16xf32>
      %add3A_1242 = vector.broadcast %add3A_1201 : i32 to vector<16xi32>
      %add3A_1243 = arith.addi %add3A_238, %add3A_1242 : vector<16xi32>
      %gather3A_1244 = tpu.vector_load_idx %arg8[%add3A_1243] : memref<9792xf32, #tpu.memory_space<vmem>>[vector<16xi32>], vector<16xf32>,
      %add3A_1245 = vector.broadcast %reduce_max3A_1067 : f32 to vector<16xf32>
      %add3A_1246 = arith.addf %gather3A_1244, %add3A_1245 : vector<16xf32>
      %exp3A_1247 = math.exp %add3A_1246 : vector<16xf32>
      %mul3A_1248 = arith.mulf %gather3A_292, %exp3A_1247 : vector<16xf32>
      %add3A_1249 = arith.addf %add3A_1241, %mul3A_1248 : vector<16xf32>
      %add3A_1250 = arith.constant 256 : i32
      %add3A_1251 = arith.addi %add3A_955, %add3A_1250 : i32
      %add3A_1252 = vector.broadcast %add3A_1251 : i32 to vector<16xi32>
      %add3A_1253 = arith.addi %mul3A_104, %add3A_1252 : vector<16xi32>
      %gather3A_1254 = tpu.vector_load_idx %arg9[%add3A_1253] : memref<4608xi32, #tpu.memory_space<vmem>>[vector<16xi32>], vector<16xi32>,
      %eq3A_1255 = arith.constant 0 : i32
      %eq3A_1256 = vector.broadcast %eq3A_1255 : i32 to vector<16xi32>
      %eq3A_1257 = arith.cmpi eq, %gather3A_1254, %eq3A_1256 : vector<16xi32>
      %select_n3A_1258 = arith.select %eq3A_1257, %add3A_1225, %add3A_1249 : vector<16xi1>, vector<16xf32>
      %mul3A_1259 = arith.constant 48 : i32
      %mul3A_1260 = arith.muli %scan3A_950, %mul3A_1259 : i32
      %add3A_1261 = arith.constant 0 : i32
      %add3A_1262 = arith.addi %add3A_1261, %mul3A_1260 : i32
      %add3A_1263 = arith.constant 32 : i32
      %add3A_1264 = arith.addi %add3A_1262, %add3A_1263 : i32
      %swap3A_1265 = arith.index_cast %add3A_1264 : i32 to index
      %swap3A_1266 = tpu.vector_load %arg13[%swap3A_1265] {strides = array<i32>} : memref<2304xf32, #tpu.memory_space<vmem>>, vector<16xf32>,
      tpu.vector_store %arg13[%swap3A_1265], %select_n3A_1258 {strides = array<i32>} : memref<2304xf32, #tpu.memory_space<vmem>>, vector<16xf32>,
    }
    %scan3A_313 = arith.constant 12 : i32
    %mul3A_314 = arith.constant 4 : i32
    %mul3A_315 = arith.muli %mul3A_314, %select_n3A_54 : i32
    %add3A_316 = arith.constant 1 : i32
    %add3A_317 = arith.addi %mul3A_315, %add3A_316 : i32
    %mul3A_318 = arith.constant 12 : i32
    %mul3A_319 = arith.muli %mul3A_318, %add3A_317 : i32
    %add3A_320 = arith.constant 0 : i32
    %add3A_321 = arith.addi %mul3A_319, %add3A_320 : i32
    %broadcast_in_dim3A_322 = arith.constant 0 : i32
    %broadcast_in_dim3A_323 = vector.broadcast %broadcast_in_dim3A_322 : i32 to vector<16xi32>
    %add3A_324 = vector.broadcast %add3A_321 : i32 to vector<16xi32>
    %add3A_325 = arith.addi %broadcast_in_dim3A_323, %add3A_324 : vector<16xi32>
    %gather3A_326 = tpu.vector_load_idx %arg10[%add3A_325] : memref<96xi32, #tpu.memory_space<vmem>>[vector<16xi32>], vector<16xi32>,
    %add3A_327 = arith.addi %mul3A_101, %gather3A_326 : vector<16xi32>
    %mul3A_328 = arith.constant 12 : i32
    %mul3A_329 = arith.muli %mul3A_328, %add3A_317 : i32
    %add3A_330 = arith.constant 2 : i32
    %add3A_331 = arith.addi %mul3A_329, %add3A_330 : i32
    %broadcast_in_dim3A_332 = arith.constant 0 : i32
    %broadcast_in_dim3A_333 = vector.broadcast %broadcast_in_dim3A_332 : i32 to vector<16xi32>
    %add3A_334 = vector.broadcast %add3A_331 : i32 to vector<16xi32>
    %add3A_335 = arith.addi %broadcast_in_dim3A_333, %add3A_334 : vector<16xi32>
    %gather3A_336 = tpu.vector_load_idx %arg10[%add3A_335] : memref<96xi32, #tpu.memory_space<vmem>>[vector<16xi32>], vector<16xi32>,
    %add3A_337 = arith.addi %mul3A_101, %gather3A_336 : vector<16xi32>
    %mul3A_338 = arith.constant 12 : i32
    %mul3A_339 = arith.muli %mul3A_338, %add3A_317 : i32
    %add3A_340 = arith.constant 4 : i32
    %add3A_341 = arith.addi %mul3A_339, %add3A_340 : i32
    %broadcast_in_dim3A_342 = arith.constant 0 : i32
    %broadcast_in_dim3A_343 = vector.broadcast %broadcast_in_dim3A_342 : i32 to vector<16xi32>
    %add3A_344 = vector.broadcast %add3A_341 : i32 to vector<16xi32>
    %add3A_345 = arith.addi %broadcast_in_dim3A_343, %add3A_344 : vector<16xi32>
    %gather3A_346 = tpu.vector_load_idx %arg10[%add3A_345] : memref<96xi32, #tpu.memory_space<vmem>>[vector<16xi32>], vector<16xi32>,
    %add3A_347 = arith.addi %mul3A_101, %gather3A_346 : vector<16xi32>
    %mul3A_348 = arith.constant 12 : i32
    %mul3A_349 = arith.muli %mul3A_348, %add3A_317 : i32
    %add3A_350 = arith.constant 6 : i32
    %add3A_351 = arith.addi %mul3A_349, %add3A_350 : i32
    %broadcast_in_dim3A_352 = arith.constant 0 : i32
    %broadcast_in_dim3A_353 = vector.broadcast %broadcast_in_dim3A_352 : i32 to vector<16xi32>
    %add3A_354 = vector.broadcast %add3A_351 : i32 to vector<16xi32>
    %add3A_355 = arith.addi %broadcast_in_dim3A_353, %add3A_354 : vector<16xi32>
    %gather3A_356 = tpu.vector_load_idx %arg10[%add3A_355] : memref<96xi32, #tpu.memory_space<vmem>>[vector<16xi32>], vector<16xi32>,
    %add3A_357 = arith.addi %mul3A_101, %gather3A_356 : vector<16xi32>
    %mul3A_358 = arith.constant 12 : i32
    %mul3A_359 = arith.muli %mul3A_358, %add3A_317 : i32
    %add3A_360 = arith.constant 8 : i32
    %add3A_361 = arith.addi %mul3A_359, %add3A_360 : i32
    %broadcast_in_dim3A_362 = arith.constant 0 : i32
    %broadcast_in_dim3A_363 = vector.broadcast %broadcast_in_dim3A_362 : i32 to vector<16xi32>
    %add3A_364 = vector.broadcast %add3A_361 : i32 to vector<16xi32>
    %add3A_365 = arith.addi %broadcast_in_dim3A_363, %add3A_364 : vector<16xi32>
    %gather3A_366 = tpu.vector_load_idx %arg10[%add3A_365] : memref<96xi32, #tpu.memory_space<vmem>>[vector<16xi32>], vector<16xi32>,
    %add3A_367 = arith.addi %mul3A_101, %gather3A_366 : vector<16xi32>
    %mul3A_368 = arith.constant 12 : i32
    %mul3A_369 = arith.muli %mul3A_368, %add3A_317 : i32
    %add3A_370 = arith.constant 10 : i32
    %add3A_371 = arith.addi %mul3A_369, %add3A_370 : i32
    %broadcast_in_dim3A_372 = arith.constant 0 : i32
    %broadcast_in_dim3A_373 = vector.broadcast %broadcast_in_dim3A_372 : i32 to vector<16xi32>
    %add3A_374 = vector.broadcast %add3A_371 : i32 to vector<16xi32>
    %add3A_375 = arith.addi %broadcast_in_dim3A_373, %add3A_374 : vector<16xi32>
    %gather3A_376 = tpu.vector_load_idx %arg10[%add3A_375] : memref<96xi32, #tpu.memory_space<vmem>>[vector<16xi32>], vector<16xi32>,
    %add3A_377 = arith.addi %mul3A_101, %gather3A_376 : vector<16xi32>
    %mul3A_378 = arith.constant 12 : i32
    %mul3A_379 = arith.muli %mul3A_378, %add3A_317 : i32
    %add3A_380 = arith.constant 0 : i32
    %add3A_381 = arith.addi %mul3A_379, %add3A_380 : i32
    %add3A_382 = arith.constant 1 : i32
    %add3A_383 = arith.addi %add3A_381, %add3A_382 : i32
    %broadcast_in_dim3A_384 = arith.constant 0 : i32
    %broadcast_in_dim3A_385 = vector.broadcast %broadcast_in_dim3A_384 : i32 to vector<16xi32>
    %add3A_386 = vector.broadcast %add3A_383 : i32 to vector<16xi32>
    %add3A_387 = arith.addi %broadcast_in_dim3A_385, %add3A_386 : vector<16xi32>
    %gather3A_388 = tpu.vector_load_idx %arg10[%add3A_387] : memref<96xi32, #tpu.memory_space<vmem>>[vector<16xi32>], vector<16xi32>,
    %add3A_389 = arith.addi %mul3A_101, %gather3A_388 : vector<16xi32>
    %mul3A_390 = arith.constant 12 : i32
    %mul3A_391 = arith.muli %mul3A_390, %add3A_317 : i32
    %add3A_392 = arith.constant 2 : i32
    %add3A_393 = arith.addi %mul3A_391, %add3A_392 : i32
    %add3A_394 = arith.constant 1 : i32
    %add3A_395 = arith.addi %add3A_393, %add3A_394 : i32
    %broadcast_in_dim3A_396 = arith.constant 0 : i32
    %broadcast_in_dim3A_397 = vector.broadcast %broadcast_in_dim3A_396 : i32 to vector<16xi32>
    %add3A_398 = vector.broadcast %add3A_395 : i32 to vector<16xi32>
    %add3A_399 = arith.addi %broadcast_in_dim3A_397, %add3A_398 : vector<16xi32>
    %gather3A_400 = tpu.vector_load_idx %arg10[%add3A_399] : memref<96xi32, #tpu.memory_space<vmem>>[vector<16xi32>], vector<16xi32>,
    %add3A_401 = arith.addi %mul3A_101, %gather3A_400 : vector<16xi32>
    %mul3A_402 = arith.constant 12 : i32
    %mul3A_403 = arith.muli %mul3A_402, %add3A_317 : i32
    %add3A_404 = arith.constant 4 : i32
    %add3A_405 = arith.addi %mul3A_403, %add3A_404 : i32
    %add3A_406 = arith.constant 1 : i32
    %add3A_407 = arith.addi %add3A_405, %add3A_406 : i32
    %broadcast_in_dim3A_408 = arith.constant 0 : i32
    %broadcast_in_dim3A_409 = vector.broadcast %broadcast_in_dim3A_408 : i32 to vector<16xi32>
    %add3A_410 = vector.broadcast %add3A_407 : i32 to vector<16xi32>
    %add3A_411 = arith.addi %broadcast_in_dim3A_409, %add3A_410 : vector<16xi32>
    %gather3A_412 = tpu.vector_load_idx %arg10[%add3A_411] : memref<96xi32, #tpu.memory_space<vmem>>[vector<16xi32>], vector<16xi32>,
    %add3A_413 = arith.addi %mul3A_101, %gather3A_412 : vector<16xi32>
    %mul3A_414 = arith.constant 12 : i32
    %mul3A_415 = arith.muli %mul3A_414, %add3A_317 : i32
    %add3A_416 = arith.constant 6 : i32
    %add3A_417 = arith.addi %mul3A_415, %add3A_416 : i32
    %add3A_418 = arith.constant 1 : i32
    %add3A_419 = arith.addi %add3A_417, %add3A_418 : i32
    %broadcast_in_dim3A_420 = arith.constant 0 : i32
    %broadcast_in_dim3A_421 = vector.broadcast %broadcast_in_dim3A_420 : i32 to vector<16xi32>
    %add3A_422 = vector.broadcast %add3A_419 : i32 to vector<16xi32>
    %add3A_423 = arith.addi %broadcast_in_dim3A_421, %add3A_422 : vector<16xi32>
    %gather3A_424 = tpu.vector_load_idx %arg10[%add3A_423] : memref<96xi32, #tpu.memory_space<vmem>>[vector<16xi32>], vector<16xi32>,
    %add3A_425 = arith.addi %mul3A_101, %gather3A_424 : vector<16xi32>
    %mul3A_426 = arith.constant 12 : i32
    %mul3A_427 = arith.muli %mul3A_426, %add3A_317 : i32
    %add3A_428 = arith.constant 8 : i32
    %add3A_429 = arith.addi %mul3A_427, %add3A_428 : i32
    %add3A_430 = arith.constant 1 : i32
    %add3A_431 = arith.addi %add3A_429, %add3A_430 : i32
    %broadcast_in_dim3A_432 = arith.constant 0 : i32
    %broadcast_in_dim3A_433 = vector.broadcast %broadcast_in_dim3A_432 : i32 to vector<16xi32>
    %add3A_434 = vector.broadcast %add3A_431 : i32 to vector<16xi32>
    %add3A_435 = arith.addi %broadcast_in_dim3A_433, %add3A_434 : vector<16xi32>
    %gather3A_436 = tpu.vector_load_idx %arg10[%add3A_435] : memref<96xi32, #tpu.memory_space<vmem>>[vector<16xi32>], vector<16xi32>,
    %add3A_437 = arith.addi %mul3A_101, %gather3A_436 : vector<16xi32>
    %mul3A_438 = arith.constant 12 : i32
    %mul3A_439 = arith.muli %mul3A_438, %add3A_317 : i32
    %add3A_440 = arith.constant 10 : i32
    %add3A_441 = arith.addi %mul3A_439, %add3A_440 : i32
    %add3A_442 = arith.constant 1 : i32
    %add3A_443 = arith.addi %add3A_441, %add3A_442 : i32
    %broadcast_in_dim3A_444 = arith.constant 0 : i32
    %broadcast_in_dim3A_445 = vector.broadcast %broadcast_in_dim3A_444 : i32 to vector<16xi32>
    %add3A_446 = vector.broadcast %add3A_443 : i32 to vector<16xi32>
    %add3A_447 = arith.addi %broadcast_in_dim3A_445, %add3A_446 : vector<16xi32>
    %gather3A_448 = tpu.vector_load_idx %arg10[%add3A_447] : memref<96xi32, #tpu.memory_space<vmem>>[vector<16xi32>], vector<16xi32>,
    %add3A_449 = arith.addi %mul3A_101, %gather3A_448 : vector<16xi32>
    %mul3A_450 = arith.constant 6 : i32
    %mul3A_451 = arith.muli %mul3A_450, %add3A_317 : i32
    %add3A_452 = arith.constant 0 : i32
    %add3A_453 = arith.addi %mul3A_451, %add3A_452 : i32
    %broadcast_in_dim3A_454 = arith.constant 0 : i32
    %broadcast_in_dim3A_455 = vector.broadcast %broadcast_in_dim3A_454 : i32 to vector<16xi32>
    %add3A_456 = vector.broadcast %add3A_453 : i32 to vector<16xi32>
    %add3A_457 = arith.addi %broadcast_in_dim3A_455, %add3A_456 : vector<16xi32>
    %gather3A_458 = tpu.vector_load_idx %arg11[%add3A_457] : memref<48xf32, #tpu.memory_space<vmem>>[vector<16xi32>], vector<16xf32>,
    %mul3A_459 = arith.constant 6 : i32
    %mul3A_460 = arith.muli %mul3A_459, %add3A_317 : i32
    %add3A_461 = arith.constant 1 : i32
    %add3A_462 = arith.addi %mul3A_460, %add3A_461 : i32
    %broadcast_in_dim3A_463 = arith.constant 0 : i32
    %broadcast_in_dim3A_464 = vector.broadcast %broadcast_in_dim3A_463 : i32 to vector<16xi32>
    %add3A_465 = vector.broadcast %add3A_462 : i32 to vector<16xi32>
    %add3A_466 = arith.addi %broadcast_in_dim3A_464, %add3A_465 : vector<16xi32>
    %gather3A_467 = tpu.vector_load_idx %arg11[%add3A_466] : memref<48xf32, #tpu.memory_space<vmem>>[vector<16xi32>], vector<16xf32>,
    %mul3A_468 = arith.constant 6 : i32
    %mul3A_469 = arith.muli %mul3A_468, %add3A_317 : i32
    %add3A_470 = arith.constant 2 : i32
    %add3A_471 = arith.addi %mul3A_469, %add3A_470 : i32
    %broadcast_in_dim3A_472 = arith.constant 0 : i32
    %broadcast_in_dim3A_473 = vector.broadcast %broadcast_in_dim3A_472 : i32 to vector<16xi32>
    %add3A_474 = vector.broadcast %add3A_471 : i32 to vector<16xi32>
    %add3A_475 = arith.addi %broadcast_in_dim3A_473, %add3A_474 : vector<16xi32>
    %gather3A_476 = tpu.vector_load_idx %arg11[%add3A_475] : memref<48xf32, #tpu.memory_space<vmem>>[vector<16xi32>], vector<16xf32>,
    %mul3A_477 = arith.constant 6 : i32
    %mul3A_478 = arith.muli %mul3A_477, %add3A_317 : i32
    %add3A_479 = arith.constant 3 : i32
    %add3A_480 = arith.addi %mul3A_478, %add3A_479 : i32
    %broadcast_in_dim3A_481 = arith.constant 0 : i32
    %broadcast_in_dim3A_482 = vector.broadcast %broadcast_in_dim3A_481 : i32 to vector<16xi32>
    %add3A_483 = vector.broadcast %add3A_480 : i32 to vector<16xi32>
    %add3A_484 = arith.addi %broadcast_in_dim3A_482, %add3A_483 : vector<16xi32>
    %gather3A_485 = tpu.vector_load_idx %arg11[%add3A_484] : memref<48xf32, #tpu.memory_space<vmem>>[vector<16xi32>], vector<16xf32>,
    %mul3A_486 = arith.constant 6 : i32
    %mul3A_487 = arith.muli %mul3A_486, %add3A_317 : i32
    %add3A_488 = arith.constant 4 : i32
    %add3A_489 = arith.addi %mul3A_487, %add3A_488 : i32
    %broadcast_in_dim3A_490 = arith.constant 0 : i32
    %broadcast_in_dim3A_491 = vector.broadcast %broadcast_in_dim3A_490 : i32 to vector<16xi32>
    %add3A_492 = vector.broadcast %add3A_489 : i32 to vector<16xi32>
    %add3A_493 = arith.addi %broadcast_in_dim3A_491, %add3A_492 : vector<16xi32>
    %gather3A_494 = tpu.vector_load_idx %arg11[%add3A_493] : memref<48xf32, #tpu.memory_space<vmem>>[vector<16xi32>], vector<16xf32>,
    %mul3A_495 = arith.constant 6 : i32
    %mul3A_496 = arith.muli %mul3A_495, %add3A_317 : i32
    %add3A_497 = arith.constant 5 : i32
    %add3A_498 = arith.addi %mul3A_496, %add3A_497 : i32
    %broadcast_in_dim3A_499 = arith.constant 0 : i32
    %broadcast_in_dim3A_500 = vector.broadcast %broadcast_in_dim3A_499 : i32 to vector<16xi32>
    %add3A_501 = vector.broadcast %add3A_498 : i32 to vector<16xi32>
    %add3A_502 = arith.addi %broadcast_in_dim3A_500, %add3A_501 : vector<16xi32>
    %gather3A_503 = tpu.vector_load_idx %arg11[%add3A_502] : memref<48xf32, #tpu.memory_space<vmem>>[vector<16xi32>], vector<16xf32>,
    %mul3A_504 = arith.constant 2 : i32
    %mul3A_505 = arith.muli %mul3A_504, %add3A_317 : i32
    %broadcast_in_dim3A_506 = arith.constant 0 : i32
    %broadcast_in_dim3A_507 = vector.broadcast %broadcast_in_dim3A_506 : i32 to vector<16xi32>
    %add3A_508 = vector.broadcast %mul3A_505 : i32 to vector<16xi32>
    %add3A_509 = arith.addi %broadcast_in_dim3A_507, %add3A_508 : vector<16xi32>
    %gather3A_510 = tpu.vector_load_idx %arg12[%add3A_509] : memref<16xf32, #tpu.memory_space<vmem>>[vector<16xi32>], vector<16xf32>,
    %mul3A_511 = arith.constant 2 : i32
    %mul3A_512 = arith.muli %mul3A_511, %add3A_317 : i32
    %add3A_513 = arith.constant 1 : i32
    %add3A_514 = arith.addi %mul3A_512, %add3A_513 : i32
    %broadcast_in_dim3A_515 = arith.constant 0 : i32
    %broadcast_in_dim3A_516 = vector.broadcast %broadcast_in_dim3A_515 : i32 to vector<16xi32>
    %add3A_517 = vector.broadcast %add3A_514 : i32 to vector<16xi32>
    %add3A_518 = arith.addi %broadcast_in_dim3A_516, %add3A_517 : vector<16xi32>
    %gather3A_519 = tpu.vector_load_idx %arg12[%add3A_518] : memref<16xf32, #tpu.memory_space<vmem>>[vector<16xi32>], vector<16xf32>,
    %scan3A_520 = arith.constant 0 : i32
    %scan3A_521 = arith.constant 0 : i32
    %scan3A_522 = arith.constant 12 : i32
    %scan3A_523 = arith.addi %scan3A_521, %scan3A_522 : i32
    %scan3A_524 = arith.constant 1 : i32
    scf.for %scan3A_950 = %scan3A_521 to %scan3A_523 step %scan3A_524  : i32 {
      %mul3A_951 = arith.constant 816 : i32
      %mul3A_952 = arith.muli %scan3A_950, %mul3A_951 : i32
      %mul3A_953 = arith.constant 384 : i32
      %mul3A_954 = arith.muli %scan3A_950, %mul3A_953 : i32
      %add3A_955 = arith.addi %mul3A_954, %add3A_317 : i32
      %add3A_956 = vector.broadcast %mul3A_952 : i32 to vector<16xi32>
      %add3A_957 = arith.addi %add3A_327, %add3A_956 : vector<16xi32>
      %gather3A_958 = tpu.vector_load_idx %arg8[%add3A_957] : memref<9792xf32, #tpu.memory_space<vmem>>[vector<16xi32>], vector<16xf32>,
      %add3A_959 = arith.constant 272 : i32
      %add3A_960 = arith.addi %mul3A_952, %add3A_959 : i32
      %add3A_961 = vector.broadcast %add3A_960 : i32 to vector<16xi32>
      %add3A_962 = arith.addi %add3A_327, %add3A_961 : vector<16xi32>
      %gather3A_963 = tpu.vector_load_idx %arg8[%add3A_962] : memref<9792xf32, #tpu.memory_space<vmem>>[vector<16xi32>], vector<16xf32>,
      %max3A = arith.maximumf %gather3A_958, %gather3A_963 : vector<16xf32>
      %add3A_964 = arith.constant 544 : i32
      %add3A_965 = arith.addi %mul3A_952, %add3A_964 : i32
      %add3A_966 = vector.broadcast %add3A_965 : i32 to vector<16xi32>
      %add3A_967 = arith.addi %add3A_327, %add3A_966 : vector<16xi32>
      %gather3A_968 = tpu.vector_load_idx %arg8[%add3A_967] : memref<9792xf32, #tpu.memory_space<vmem>>[vector<16xi32>], vector<16xf32>,
      %max3A_969 = arith.maximumf %max3A, %gather3A_968 : vector<16xf32>
      %reduce_max3A = arith.constant true
      %reduce_max3A_970 = vector.broadcast %reduce_max3A : i1 to vector<16xi1>
      %reduce_max3A_971 = tpu.scan <max>, %max3A_969 masked %reduce_max3A_970 : vector<16xf32>, vector<16xi1> -> vector<16xf32>
      %reduce_max3A_972 = vector.extract %reduce_max3A_971[15] : f32 from vector<16xf32>
      %add3A_973 = vector.broadcast %mul3A_952 : i32 to vector<16xi32>
      %add3A_974 = arith.addi %add3A_337, %add3A_973 : vector<16xi32>
      %gather3A_975 = tpu.vector_load_idx %arg8[%add3A_974] : memref<9792xf32, #tpu.memory_space<vmem>>[vector<16xi32>], vector<16xf32>,
      %add3A_976 = arith.constant 272 : i32
      %add3A_977 = arith.addi %mul3A_952, %add3A_976 : i32
      %add3A_978 = vector.broadcast %add3A_977 : i32 to vector<16xi32>
      %add3A_979 = arith.addi %add3A_337, %add3A_978 : vector<16xi32>
      %gather3A_980 = tpu.vector_load_idx %arg8[%add3A_979] : memref<9792xf32, #tpu.memory_space<vmem>>[vector<16xi32>], vector<16xf32>,
      %max3A_981 = arith.maximumf %gather3A_975, %gather3A_980 : vector<16xf32>
      %add3A_982 = arith.constant 544 : i32
      %add3A_983 = arith.addi %mul3A_952, %add3A_982 : i32
      %add3A_984 = vector.broadcast %add3A_983 : i32 to vector<16xi32>
      %add3A_985 = arith.addi %add3A_337, %add3A_984 : vector<16xi32>
      %gather3A_986 = tpu.vector_load_idx %arg8[%add3A_985] : memref<9792xf32, #tpu.memory_space<vmem>>[vector<16xi32>], vector<16xf32>,
      %max3A_987 = arith.maximumf %max3A_981, %gather3A_986 : vector<16xf32>
      %reduce_max3A_988 = arith.constant true
      %reduce_max3A_989 = vector.broadcast %reduce_max3A_988 : i1 to vector<16xi1>
      %reduce_max3A_990 = tpu.scan <max>, %max3A_987 masked %reduce_max3A_989 : vector<16xf32>, vector<16xi1> -> vector<16xf32>
      %reduce_max3A_991 = vector.extract %reduce_max3A_990[15] : f32 from vector<16xf32>
      %add3A_992 = vector.broadcast %mul3A_952 : i32 to vector<16xi32>
      %add3A_993 = arith.addi %add3A_347, %add3A_992 : vector<16xi32>
      %gather3A_994 = tpu.vector_load_idx %arg8[%add3A_993] : memref<9792xf32, #tpu.memory_space<vmem>>[vector<16xi32>], vector<16xf32>,
      %add3A_995 = arith.constant 272 : i32
      %add3A_996 = arith.addi %mul3A_952, %add3A_995 : i32
      %add3A_997 = vector.broadcast %add3A_996 : i32 to vector<16xi32>
      %add3A_998 = arith.addi %add3A_347, %add3A_997 : vector<16xi32>
      %gather3A_999 = tpu.vector_load_idx %arg8[%add3A_998] : memref<9792xf32, #tpu.memory_space<vmem>>[vector<16xi32>], vector<16xf32>,
      %max3A_1000 = arith.maximumf %gather3A_994, %gather3A_999 : vector<16xf32>
      %add3A_1001 = arith.constant 544 : i32
      %add3A_1002 = arith.addi %mul3A_952, %add3A_1001 : i32
      %add3A_1003 = vector.broadcast %add3A_1002 : i32 to vector<16xi32>
      %add3A_1004 = arith.addi %add3A_347, %add3A_1003 : vector<16xi32>
      %gather3A_1005 = tpu.vector_load_idx %arg8[%add3A_1004] : memref<9792xf32, #tpu.memory_space<vmem>>[vector<16xi32>], vector<16xf32>,
      %max3A_1006 = arith.maximumf %max3A_1000, %gather3A_1005 : vector<16xf32>
      %reduce_max3A_1007 = arith.constant true
      %reduce_max3A_1008 = vector.broadcast %reduce_max3A_1007 : i1 to vector<16xi1>
      %reduce_max3A_1009 = tpu.scan <max>, %max3A_1006 masked %reduce_max3A_1008 : vector<16xf32>, vector<16xi1> -> vector<16xf32>
      %reduce_max3A_1010 = vector.extract %reduce_max3A_1009[15] : f32 from vector<16xf32>
      %add3A_1011 = vector.broadcast %mul3A_952 : i32 to vector<16xi32>
      %add3A_1012 = arith.addi %add3A_357, %add3A_1011 : vector<16xi32>
      %gather3A_1013 = tpu.vector_load_idx %arg8[%add3A_1012] : memref<9792xf32, #tpu.memory_space<vmem>>[vector<16xi32>], vector<16xf32>,
      %add3A_1014 = arith.constant 272 : i32
      %add3A_1015 = arith.addi %mul3A_952, %add3A_1014 : i32
      %add3A_1016 = vector.broadcast %add3A_1015 : i32 to vector<16xi32>
      %add3A_1017 = arith.addi %add3A_357, %add3A_1016 : vector<16xi32>
      %gather3A_1018 = tpu.vector_load_idx %arg8[%add3A_1017] : memref<9792xf32, #tpu.memory_space<vmem>>[vector<16xi32>], vector<16xf32>,
      %max3A_1019 = arith.maximumf %gather3A_1013, %gather3A_1018 : vector<16xf32>
      %add3A_1020 = arith.constant 544 : i32
      %add3A_1021 = arith.addi %mul3A_952, %add3A_1020 : i32
      %add3A_1022 = vector.broadcast %add3A_1021 : i32 to vector<16xi32>
      %add3A_1023 = arith.addi %add3A_357, %add3A_1022 : vector<16xi32>
      %gather3A_1024 = tpu.vector_load_idx %arg8[%add3A_1023] : memref<9792xf32, #tpu.memory_space<vmem>>[vector<16xi32>], vector<16xf32>,
      %max3A_1025 = arith.maximumf %max3A_1019, %gather3A_1024 : vector<16xf32>
      %reduce_max3A_1026 = arith.constant true
      %reduce_max3A_1027 = vector.broadcast %reduce_max3A_1026 : i1 to vector<16xi1>
      %reduce_max3A_1028 = tpu.scan <max>, %max3A_1025 masked %reduce_max3A_1027 : vector<16xf32>, vector<16xi1> -> vector<16xf32>
      %reduce_max3A_1029 = vector.extract %reduce_max3A_1028[15] : f32 from vector<16xf32>
      %add3A_1030 = vector.broadcast %mul3A_952 : i32 to vector<16xi32>
      %add3A_1031 = arith.addi %add3A_367, %add3A_1030 : vector<16xi32>
      %gather3A_1032 = tpu.vector_load_idx %arg8[%add3A_1031] : memref<9792xf32, #tpu.memory_space<vmem>>[vector<16xi32>], vector<16xf32>,
      %add3A_1033 = arith.constant 272 : i32
      %add3A_1034 = arith.addi %mul3A_952, %add3A_1033 : i32
      %add3A_1035 = vector.broadcast %add3A_1034 : i32 to vector<16xi32>
      %add3A_1036 = arith.addi %add3A_367, %add3A_1035 : vector<16xi32>
      %gather3A_1037 = tpu.vector_load_idx %arg8[%add3A_1036] : memref<9792xf32, #tpu.memory_space<vmem>>[vector<16xi32>], vector<16xf32>,
      %max3A_1038 = arith.maximumf %gather3A_1032, %gather3A_1037 : vector<16xf32>
      %add3A_1039 = arith.constant 544 : i32
      %add3A_1040 = arith.addi %mul3A_952, %add3A_1039 : i32
      %add3A_1041 = vector.broadcast %add3A_1040 : i32 to vector<16xi32>
      %add3A_1042 = arith.addi %add3A_367, %add3A_1041 : vector<16xi32>
      %gather3A_1043 = tpu.vector_load_idx %arg8[%add3A_1042] : memref<9792xf32, #tpu.memory_space<vmem>>[vector<16xi32>], vector<16xf32>,
      %max3A_1044 = arith.maximumf %max3A_1038, %gather3A_1043 : vector<16xf32>
      %reduce_max3A_1045 = arith.constant true
      %reduce_max3A_1046 = vector.broadcast %reduce_max3A_1045 : i1 to vector<16xi1>
      %reduce_max3A_1047 = tpu.scan <max>, %max3A_1044 masked %reduce_max3A_1046 : vector<16xf32>, vector<16xi1> -> vector<16xf32>
      %reduce_max3A_1048 = vector.extract %reduce_max3A_1047[15] : f32 from vector<16xf32>
      %add3A_1049 = vector.broadcast %mul3A_952 : i32 to vector<16xi32>
      %add3A_1050 = arith.addi %add3A_377, %add3A_1049 : vector<16xi32>
      %gather3A_1051 = tpu.vector_load_idx %arg8[%add3A_1050] : memref<9792xf32, #tpu.memory_space<vmem>>[vector<16xi32>], vector<16xf32>,
      %add3A_1052 = arith.constant 272 : i32
      %add3A_1053 = arith.addi %mul3A_952, %add3A_1052 : i32
      %add3A_1054 = vector.broadcast %add3A_1053 : i32 to vector<16xi32>
      %add3A_1055 = arith.addi %add3A_377, %add3A_1054 : vector<16xi32>
      %gather3A_1056 = tpu.vector_load_idx %arg8[%add3A_1055] : memref<9792xf32, #tpu.memory_space<vmem>>[vector<16xi32>], vector<16xf32>,
      %max3A_1057 = arith.maximumf %gather3A_1051, %gather3A_1056 : vector<16xf32>
      %add3A_1058 = arith.constant 544 : i32
      %add3A_1059 = arith.addi %mul3A_952, %add3A_1058 : i32
      %add3A_1060 = vector.broadcast %add3A_1059 : i32 to vector<16xi32>
      %add3A_1061 = arith.addi %add3A_377, %add3A_1060 : vector<16xi32>
      %gather3A_1062 = tpu.vector_load_idx %arg8[%add3A_1061] : memref<9792xf32, #tpu.memory_space<vmem>>[vector<16xi32>], vector<16xf32>,
      %max3A_1063 = arith.maximumf %max3A_1057, %gather3A_1062 : vector<16xf32>
      %reduce_max3A_1064 = arith.constant true
      %reduce_max3A_1065 = vector.broadcast %reduce_max3A_1064 : i1 to vector<16xi1>
      %reduce_max3A_1066 = tpu.scan <max>, %max3A_1063 masked %reduce_max3A_1065 : vector<16xf32>, vector<16xi1> -> vector<16xf32>
      %reduce_max3A_1067 = vector.extract %reduce_max3A_1066[15] : f32 from vector<16xf32>
      %add3A_1068 = arith.constant 0 : i32
      %add3A_1069 = arith.addi %mul3A_952, %add3A_1068 : i32
      %add3A_1070 = vector.broadcast %add3A_1069 : i32 to vector<16xi32>
      %add3A_1071 = arith.addi %add3A_389, %add3A_1070 : vector<16xi32>
      %gather3A_1072 = tpu.vector_load_idx %arg8[%add3A_1071] : memref<9792xf32, #tpu.memory_space<vmem>>[vector<16xi32>], vector<16xf32>,
      %add3A_1073 = vector.broadcast %reduce_max3A_972 : f32 to vector<16xf32>
      %add3A_1074 = arith.addf %gather3A_1072, %add3A_1073 : vector<16xf32>
      %exp3A = math.exp %add3A_1074 : vector<16xf32>
      %mul3A_1075 = arith.mulf %gather3A_458, %exp3A : vector<16xf32>
      %add3A_1076 = arith.addf %gather3A_510, %mul3A_1075 : vector<16xf32>
      %add3A_1077 = vector.broadcast %add3A_1069 : i32 to vector<16xi32>
      %add3A_1078 = arith.addi %add3A_401, %add3A_1077 : vector<16xi32>
      %gather3A_1079 = tpu.vector_load_idx %arg8[%add3A_1078] : memref<9792xf32, #tpu.memory_space<vmem>>[vector<16xi32>], vector<16xf32>,
      %add3A_1080 = vector.broadcast %reduce_max3A_991 : f32 to vector<16xf32>
      %add3A_1081 = arith.addf %gather3A_1079, %add3A_1080 : vector<16xf32>
      %exp3A_1082 = math.exp %add3A_1081 : vector<16xf32>
      %mul3A_1083 = arith.mulf %gather3A_467, %exp3A_1082 : vector<16xf32>
      %add3A_1084 = arith.addf %add3A_1076, %mul3A_1083 : vector<16xf32>
      %add3A_1085 = vector.broadcast %add3A_1069 : i32 to vector<16xi32>
      %add3A_1086 = arith.addi %add3A_413, %add3A_1085 : vector<16xi32>
      %gather3A_1087 = tpu.vector_load_idx %arg8[%add3A_1086] : memref<9792xf32, #tpu.memory_space<vmem>>[vector<16xi32>], vector<16xf32>,
      %add3A_1088 = vector.broadcast %reduce_max3A_1010 : f32 to vector<16xf32>
      %add3A_1089 = arith.addf %gather3A_1087, %add3A_1088 : vector<16xf32>
      %exp3A_1090 = math.exp %add3A_1089 : vector<16xf32>
      %mul3A_1091 = arith.mulf %gather3A_476, %exp3A_1090 : vector<16xf32>
      %add3A_1092 = arith.addf %add3A_1084, %mul3A_1091 : vector<16xf32>
      %add3A_1093 = vector.broadcast %add3A_1069 : i32 to vector<16xi32>
      %add3A_1094 = arith.addi %add3A_425, %add3A_1093 : vector<16xi32>
      %gather3A_1095 = tpu.vector_load_idx %arg8[%add3A_1094] : memref<9792xf32, #tpu.memory_space<vmem>>[vector<16xi32>], vector<16xf32>,
      %add3A_1096 = vector.broadcast %reduce_max3A_1029 : f32 to vector<16xf32>
      %add3A_1097 = arith.addf %gather3A_1095, %add3A_1096 : vector<16xf32>
      %exp3A_1098 = math.exp %add3A_1097 : vector<16xf32>
      %mul3A_1099 = arith.mulf %gather3A_485, %exp3A_1098 : vector<16xf32>
      %add3A_1100 = arith.addf %gather3A_519, %mul3A_1099 : vector<16xf32>
      %add3A_1101 = vector.broadcast %add3A_1069 : i32 to vector<16xi32>
      %add3A_1102 = arith.addi %add3A_437, %add3A_1101 : vector<16xi32>
      %gather3A_1103 = tpu.vector_load_idx %arg8[%add3A_1102] : memref<9792xf32, #tpu.memory_space<vmem>>[vector<16xi32>], vector<16xf32>,
      %add3A_1104 = vector.broadcast %reduce_max3A_1048 : f32 to vector<16xf32>
      %add3A_1105 = arith.addf %gather3A_1103, %add3A_1104 : vector<16xf32>
      %exp3A_1106 = math.exp %add3A_1105 : vector<16xf32>
      %mul3A_1107 = arith.mulf %gather3A_494, %exp3A_1106 : vector<16xf32>
      %add3A_1108 = arith.addf %add3A_1100, %mul3A_1107 : vector<16xf32>
      %add3A_1109 = vector.broadcast %add3A_1069 : i32 to vector<16xi32>
      %add3A_1110 = arith.addi %add3A_449, %add3A_1109 : vector<16xi32>
      %gather3A_1111 = tpu.vector_load_idx %arg8[%add3A_1110] : memref<9792xf32, #tpu.memory_space<vmem>>[vector<16xi32>], vector<16xf32>,
      %add3A_1112 = vector.broadcast %reduce_max3A_1067 : f32 to vector<16xf32>
      %add3A_1113 = arith.addf %gather3A_1111, %add3A_1112 : vector<16xf32>
      %exp3A_1114 = math.exp %add3A_1113 : vector<16xf32>
      %mul3A_1115 = arith.mulf %gather3A_503, %exp3A_1114 : vector<16xf32>
      %add3A_1116 = arith.addf %add3A_1108, %mul3A_1115 : vector<16xf32>
      %add3A_1117 = arith.constant 0 : i32
      %add3A_1118 = arith.addi %add3A_955, %add3A_1117 : i32
      %add3A_1119 = vector.broadcast %add3A_1118 : i32 to vector<16xi32>
      %add3A_1120 = arith.addi %mul3A_104, %add3A_1119 : vector<16xi32>
      %gather3A_1121 = tpu.vector_load_idx %arg9[%add3A_1120] : memref<4608xi32, #tpu.memory_space<vmem>>[vector<16xi32>], vector<16xi32>,
      %eq3A_1122 = arith.constant 0 : i32
      %eq3A_1123 = vector.broadcast %eq3A_1122 : i32 to vector<16xi32>
      %eq3A_1124 = arith.cmpi eq, %gather3A_1121, %eq3A_1123 : vector<16xi32>
      %select_n3A_1125 = arith.select %eq3A_1124, %add3A_1092, %add3A_1116 : vector<16xi1>, vector<16xf32>
      %mul3A_1126 = arith.constant 48 : i32
      %mul3A_1127 = arith.muli %scan3A_950, %mul3A_1126 : i32
      %add3A_1128 = arith.constant 576 : i32
      %add3A_1129 = arith.addi %add3A_1128, %mul3A_1127 : i32
      %add3A_1130 = arith.constant 0 : i32
      %add3A_1131 = arith.addi %add3A_1129, %add3A_1130 : i32
      %swap3A = arith.index_cast %add3A_1131 : i32 to index
      %swap3A_1132 = tpu.vector_load %arg13[%swap3A] {strides = array<i32>} : memref<2304xf32, #tpu.memory_space<vmem>>, vector<16xf32>,
      tpu.vector_store %arg13[%swap3A], %select_n3A_1125 {strides = array<i32>} : memref<2304xf32, #tpu.memory_space<vmem>>, vector<16xf32>,
      %add3A_1133 = arith.constant 272 : i32
      %add3A_1134 = arith.addi %mul3A_952, %add3A_1133 : i32
      %add3A_1135 = vector.broadcast %add3A_1134 : i32 to vector<16xi32>
      %add3A_1136 = arith.addi %add3A_389, %add3A_1135 : vector<16xi32>
      %gather3A_1137 = tpu.vector_load_idx %arg8[%add3A_1136] : memref<9792xf32, #tpu.memory_space<vmem>>[vector<16xi32>], vector<16xf32>,
      %add3A_1138 = vector.broadcast %reduce_max3A_972 : f32 to vector<16xf32>
      %add3A_1139 = arith.addf %gather3A_1137, %add3A_1138 : vector<16xf32>
      %exp3A_1140 = math.exp %add3A_1139 : vector<16xf32>
      %mul3A_1141 = arith.mulf %gather3A_458, %exp3A_1140 : vector<16xf32>
      %add3A_1142 = arith.addf %gather3A_510, %mul3A_1141 : vector<16xf32>
      %add3A_1143 = vector.broadcast %add3A_1134 : i32 to vector<16xi32>
      %add3A_1144 = arith.addi %add3A_401, %add3A_1143 : vector<16xi32>
      %gather3A_1145 = tpu.vector_load_idx %arg8[%add3A_1144] : memref<9792xf32, #tpu.memory_space<vmem>>[vector<16xi32>], vector<16xf32>,
      %add3A_1146 = vector.broadcast %reduce_max3A_991 : f32 to vector<16xf32>
      %add3A_1147 = arith.addf %gather3A_1145, %add3A_1146 : vector<16xf32>
      %exp3A_1148 = math.exp %add3A_1147 : vector<16xf32>
      %mul3A_1149 = arith.mulf %gather3A_467, %exp3A_1148 : vector<16xf32>
      %add3A_1150 = arith.addf %add3A_1142, %mul3A_1149 : vector<16xf32>
      %add3A_1151 = vector.broadcast %add3A_1134 : i32 to vector<16xi32>
      %add3A_1152 = arith.addi %add3A_413, %add3A_1151 : vector<16xi32>
      %gather3A_1153 = tpu.vector_load_idx %arg8[%add3A_1152] : memref<9792xf32, #tpu.memory_space<vmem>>[vector<16xi32>], vector<16xf32>,
      %add3A_1154 = vector.broadcast %reduce_max3A_1010 : f32 to vector<16xf32>
      %add3A_1155 = arith.addf %gather3A_1153, %add3A_1154 : vector<16xf32>
      %exp3A_1156 = math.exp %add3A_1155 : vector<16xf32>
      %mul3A_1157 = arith.mulf %gather3A_476, %exp3A_1156 : vector<16xf32>
      %add3A_1158 = arith.addf %add3A_1150, %mul3A_1157 : vector<16xf32>
      %add3A_1159 = vector.broadcast %add3A_1134 : i32 to vector<16xi32>
      %add3A_1160 = arith.addi %add3A_425, %add3A_1159 : vector<16xi32>
      %gather3A_1161 = tpu.vector_load_idx %arg8[%add3A_1160] : memref<9792xf32, #tpu.memory_space<vmem>>[vector<16xi32>], vector<16xf32>,
      %add3A_1162 = vector.broadcast %reduce_max3A_1029 : f32 to vector<16xf32>
      %add3A_1163 = arith.addf %gather3A_1161, %add3A_1162 : vector<16xf32>
      %exp3A_1164 = math.exp %add3A_1163 : vector<16xf32>
      %mul3A_1165 = arith.mulf %gather3A_485, %exp3A_1164 : vector<16xf32>
      %add3A_1166 = arith.addf %gather3A_519, %mul3A_1165 : vector<16xf32>
      %add3A_1167 = vector.broadcast %add3A_1134 : i32 to vector<16xi32>
      %add3A_1168 = arith.addi %add3A_437, %add3A_1167 : vector<16xi32>
      %gather3A_1169 = tpu.vector_load_idx %arg8[%add3A_1168] : memref<9792xf32, #tpu.memory_space<vmem>>[vector<16xi32>], vector<16xf32>,
      %add3A_1170 = vector.broadcast %reduce_max3A_1048 : f32 to vector<16xf32>
      %add3A_1171 = arith.addf %gather3A_1169, %add3A_1170 : vector<16xf32>
      %exp3A_1172 = math.exp %add3A_1171 : vector<16xf32>
      %mul3A_1173 = arith.mulf %gather3A_494, %exp3A_1172 : vector<16xf32>
      %add3A_1174 = arith.addf %add3A_1166, %mul3A_1173 : vector<16xf32>
      %add3A_1175 = vector.broadcast %add3A_1134 : i32 to vector<16xi32>
      %add3A_1176 = arith.addi %add3A_449, %add3A_1175 : vector<16xi32>
      %gather3A_1177 = tpu.vector_load_idx %arg8[%add3A_1176] : memref<9792xf32, #tpu.memory_space<vmem>>[vector<16xi32>], vector<16xf32>,
      %add3A_1178 = vector.broadcast %reduce_max3A_1067 : f32 to vector<16xf32>
      %add3A_1179 = arith.addf %gather3A_1177, %add3A_1178 : vector<16xf32>
      %exp3A_1180 = math.exp %add3A_1179 : vector<16xf32>
      %mul3A_1181 = arith.mulf %gather3A_503, %exp3A_1180 : vector<16xf32>
      %add3A_1182 = arith.addf %add3A_1174, %mul3A_1181 : vector<16xf32>
      %add3A_1183 = arith.constant 128 : i32
      %add3A_1184 = arith.addi %add3A_955, %add3A_1183 : i32
      %add3A_1185 = vector.broadcast %add3A_1184 : i32 to vector<16xi32>
      %add3A_1186 = arith.addi %mul3A_104, %add3A_1185 : vector<16xi32>
      %gather3A_1187 = tpu.vector_load_idx %arg9[%add3A_1186] : memref<4608xi32, #tpu.memory_space<vmem>>[vector<16xi32>], vector<16xi32>,
      %eq3A_1188 = arith.constant 0 : i32
      %eq3A_1189 = vector.broadcast %eq3A_1188 : i32 to vector<16xi32>
      %eq3A_1190 = arith.cmpi eq, %gather3A_1187, %eq3A_1189 : vector<16xi32>
      %select_n3A_1191 = arith.select %eq3A_1190, %add3A_1158, %add3A_1182 : vector<16xi1>, vector<16xf32>
      %mul3A_1192 = arith.constant 48 : i32
      %mul3A_1193 = arith.muli %scan3A_950, %mul3A_1192 : i32
      %add3A_1194 = arith.constant 576 : i32
      %add3A_1195 = arith.addi %add3A_1194, %mul3A_1193 : i32
      %add3A_1196 = arith.constant 16 : i32
      %add3A_1197 = arith.addi %add3A_1195, %add3A_1196 : i32
      %swap3A_1198 = arith.index_cast %add3A_1197 : i32 to index
      %swap3A_1199 = tpu.vector_load %arg13[%swap3A_1198] {strides = array<i32>} : memref<2304xf32, #tpu.memory_space<vmem>>, vector<16xf32>,
      tpu.vector_store %arg13[%swap3A_1198], %select_n3A_1191 {strides = array<i32>} : memref<2304xf32, #tpu.memory_space<vmem>>, vector<16xf32>,
      %add3A_1200 = arith.constant 544 : i32
      %add3A_1201 = arith.addi %mul3A_952, %add3A_1200 : i32
      %add3A_1202 = vector.broadcast %add3A_1201 : i32 to vector<16xi32>
      %add3A_1203 = arith.addi %add3A_389, %add3A_1202 : vector<16xi32>
      %gather3A_1204 = tpu.vector_load_idx %arg8[%add3A_1203] : memref<9792xf32, #tpu.memory_space<vmem>>[vector<16xi32>], vector<16xf32>,
      %add3A_1205 = vector.broadcast %reduce_max3A_972 : f32 to vector<16xf32>
      %add3A_1206 = arith.addf %gather3A_1204, %add3A_1205 : vector<16xf32>
      %exp3A_1207 = math.exp %add3A_1206 : vector<16xf32>
      %mul3A_1208 = arith.mulf %gather3A_458, %exp3A_1207 : vector<16xf32>
      %add3A_1209 = arith.addf %gather3A_510, %mul3A_1208 : vector<16xf32>
      %add3A_1210 = vector.broadcast %add3A_1201 : i32 to vector<16xi32>
      %add3A_1211 = arith.addi %add3A_401, %add3A_1210 : vector<16xi32>
      %gather3A_1212 = tpu.vector_load_idx %arg8[%add3A_1211] : memref<9792xf32, #tpu.memory_space<vmem>>[vector<16xi32>], vector<16xf32>,
      %add3A_1213 = vector.broadcast %reduce_max3A_991 : f32 to vector<16xf32>
      %add3A_1214 = arith.addf %gather3A_1212, %add3A_1213 : vector<16xf32>
      %exp3A_1215 = math.exp %add3A_1214 : vector<16xf32>
      %mul3A_1216 = arith.mulf %gather3A_467, %exp3A_1215 : vector<16xf32>
      %add3A_1217 = arith.addf %add3A_1209, %mul3A_1216 : vector<16xf32>
      %add3A_1218 = vector.broadcast %add3A_1201 : i32 to vector<16xi32>
      %add3A_1219 = arith.addi %add3A_413, %add3A_1218 : vector<16xi32>
      %gather3A_1220 = tpu.vector_load_idx %arg8[%add3A_1219] : memref<9792xf32, #tpu.memory_space<vmem>>[vector<16xi32>], vector<16xf32>,
      %add3A_1221 = vector.broadcast %reduce_max3A_1010 : f32 to vector<16xf32>
      %add3A_1222 = arith.addf %gather3A_1220, %add3A_1221 : vector<16xf32>
      %exp3A_1223 = math.exp %add3A_1222 : vector<16xf32>
      %mul3A_1224 = arith.mulf %gather3A_476, %exp3A_1223 : vector<16xf32>
      %add3A_1225 = arith.addf %add3A_1217, %mul3A_1224 : vector<16xf32>
      %add3A_1226 = vector.broadcast %add3A_1201 : i32 to vector<16xi32>
      %add3A_1227 = arith.addi %add3A_425, %add3A_1226 : vector<16xi32>
      %gather3A_1228 = tpu.vector_load_idx %arg8[%add3A_1227] : memref<9792xf32, #tpu.memory_space<vmem>>[vector<16xi32>], vector<16xf32>,
      %add3A_1229 = vector.broadcast %reduce_max3A_1029 : f32 to vector<16xf32>
      %add3A_1230 = arith.addf %gather3A_1228, %add3A_1229 : vector<16xf32>
      %exp3A_1231 = math.exp %add3A_1230 : vector<16xf32>
      %mul3A_1232 = arith.mulf %gather3A_485, %exp3A_1231 : vector<16xf32>
      %add3A_1233 = arith.addf %gather3A_519, %mul3A_1232 : vector<16xf32>
      %add3A_1234 = vector.broadcast %add3A_1201 : i32 to vector<16xi32>
      %add3A_1235 = arith.addi %add3A_437, %add3A_1234 : vector<16xi32>
      %gather3A_1236 = tpu.vector_load_idx %arg8[%add3A_1235] : memref<9792xf32, #tpu.memory_space<vmem>>[vector<16xi32>], vector<16xf32>,
      %add3A_1237 = vector.broadcast %reduce_max3A_1048 : f32 to vector<16xf32>
      %add3A_1238 = arith.addf %gather3A_1236, %add3A_1237 : vector<16xf32>
      %exp3A_1239 = math.exp %add3A_1238 : vector<16xf32>
      %mul3A_1240 = arith.mulf %gather3A_494, %exp3A_1239 : vector<16xf32>
      %add3A_1241 = arith.addf %add3A_1233, %mul3A_1240 : vector<16xf32>
      %add3A_1242 = vector.broadcast %add3A_1201 : i32 to vector<16xi32>
      %add3A_1243 = arith.addi %add3A_449, %add3A_1242 : vector<16xi32>
      %gather3A_1244 = tpu.vector_load_idx %arg8[%add3A_1243] : memref<9792xf32, #tpu.memory_space<vmem>>[vector<16xi32>], vector<16xf32>,
      %add3A_1245 = vector.broadcast %reduce_max3A_1067 : f32 to vector<16xf32>
      %add3A_1246 = arith.addf %gather3A_1244, %add3A_1245 : vector<16xf32>
      %exp3A_1247 = math.exp %add3A_1246 : vector<16xf32>
      %mul3A_1248 = arith.mulf %gather3A_503, %exp3A_1247 : vector<16xf32>
      %add3A_1249 = arith.addf %add3A_1241, %mul3A_1248 : vector<16xf32>
      %add3A_1250 = arith.constant 256 : i32
      %add3A_1251 = arith.addi %add3A_955, %add3A_1250 : i32
      %add3A_1252 = vector.broadcast %add3A_1251 : i32 to vector<16xi32>
      %add3A_1253 = arith.addi %mul3A_104, %add3A_1252 : vector<16xi32>
      %gather3A_1254 = tpu.vector_load_idx %arg9[%add3A_1253] : memref<4608xi32, #tpu.memory_space<vmem>>[vector<16xi32>], vector<16xi32>,
      %eq3A_1255 = arith.constant 0 : i32
      %eq3A_1256 = vector.broadcast %eq3A_1255 : i32 to vector<16xi32>
      %eq3A_1257 = arith.cmpi eq, %gather3A_1254, %eq3A_1256 : vector<16xi32>
      %select_n3A_1258 = arith.select %eq3A_1257, %add3A_1225, %add3A_1249 : vector<16xi1>, vector<16xf32>
      %mul3A_1259 = arith.constant 48 : i32
      %mul3A_1260 = arith.muli %scan3A_950, %mul3A_1259 : i32
      %add3A_1261 = arith.constant 576 : i32
      %add3A_1262 = arith.addi %add3A_1261, %mul3A_1260 : i32
      %add3A_1263 = arith.constant 32 : i32
      %add3A_1264 = arith.addi %add3A_1262, %add3A_1263 : i32
      %swap3A_1265 = arith.index_cast %add3A_1264 : i32 to index
      %swap3A_1266 = tpu.vector_load %arg13[%swap3A_1265] {strides = array<i32>} : memref<2304xf32, #tpu.memory_space<vmem>>, vector<16xf32>,
      tpu.vector_store %arg13[%swap3A_1265], %select_n3A_1258 {strides = array<i32>} : memref<2304xf32, #tpu.memory_space<vmem>>, vector<16xf32>,
    }
    %scan3A_525 = arith.constant 12 : i32
    %mul3A_526 = arith.constant 4 : i32
    %mul3A_527 = arith.muli %mul3A_526, %select_n3A_54 : i32
    %add3A_528 = arith.constant 2 : i32
    %add3A_529 = arith.addi %mul3A_527, %add3A_528 : i32
    %mul3A_530 = arith.constant 12 : i32
    %mul3A_531 = arith.muli %mul3A_530, %add3A_529 : i32
    %add3A_532 = arith.constant 0 : i32
    %add3A_533 = arith.addi %mul3A_531, %add3A_532 : i32
    %broadcast_in_dim3A_534 = arith.constant 0 : i32
    %broadcast_in_dim3A_535 = vector.broadcast %broadcast_in_dim3A_534 : i32 to vector<16xi32>
    %add3A_536 = vector.broadcast %add3A_533 : i32 to vector<16xi32>
    %add3A_537 = arith.addi %broadcast_in_dim3A_535, %add3A_536 : vector<16xi32>
    %gather3A_538 = tpu.vector_load_idx %arg10[%add3A_537] : memref<96xi32, #tpu.memory_space<vmem>>[vector<16xi32>], vector<16xi32>,
    %add3A_539 = arith.addi %mul3A_101, %gather3A_538 : vector<16xi32>
    %mul3A_540 = arith.constant 12 : i32
    %mul3A_541 = arith.muli %mul3A_540, %add3A_529 : i32
    %add3A_542 = arith.constant 2 : i32
    %add3A_543 = arith.addi %mul3A_541, %add3A_542 : i32
    %broadcast_in_dim3A_544 = arith.constant 0 : i32
    %broadcast_in_dim3A_545 = vector.broadcast %broadcast_in_dim3A_544 : i32 to vector<16xi32>
    %add3A_546 = vector.broadcast %add3A_543 : i32 to vector<16xi32>
    %add3A_547 = arith.addi %broadcast_in_dim3A_545, %add3A_546 : vector<16xi32>
    %gather3A_548 = tpu.vector_load_idx %arg10[%add3A_547] : memref<96xi32, #tpu.memory_space<vmem>>[vector<16xi32>], vector<16xi32>,
    %add3A_549 = arith.addi %mul3A_101, %gather3A_548 : vector<16xi32>
    %mul3A_550 = arith.constant 12 : i32
    %mul3A_551 = arith.muli %mul3A_550, %add3A_529 : i32
    %add3A_552 = arith.constant 4 : i32
    %add3A_553 = arith.addi %mul3A_551, %add3A_552 : i32
    %broadcast_in_dim3A_554 = arith.constant 0 : i32
    %broadcast_in_dim3A_555 = vector.broadcast %broadcast_in_dim3A_554 : i32 to vector<16xi32>
    %add3A_556 = vector.broadcast %add3A_553 : i32 to vector<16xi32>
    %add3A_557 = arith.addi %broadcast_in_dim3A_555, %add3A_556 : vector<16xi32>
    %gather3A_558 = tpu.vector_load_idx %arg10[%add3A_557] : memref<96xi32, #tpu.memory_space<vmem>>[vector<16xi32>], vector<16xi32>,
    %add3A_559 = arith.addi %mul3A_101, %gather3A_558 : vector<16xi32>
    %mul3A_560 = arith.constant 12 : i32
    %mul3A_561 = arith.muli %mul3A_560, %add3A_529 : i32
    %add3A_562 = arith.constant 6 : i32
    %add3A_563 = arith.addi %mul3A_561, %add3A_562 : i32
    %broadcast_in_dim3A_564 = arith.constant 0 : i32
    %broadcast_in_dim3A_565 = vector.broadcast %broadcast_in_dim3A_564 : i32 to vector<16xi32>
    %add3A_566 = vector.broadcast %add3A_563 : i32 to vector<16xi32>
    %add3A_567 = arith.addi %broadcast_in_dim3A_565, %add3A_566 : vector<16xi32>
    %gather3A_568 = tpu.vector_load_idx %arg10[%add3A_567] : memref<96xi32, #tpu.memory_space<vmem>>[vector<16xi32>], vector<16xi32>,
    %add3A_569 = arith.addi %mul3A_101, %gather3A_568 : vector<16xi32>
    %mul3A_570 = arith.constant 12 : i32
    %mul3A_571 = arith.muli %mul3A_570, %add3A_529 : i32
    %add3A_572 = arith.constant 8 : i32
    %add3A_573 = arith.addi %mul3A_571, %add3A_572 : i32
    %broadcast_in_dim3A_574 = arith.constant 0 : i32
    %broadcast_in_dim3A_575 = vector.broadcast %broadcast_in_dim3A_574 : i32 to vector<16xi32>
    %add3A_576 = vector.broadcast %add3A_573 : i32 to vector<16xi32>
    %add3A_577 = arith.addi %broadcast_in_dim3A_575, %add3A_576 : vector<16xi32>
    %gather3A_578 = tpu.vector_load_idx %arg10[%add3A_577] : memref<96xi32, #tpu.memory_space<vmem>>[vector<16xi32>], vector<16xi32>,
    %add3A_579 = arith.addi %mul3A_101, %gather3A_578 : vector<16xi32>
    %mul3A_580 = arith.constant 12 : i32
    %mul3A_581 = arith.muli %mul3A_580, %add3A_529 : i32
    %add3A_582 = arith.constant 10 : i32
    %add3A_583 = arith.addi %mul3A_581, %add3A_582 : i32
    %broadcast_in_dim3A_584 = arith.constant 0 : i32
    %broadcast_in_dim3A_585 = vector.broadcast %broadcast_in_dim3A_584 : i32 to vector<16xi32>
    %add3A_586 = vector.broadcast %add3A_583 : i32 to vector<16xi32>
    %add3A_587 = arith.addi %broadcast_in_dim3A_585, %add3A_586 : vector<16xi32>
    %gather3A_588 = tpu.vector_load_idx %arg10[%add3A_587] : memref<96xi32, #tpu.memory_space<vmem>>[vector<16xi32>], vector<16xi32>,
    %add3A_589 = arith.addi %mul3A_101, %gather3A_588 : vector<16xi32>
    %mul3A_590 = arith.constant 12 : i32
    %mul3A_591 = arith.muli %mul3A_590, %add3A_529 : i32
    %add3A_592 = arith.constant 0 : i32
    %add3A_593 = arith.addi %mul3A_591, %add3A_592 : i32
    %add3A_594 = arith.constant 1 : i32
    %add3A_595 = arith.addi %add3A_593, %add3A_594 : i32
    %broadcast_in_dim3A_596 = arith.constant 0 : i32
    %broadcast_in_dim3A_597 = vector.broadcast %broadcast_in_dim3A_596 : i32 to vector<16xi32>
    %add3A_598 = vector.broadcast %add3A_595 : i32 to vector<16xi32>
    %add3A_599 = arith.addi %broadcast_in_dim3A_597, %add3A_598 : vector<16xi32>
    %gather3A_600 = tpu.vector_load_idx %arg10[%add3A_599] : memref<96xi32, #tpu.memory_space<vmem>>[vector<16xi32>], vector<16xi32>,
    %add3A_601 = arith.addi %mul3A_101, %gather3A_600 : vector<16xi32>
    %mul3A_602 = arith.constant 12 : i32
    %mul3A_603 = arith.muli %mul3A_602, %add3A_529 : i32
    %add3A_604 = arith.constant 2 : i32
    %add3A_605 = arith.addi %mul3A_603, %add3A_604 : i32
    %add3A_606 = arith.constant 1 : i32
    %add3A_607 = arith.addi %add3A_605, %add3A_606 : i32
    %broadcast_in_dim3A_608 = arith.constant 0 : i32
    %broadcast_in_dim3A_609 = vector.broadcast %broadcast_in_dim3A_608 : i32 to vector<16xi32>
    %add3A_610 = vector.broadcast %add3A_607 : i32 to vector<16xi32>
    %add3A_611 = arith.addi %broadcast_in_dim3A_609, %add3A_610 : vector<16xi32>
    %gather3A_612 = tpu.vector_load_idx %arg10[%add3A_611] : memref<96xi32, #tpu.memory_space<vmem>>[vector<16xi32>], vector<16xi32>,
    %add3A_613 = arith.addi %mul3A_101, %gather3A_612 : vector<16xi32>
    %mul3A_614 = arith.constant 12 : i32
    %mul3A_615 = arith.muli %mul3A_614, %add3A_529 : i32
    %add3A_616 = arith.constant 4 : i32
    %add3A_617 = arith.addi %mul3A_615, %add3A_616 : i32
    %add3A_618 = arith.constant 1 : i32
    %add3A_619 = arith.addi %add3A_617, %add3A_618 : i32
    %broadcast_in_dim3A_620 = arith.constant 0 : i32
    %broadcast_in_dim3A_621 = vector.broadcast %broadcast_in_dim3A_620 : i32 to vector<16xi32>
    %add3A_622 = vector.broadcast %add3A_619 : i32 to vector<16xi32>
    %add3A_623 = arith.addi %broadcast_in_dim3A_621, %add3A_622 : vector<16xi32>
    %gather3A_624 = tpu.vector_load_idx %arg10[%add3A_623] : memref<96xi32, #tpu.memory_space<vmem>>[vector<16xi32>], vector<16xi32>,
    %add3A_625 = arith.addi %mul3A_101, %gather3A_624 : vector<16xi32>
    %mul3A_626 = arith.constant 12 : i32
    %mul3A_627 = arith.muli %mul3A_626, %add3A_529 : i32
    %add3A_628 = arith.constant 6 : i32
    %add3A_629 = arith.addi %mul3A_627, %add3A_628 : i32
    %add3A_630 = arith.constant 1 : i32
    %add3A_631 = arith.addi %add3A_629, %add3A_630 : i32
    %broadcast_in_dim3A_632 = arith.constant 0 : i32
    %broadcast_in_dim3A_633 = vector.broadcast %broadcast_in_dim3A_632 : i32 to vector<16xi32>
    %add3A_634 = vector.broadcast %add3A_631 : i32 to vector<16xi32>
    %add3A_635 = arith.addi %broadcast_in_dim3A_633, %add3A_634 : vector<16xi32>
    %gather3A_636 = tpu.vector_load_idx %arg10[%add3A_635] : memref<96xi32, #tpu.memory_space<vmem>>[vector<16xi32>], vector<16xi32>,
    %add3A_637 = arith.addi %mul3A_101, %gather3A_636 : vector<16xi32>
    %mul3A_638 = arith.constant 12 : i32
    %mul3A_639 = arith.muli %mul3A_638, %add3A_529 : i32
    %add3A_640 = arith.constant 8 : i32
    %add3A_641 = arith.addi %mul3A_639, %add3A_640 : i32
    %add3A_642 = arith.constant 1 : i32
    %add3A_643 = arith.addi %add3A_641, %add3A_642 : i32
    %broadcast_in_dim3A_644 = arith.constant 0 : i32
    %broadcast_in_dim3A_645 = vector.broadcast %broadcast_in_dim3A_644 : i32 to vector<16xi32>
    %add3A_646 = vector.broadcast %add3A_643 : i32 to vector<16xi32>
    %add3A_647 = arith.addi %broadcast_in_dim3A_645, %add3A_646 : vector<16xi32>
    %gather3A_648 = tpu.vector_load_idx %arg10[%add3A_647] : memref<96xi32, #tpu.memory_space<vmem>>[vector<16xi32>], vector<16xi32>,
    %add3A_649 = arith.addi %mul3A_101, %gather3A_648 : vector<16xi32>
    %mul3A_650 = arith.constant 12 : i32
    %mul3A_651 = arith.muli %mul3A_650, %add3A_529 : i32
    %add3A_652 = arith.constant 10 : i32
    %add3A_653 = arith.addi %mul3A_651, %add3A_652 : i32
    %add3A_654 = arith.constant 1 : i32
    %add3A_655 = arith.addi %add3A_653, %add3A_654 : i32
    %broadcast_in_dim3A_656 = arith.constant 0 : i32
    %broadcast_in_dim3A_657 = vector.broadcast %broadcast_in_dim3A_656 : i32 to vector<16xi32>
    %add3A_658 = vector.broadcast %add3A_655 : i32 to vector<16xi32>
    %add3A_659 = arith.addi %broadcast_in_dim3A_657, %add3A_658 : vector<16xi32>
    %gather3A_660 = tpu.vector_load_idx %arg10[%add3A_659] : memref<96xi32, #tpu.memory_space<vmem>>[vector<16xi32>], vector<16xi32>,
    %add3A_661 = arith.addi %mul3A_101, %gather3A_660 : vector<16xi32>
    %mul3A_662 = arith.constant 6 : i32
    %mul3A_663 = arith.muli %mul3A_662, %add3A_529 : i32
    %add3A_664 = arith.constant 0 : i32
    %add3A_665 = arith.addi %mul3A_663, %add3A_664 : i32
    %broadcast_in_dim3A_666 = arith.constant 0 : i32
    %broadcast_in_dim3A_667 = vector.broadcast %broadcast_in_dim3A_666 : i32 to vector<16xi32>
    %add3A_668 = vector.broadcast %add3A_665 : i32 to vector<16xi32>
    %add3A_669 = arith.addi %broadcast_in_dim3A_667, %add3A_668 : vector<16xi32>
    %gather3A_670 = tpu.vector_load_idx %arg11[%add3A_669] : memref<48xf32, #tpu.memory_space<vmem>>[vector<16xi32>], vector<16xf32>,
    %mul3A_671 = arith.constant 6 : i32
    %mul3A_672 = arith.muli %mul3A_671, %add3A_529 : i32
    %add3A_673 = arith.constant 1 : i32
    %add3A_674 = arith.addi %mul3A_672, %add3A_673 : i32
    %broadcast_in_dim3A_675 = arith.constant 0 : i32
    %broadcast_in_dim3A_676 = vector.broadcast %broadcast_in_dim3A_675 : i32 to vector<16xi32>
    %add3A_677 = vector.broadcast %add3A_674 : i32 to vector<16xi32>
    %add3A_678 = arith.addi %broadcast_in_dim3A_676, %add3A_677 : vector<16xi32>
    %gather3A_679 = tpu.vector_load_idx %arg11[%add3A_678] : memref<48xf32, #tpu.memory_space<vmem>>[vector<16xi32>], vector<16xf32>,
    %mul3A_680 = arith.constant 6 : i32
    %mul3A_681 = arith.muli %mul3A_680, %add3A_529 : i32
    %add3A_682 = arith.constant 2 : i32
    %add3A_683 = arith.addi %mul3A_681, %add3A_682 : i32
    %broadcast_in_dim3A_684 = arith.constant 0 : i32
    %broadcast_in_dim3A_685 = vector.broadcast %broadcast_in_dim3A_684 : i32 to vector<16xi32>
    %add3A_686 = vector.broadcast %add3A_683 : i32 to vector<16xi32>
    %add3A_687 = arith.addi %broadcast_in_dim3A_685, %add3A_686 : vector<16xi32>
    %gather3A_688 = tpu.vector_load_idx %arg11[%add3A_687] : memref<48xf32, #tpu.memory_space<vmem>>[vector<16xi32>], vector<16xf32>,
    %mul3A_689 = arith.constant 6 : i32
    %mul3A_690 = arith.muli %mul3A_689, %add3A_529 : i32
    %add3A_691 = arith.constant 3 : i32
    %add3A_692 = arith.addi %mul3A_690, %add3A_691 : i32
    %broadcast_in_dim3A_693 = arith.constant 0 : i32
    %broadcast_in_dim3A_694 = vector.broadcast %broadcast_in_dim3A_693 : i32 to vector<16xi32>
    %add3A_695 = vector.broadcast %add3A_692 : i32 to vector<16xi32>
    %add3A_696 = arith.addi %broadcast_in_dim3A_694, %add3A_695 : vector<16xi32>
    %gather3A_697 = tpu.vector_load_idx %arg11[%add3A_696] : memref<48xf32, #tpu.memory_space<vmem>>[vector<16xi32>], vector<16xf32>,
    %mul3A_698 = arith.constant 6 : i32
    %mul3A_699 = arith.muli %mul3A_698, %add3A_529 : i32
    %add3A_700 = arith.constant 4 : i32
    %add3A_701 = arith.addi %mul3A_699, %add3A_700 : i32
    %broadcast_in_dim3A_702 = arith.constant 0 : i32
    %broadcast_in_dim3A_703 = vector.broadcast %broadcast_in_dim3A_702 : i32 to vector<16xi32>
    %add3A_704 = vector.broadcast %add3A_701 : i32 to vector<16xi32>
    %add3A_705 = arith.addi %broadcast_in_dim3A_703, %add3A_704 : vector<16xi32>
    %gather3A_706 = tpu.vector_load_idx %arg11[%add3A_705] : memref<48xf32, #tpu.memory_space<vmem>>[vector<16xi32>], vector<16xf32>,
    %mul3A_707 = arith.constant 6 : i32
    %mul3A_708 = arith.muli %mul3A_707, %add3A_529 : i32
    %add3A_709 = arith.constant 5 : i32
    %add3A_710 = arith.addi %mul3A_708, %add3A_709 : i32
    %broadcast_in_dim3A_711 = arith.constant 0 : i32
    %broadcast_in_dim3A_712 = vector.broadcast %broadcast_in_dim3A_711 : i32 to vector<16xi32>
    %add3A_713 = vector.broadcast %add3A_710 : i32 to vector<16xi32>
    %add3A_714 = arith.addi %broadcast_in_dim3A_712, %add3A_713 : vector<16xi32>
    %gather3A_715 = tpu.vector_load_idx %arg11[%add3A_714] : memref<48xf32, #tpu.memory_space<vmem>>[vector<16xi32>], vector<16xf32>,
    %mul3A_716 = arith.constant 2 : i32
    %mul3A_717 = arith.muli %mul3A_716, %add3A_529 : i32
    %broadcast_in_dim3A_718 = arith.constant 0 : i32
    %broadcast_in_dim3A_719 = vector.broadcast %broadcast_in_dim3A_718 : i32 to vector<16xi32>
    %add3A_720 = vector.broadcast %mul3A_717 : i32 to vector<16xi32>
    %add3A_721 = arith.addi %broadcast_in_dim3A_719, %add3A_720 : vector<16xi32>
    %gather3A_722 = tpu.vector_load_idx %arg12[%add3A_721] : memref<16xf32, #tpu.memory_space<vmem>>[vector<16xi32>], vector<16xf32>,
    %mul3A_723 = arith.constant 2 : i32
    %mul3A_724 = arith.muli %mul3A_723, %add3A_529 : i32
    %add3A_725 = arith.constant 1 : i32
    %add3A_726 = arith.addi %mul3A_724, %add3A_725 : i32
    %broadcast_in_dim3A_727 = arith.constant 0 : i32
    %broadcast_in_dim3A_728 = vector.broadcast %broadcast_in_dim3A_727 : i32 to vector<16xi32>
    %add3A_729 = vector.broadcast %add3A_726 : i32 to vector<16xi32>
    %add3A_730 = arith.addi %broadcast_in_dim3A_728, %add3A_729 : vector<16xi32>
    %gather3A_731 = tpu.vector_load_idx %arg12[%add3A_730] : memref<16xf32, #tpu.memory_space<vmem>>[vector<16xi32>], vector<16xf32>,
    %scan3A_732 = arith.constant 0 : i32
    %scan3A_733 = arith.constant 0 : i32
    %scan3A_734 = arith.constant 12 : i32
    %scan3A_735 = arith.addi %scan3A_733, %scan3A_734 : i32
    %scan3A_736 = arith.constant 1 : i32
    scf.for %scan3A_950 = %scan3A_733 to %scan3A_735 step %scan3A_736  : i32 {
      %mul3A_951 = arith.constant 816 : i32
      %mul3A_952 = arith.muli %scan3A_950, %mul3A_951 : i32
      %mul3A_953 = arith.constant 384 : i32
      %mul3A_954 = arith.muli %scan3A_950, %mul3A_953 : i32
      %add3A_955 = arith.addi %mul3A_954, %add3A_529 : i32
      %add3A_956 = vector.broadcast %mul3A_952 : i32 to vector<16xi32>
      %add3A_957 = arith.addi %add3A_539, %add3A_956 : vector<16xi32>
      %gather3A_958 = tpu.vector_load_idx %arg8[%add3A_957] : memref<9792xf32, #tpu.memory_space<vmem>>[vector<16xi32>], vector<16xf32>,
      %add3A_959 = arith.constant 272 : i32
      %add3A_960 = arith.addi %mul3A_952, %add3A_959 : i32
      %add3A_961 = vector.broadcast %add3A_960 : i32 to vector<16xi32>
      %add3A_962 = arith.addi %add3A_539, %add3A_961 : vector<16xi32>
      %gather3A_963 = tpu.vector_load_idx %arg8[%add3A_962] : memref<9792xf32, #tpu.memory_space<vmem>>[vector<16xi32>], vector<16xf32>,
      %max3A = arith.maximumf %gather3A_958, %gather3A_963 : vector<16xf32>
      %add3A_964 = arith.constant 544 : i32
      %add3A_965 = arith.addi %mul3A_952, %add3A_964 : i32
      %add3A_966 = vector.broadcast %add3A_965 : i32 to vector<16xi32>
      %add3A_967 = arith.addi %add3A_539, %add3A_966 : vector<16xi32>
      %gather3A_968 = tpu.vector_load_idx %arg8[%add3A_967] : memref<9792xf32, #tpu.memory_space<vmem>>[vector<16xi32>], vector<16xf32>,
      %max3A_969 = arith.maximumf %max3A, %gather3A_968 : vector<16xf32>
      %reduce_max3A = arith.constant true
      %reduce_max3A_970 = vector.broadcast %reduce_max3A : i1 to vector<16xi1>
      %reduce_max3A_971 = tpu.scan <max>, %max3A_969 masked %reduce_max3A_970 : vector<16xf32>, vector<16xi1> -> vector<16xf32>
      %reduce_max3A_972 = vector.extract %reduce_max3A_971[15] : f32 from vector<16xf32>
      %add3A_973 = vector.broadcast %mul3A_952 : i32 to vector<16xi32>
      %add3A_974 = arith.addi %add3A_549, %add3A_973 : vector<16xi32>
      %gather3A_975 = tpu.vector_load_idx %arg8[%add3A_974] : memref<9792xf32, #tpu.memory_space<vmem>>[vector<16xi32>], vector<16xf32>,
      %add3A_976 = arith.constant 272 : i32
      %add3A_977 = arith.addi %mul3A_952, %add3A_976 : i32
      %add3A_978 = vector.broadcast %add3A_977 : i32 to vector<16xi32>
      %add3A_979 = arith.addi %add3A_549, %add3A_978 : vector<16xi32>
      %gather3A_980 = tpu.vector_load_idx %arg8[%add3A_979] : memref<9792xf32, #tpu.memory_space<vmem>>[vector<16xi32>], vector<16xf32>,
      %max3A_981 = arith.maximumf %gather3A_975, %gather3A_980 : vector<16xf32>
      %add3A_982 = arith.constant 544 : i32
      %add3A_983 = arith.addi %mul3A_952, %add3A_982 : i32
      %add3A_984 = vector.broadcast %add3A_983 : i32 to vector<16xi32>
      %add3A_985 = arith.addi %add3A_549, %add3A_984 : vector<16xi32>
      %gather3A_986 = tpu.vector_load_idx %arg8[%add3A_985] : memref<9792xf32, #tpu.memory_space<vmem>>[vector<16xi32>], vector<16xf32>,
      %max3A_987 = arith.maximumf %max3A_981, %gather3A_986 : vector<16xf32>
      %reduce_max3A_988 = arith.constant true
      %reduce_max3A_989 = vector.broadcast %reduce_max3A_988 : i1 to vector<16xi1>
      %reduce_max3A_990 = tpu.scan <max>, %max3A_987 masked %reduce_max3A_989 : vector<16xf32>, vector<16xi1> -> vector<16xf32>
      %reduce_max3A_991 = vector.extract %reduce_max3A_990[15] : f32 from vector<16xf32>
      %add3A_992 = vector.broadcast %mul3A_952 : i32 to vector<16xi32>
      %add3A_993 = arith.addi %add3A_559, %add3A_992 : vector<16xi32>
      %gather3A_994 = tpu.vector_load_idx %arg8[%add3A_993] : memref<9792xf32, #tpu.memory_space<vmem>>[vector<16xi32>], vector<16xf32>,
      %add3A_995 = arith.constant 272 : i32
      %add3A_996 = arith.addi %mul3A_952, %add3A_995 : i32
      %add3A_997 = vector.broadcast %add3A_996 : i32 to vector<16xi32>
      %add3A_998 = arith.addi %add3A_559, %add3A_997 : vector<16xi32>
      %gather3A_999 = tpu.vector_load_idx %arg8[%add3A_998] : memref<9792xf32, #tpu.memory_space<vmem>>[vector<16xi32>], vector<16xf32>,
      %max3A_1000 = arith.maximumf %gather3A_994, %gather3A_999 : vector<16xf32>
      %add3A_1001 = arith.constant 544 : i32
      %add3A_1002 = arith.addi %mul3A_952, %add3A_1001 : i32
      %add3A_1003 = vector.broadcast %add3A_1002 : i32 to vector<16xi32>
      %add3A_1004 = arith.addi %add3A_559, %add3A_1003 : vector<16xi32>
      %gather3A_1005 = tpu.vector_load_idx %arg8[%add3A_1004] : memref<9792xf32, #tpu.memory_space<vmem>>[vector<16xi32>], vector<16xf32>,
      %max3A_1006 = arith.maximumf %max3A_1000, %gather3A_1005 : vector<16xf32>
      %reduce_max3A_1007 = arith.constant true
      %reduce_max3A_1008 = vector.broadcast %reduce_max3A_1007 : i1 to vector<16xi1>
      %reduce_max3A_1009 = tpu.scan <max>, %max3A_1006 masked %reduce_max3A_1008 : vector<16xf32>, vector<16xi1> -> vector<16xf32>
      %reduce_max3A_1010 = vector.extract %reduce_max3A_1009[15] : f32 from vector<16xf32>
      %add3A_1011 = vector.broadcast %mul3A_952 : i32 to vector<16xi32>
      %add3A_1012 = arith.addi %add3A_569, %add3A_1011 : vector<16xi32>
      %gather3A_1013 = tpu.vector_load_idx %arg8[%add3A_1012] : memref<9792xf32, #tpu.memory_space<vmem>>[vector<16xi32>], vector<16xf32>,
      %add3A_1014 = arith.constant 272 : i32
      %add3A_1015 = arith.addi %mul3A_952, %add3A_1014 : i32
      %add3A_1016 = vector.broadcast %add3A_1015 : i32 to vector<16xi32>
      %add3A_1017 = arith.addi %add3A_569, %add3A_1016 : vector<16xi32>
      %gather3A_1018 = tpu.vector_load_idx %arg8[%add3A_1017] : memref<9792xf32, #tpu.memory_space<vmem>>[vector<16xi32>], vector<16xf32>,
      %max3A_1019 = arith.maximumf %gather3A_1013, %gather3A_1018 : vector<16xf32>
      %add3A_1020 = arith.constant 544 : i32
      %add3A_1021 = arith.addi %mul3A_952, %add3A_1020 : i32
      %add3A_1022 = vector.broadcast %add3A_1021 : i32 to vector<16xi32>
      %add3A_1023 = arith.addi %add3A_569, %add3A_1022 : vector<16xi32>
      %gather3A_1024 = tpu.vector_load_idx %arg8[%add3A_1023] : memref<9792xf32, #tpu.memory_space<vmem>>[vector<16xi32>], vector<16xf32>,
      %max3A_1025 = arith.maximumf %max3A_1019, %gather3A_1024 : vector<16xf32>
      %reduce_max3A_1026 = arith.constant true
      %reduce_max3A_1027 = vector.broadcast %reduce_max3A_1026 : i1 to vector<16xi1>
      %reduce_max3A_1028 = tpu.scan <max>, %max3A_1025 masked %reduce_max3A_1027 : vector<16xf32>, vector<16xi1> -> vector<16xf32>
      %reduce_max3A_1029 = vector.extract %reduce_max3A_1028[15] : f32 from vector<16xf32>
      %add3A_1030 = vector.broadcast %mul3A_952 : i32 to vector<16xi32>
      %add3A_1031 = arith.addi %add3A_579, %add3A_1030 : vector<16xi32>
      %gather3A_1032 = tpu.vector_load_idx %arg8[%add3A_1031] : memref<9792xf32, #tpu.memory_space<vmem>>[vector<16xi32>], vector<16xf32>,
      %add3A_1033 = arith.constant 272 : i32
      %add3A_1034 = arith.addi %mul3A_952, %add3A_1033 : i32
      %add3A_1035 = vector.broadcast %add3A_1034 : i32 to vector<16xi32>
      %add3A_1036 = arith.addi %add3A_579, %add3A_1035 : vector<16xi32>
      %gather3A_1037 = tpu.vector_load_idx %arg8[%add3A_1036] : memref<9792xf32, #tpu.memory_space<vmem>>[vector<16xi32>], vector<16xf32>,
      %max3A_1038 = arith.maximumf %gather3A_1032, %gather3A_1037 : vector<16xf32>
      %add3A_1039 = arith.constant 544 : i32
      %add3A_1040 = arith.addi %mul3A_952, %add3A_1039 : i32
      %add3A_1041 = vector.broadcast %add3A_1040 : i32 to vector<16xi32>
      %add3A_1042 = arith.addi %add3A_579, %add3A_1041 : vector<16xi32>
      %gather3A_1043 = tpu.vector_load_idx %arg8[%add3A_1042] : memref<9792xf32, #tpu.memory_space<vmem>>[vector<16xi32>], vector<16xf32>,
      %max3A_1044 = arith.maximumf %max3A_1038, %gather3A_1043 : vector<16xf32>
      %reduce_max3A_1045 = arith.constant true
      %reduce_max3A_1046 = vector.broadcast %reduce_max3A_1045 : i1 to vector<16xi1>
      %reduce_max3A_1047 = tpu.scan <max>, %max3A_1044 masked %reduce_max3A_1046 : vector<16xf32>, vector<16xi1> -> vector<16xf32>
      %reduce_max3A_1048 = vector.extract %reduce_max3A_1047[15] : f32 from vector<16xf32>
      %add3A_1049 = vector.broadcast %mul3A_952 : i32 to vector<16xi32>
      %add3A_1050 = arith.addi %add3A_589, %add3A_1049 : vector<16xi32>
      %gather3A_1051 = tpu.vector_load_idx %arg8[%add3A_1050] : memref<9792xf32, #tpu.memory_space<vmem>>[vector<16xi32>], vector<16xf32>,
      %add3A_1052 = arith.constant 272 : i32
      %add3A_1053 = arith.addi %mul3A_952, %add3A_1052 : i32
      %add3A_1054 = vector.broadcast %add3A_1053 : i32 to vector<16xi32>
      %add3A_1055 = arith.addi %add3A_589, %add3A_1054 : vector<16xi32>
      %gather3A_1056 = tpu.vector_load_idx %arg8[%add3A_1055] : memref<9792xf32, #tpu.memory_space<vmem>>[vector<16xi32>], vector<16xf32>,
      %max3A_1057 = arith.maximumf %gather3A_1051, %gather3A_1056 : vector<16xf32>
      %add3A_1058 = arith.constant 544 : i32
      %add3A_1059 = arith.addi %mul3A_952, %add3A_1058 : i32
      %add3A_1060 = vector.broadcast %add3A_1059 : i32 to vector<16xi32>
      %add3A_1061 = arith.addi %add3A_589, %add3A_1060 : vector<16xi32>
      %gather3A_1062 = tpu.vector_load_idx %arg8[%add3A_1061] : memref<9792xf32, #tpu.memory_space<vmem>>[vector<16xi32>], vector<16xf32>,
      %max3A_1063 = arith.maximumf %max3A_1057, %gather3A_1062 : vector<16xf32>
      %reduce_max3A_1064 = arith.constant true
      %reduce_max3A_1065 = vector.broadcast %reduce_max3A_1064 : i1 to vector<16xi1>
      %reduce_max3A_1066 = tpu.scan <max>, %max3A_1063 masked %reduce_max3A_1065 : vector<16xf32>, vector<16xi1> -> vector<16xf32>
      %reduce_max3A_1067 = vector.extract %reduce_max3A_1066[15] : f32 from vector<16xf32>
      %add3A_1068 = arith.constant 0 : i32
      %add3A_1069 = arith.addi %mul3A_952, %add3A_1068 : i32
      %add3A_1070 = vector.broadcast %add3A_1069 : i32 to vector<16xi32>
      %add3A_1071 = arith.addi %add3A_601, %add3A_1070 : vector<16xi32>
      %gather3A_1072 = tpu.vector_load_idx %arg8[%add3A_1071] : memref<9792xf32, #tpu.memory_space<vmem>>[vector<16xi32>], vector<16xf32>,
      %add3A_1073 = vector.broadcast %reduce_max3A_972 : f32 to vector<16xf32>
      %add3A_1074 = arith.addf %gather3A_1072, %add3A_1073 : vector<16xf32>
      %exp3A = math.exp %add3A_1074 : vector<16xf32>
      %mul3A_1075 = arith.mulf %gather3A_670, %exp3A : vector<16xf32>
      %add3A_1076 = arith.addf %gather3A_722, %mul3A_1075 : vector<16xf32>
      %add3A_1077 = vector.broadcast %add3A_1069 : i32 to vector<16xi32>
      %add3A_1078 = arith.addi %add3A_613, %add3A_1077 : vector<16xi32>
      %gather3A_1079 = tpu.vector_load_idx %arg8[%add3A_1078] : memref<9792xf32, #tpu.memory_space<vmem>>[vector<16xi32>], vector<16xf32>,
      %add3A_1080 = vector.broadcast %reduce_max3A_991 : f32 to vector<16xf32>
      %add3A_1081 = arith.addf %gather3A_1079, %add3A_1080 : vector<16xf32>
      %exp3A_1082 = math.exp %add3A_1081 : vector<16xf32>
      %mul3A_1083 = arith.mulf %gather3A_679, %exp3A_1082 : vector<16xf32>
      %add3A_1084 = arith.addf %add3A_1076, %mul3A_1083 : vector<16xf32>
      %add3A_1085 = vector.broadcast %add3A_1069 : i32 to vector<16xi32>
      %add3A_1086 = arith.addi %add3A_625, %add3A_1085 : vector<16xi32>
      %gather3A_1087 = tpu.vector_load_idx %arg8[%add3A_1086] : memref<9792xf32, #tpu.memory_space<vmem>>[vector<16xi32>], vector<16xf32>,
      %add3A_1088 = vector.broadcast %reduce_max3A_1010 : f32 to vector<16xf32>
      %add3A_1089 = arith.addf %gather3A_1087, %add3A_1088 : vector<16xf32>
      %exp3A_1090 = math.exp %add3A_1089 : vector<16xf32>
      %mul3A_1091 = arith.mulf %gather3A_688, %exp3A_1090 : vector<16xf32>
      %add3A_1092 = arith.addf %add3A_1084, %mul3A_1091 : vector<16xf32>
      %add3A_1093 = vector.broadcast %add3A_1069 : i32 to vector<16xi32>
      %add3A_1094 = arith.addi %add3A_637, %add3A_1093 : vector<16xi32>
      %gather3A_1095 = tpu.vector_load_idx %arg8[%add3A_1094] : memref<9792xf32, #tpu.memory_space<vmem>>[vector<16xi32>], vector<16xf32>,
      %add3A_1096 = vector.broadcast %reduce_max3A_1029 : f32 to vector<16xf32>
      %add3A_1097 = arith.addf %gather3A_1095, %add3A_1096 : vector<16xf32>
      %exp3A_1098 = math.exp %add3A_1097 : vector<16xf32>
      %mul3A_1099 = arith.mulf %gather3A_697, %exp3A_1098 : vector<16xf32>
      %add3A_1100 = arith.addf %gather3A_731, %mul3A_1099 : vector<16xf32>
      %add3A_1101 = vector.broadcast %add3A_1069 : i32 to vector<16xi32>
      %add3A_1102 = arith.addi %add3A_649, %add3A_1101 : vector<16xi32>
      %gather3A_1103 = tpu.vector_load_idx %arg8[%add3A_1102] : memref<9792xf32, #tpu.memory_space<vmem>>[vector<16xi32>], vector<16xf32>,
      %add3A_1104 = vector.broadcast %reduce_max3A_1048 : f32 to vector<16xf32>
      %add3A_1105 = arith.addf %gather3A_1103, %add3A_1104 : vector<16xf32>
      %exp3A_1106 = math.exp %add3A_1105 : vector<16xf32>
      %mul3A_1107 = arith.mulf %gather3A_706, %exp3A_1106 : vector<16xf32>
      %add3A_1108 = arith.addf %add3A_1100, %mul3A_1107 : vector<16xf32>
      %add3A_1109 = vector.broadcast %add3A_1069 : i32 to vector<16xi32>
      %add3A_1110 = arith.addi %add3A_661, %add3A_1109 : vector<16xi32>
      %gather3A_1111 = tpu.vector_load_idx %arg8[%add3A_1110] : memref<9792xf32, #tpu.memory_space<vmem>>[vector<16xi32>], vector<16xf32>,
      %add3A_1112 = vector.broadcast %reduce_max3A_1067 : f32 to vector<16xf32>
      %add3A_1113 = arith.addf %gather3A_1111, %add3A_1112 : vector<16xf32>
      %exp3A_1114 = math.exp %add3A_1113 : vector<16xf32>
      %mul3A_1115 = arith.mulf %gather3A_715, %exp3A_1114 : vector<16xf32>
      %add3A_1116 = arith.addf %add3A_1108, %mul3A_1115 : vector<16xf32>
      %add3A_1117 = arith.constant 0 : i32
      %add3A_1118 = arith.addi %add3A_955, %add3A_1117 : i32
      %add3A_1119 = vector.broadcast %add3A_1118 : i32 to vector<16xi32>
      %add3A_1120 = arith.addi %mul3A_104, %add3A_1119 : vector<16xi32>
      %gather3A_1121 = tpu.vector_load_idx %arg9[%add3A_1120] : memref<4608xi32, #tpu.memory_space<vmem>>[vector<16xi32>], vector<16xi32>,
      %eq3A_1122 = arith.constant 0 : i32
      %eq3A_1123 = vector.broadcast %eq3A_1122 : i32 to vector<16xi32>
      %eq3A_1124 = arith.cmpi eq, %gather3A_1121, %eq3A_1123 : vector<16xi32>
      %select_n3A_1125 = arith.select %eq3A_1124, %add3A_1092, %add3A_1116 : vector<16xi1>, vector<16xf32>
      %mul3A_1126 = arith.constant 48 : i32
      %mul3A_1127 = arith.muli %scan3A_950, %mul3A_1126 : i32
      %add3A_1128 = arith.constant 1152 : i32
      %add3A_1129 = arith.addi %add3A_1128, %mul3A_1127 : i32
      %add3A_1130 = arith.constant 0 : i32
      %add3A_1131 = arith.addi %add3A_1129, %add3A_1130 : i32
      %swap3A = arith.index_cast %add3A_1131 : i32 to index
      %swap3A_1132 = tpu.vector_load %arg13[%swap3A] {strides = array<i32>} : memref<2304xf32, #tpu.memory_space<vmem>>, vector<16xf32>,
      tpu.vector_store %arg13[%swap3A], %select_n3A_1125 {strides = array<i32>} : memref<2304xf32, #tpu.memory_space<vmem>>, vector<16xf32>,
      %add3A_1133 = arith.constant 272 : i32
      %add3A_1134 = arith.addi %mul3A_952, %add3A_1133 : i32
      %add3A_1135 = vector.broadcast %add3A_1134 : i32 to vector<16xi32>
      %add3A_1136 = arith.addi %add3A_601, %add3A_1135 : vector<16xi32>
      %gather3A_1137 = tpu.vector_load_idx %arg8[%add3A_1136] : memref<9792xf32, #tpu.memory_space<vmem>>[vector<16xi32>], vector<16xf32>,
      %add3A_1138 = vector.broadcast %reduce_max3A_972 : f32 to vector<16xf32>
      %add3A_1139 = arith.addf %gather3A_1137, %add3A_1138 : vector<16xf32>
      %exp3A_1140 = math.exp %add3A_1139 : vector<16xf32>
      %mul3A_1141 = arith.mulf %gather3A_670, %exp3A_1140 : vector<16xf32>
      %add3A_1142 = arith.addf %gather3A_722, %mul3A_1141 : vector<16xf32>
      %add3A_1143 = vector.broadcast %add3A_1134 : i32 to vector<16xi32>
      %add3A_1144 = arith.addi %add3A_613, %add3A_1143 : vector<16xi32>
      %gather3A_1145 = tpu.vector_load_idx %arg8[%add3A_1144] : memref<9792xf32, #tpu.memory_space<vmem>>[vector<16xi32>], vector<16xf32>,
      %add3A_1146 = vector.broadcast %reduce_max3A_991 : f32 to vector<16xf32>
      %add3A_1147 = arith.addf %gather3A_1145, %add3A_1146 : vector<16xf32>
      %exp3A_1148 = math.exp %add3A_1147 : vector<16xf32>
      %mul3A_1149 = arith.mulf %gather3A_679, %exp3A_1148 : vector<16xf32>
      %add3A_1150 = arith.addf %add3A_1142, %mul3A_1149 : vector<16xf32>
      %add3A_1151 = vector.broadcast %add3A_1134 : i32 to vector<16xi32>
      %add3A_1152 = arith.addi %add3A_625, %add3A_1151 : vector<16xi32>
      %gather3A_1153 = tpu.vector_load_idx %arg8[%add3A_1152] : memref<9792xf32, #tpu.memory_space<vmem>>[vector<16xi32>], vector<16xf32>,
      %add3A_1154 = vector.broadcast %reduce_max3A_1010 : f32 to vector<16xf32>
      %add3A_1155 = arith.addf %gather3A_1153, %add3A_1154 : vector<16xf32>
      %exp3A_1156 = math.exp %add3A_1155 : vector<16xf32>
      %mul3A_1157 = arith.mulf %gather3A_688, %exp3A_1156 : vector<16xf32>
      %add3A_1158 = arith.addf %add3A_1150, %mul3A_1157 : vector<16xf32>
      %add3A_1159 = vector.broadcast %add3A_1134 : i32 to vector<16xi32>
      %add3A_1160 = arith.addi %add3A_637, %add3A_1159 : vector<16xi32>
      %gather3A_1161 = tpu.vector_load_idx %arg8[%add3A_1160] : memref<9792xf32, #tpu.memory_space<vmem>>[vector<16xi32>], vector<16xf32>,
      %add3A_1162 = vector.broadcast %reduce_max3A_1029 : f32 to vector<16xf32>
      %add3A_1163 = arith.addf %gather3A_1161, %add3A_1162 : vector<16xf32>
      %exp3A_1164 = math.exp %add3A_1163 : vector<16xf32>
      %mul3A_1165 = arith.mulf %gather3A_697, %exp3A_1164 : vector<16xf32>
      %add3A_1166 = arith.addf %gather3A_731, %mul3A_1165 : vector<16xf32>
      %add3A_1167 = vector.broadcast %add3A_1134 : i32 to vector<16xi32>
      %add3A_1168 = arith.addi %add3A_649, %add3A_1167 : vector<16xi32>
      %gather3A_1169 = tpu.vector_load_idx %arg8[%add3A_1168] : memref<9792xf32, #tpu.memory_space<vmem>>[vector<16xi32>], vector<16xf32>,
      %add3A_1170 = vector.broadcast %reduce_max3A_1048 : f32 to vector<16xf32>
      %add3A_1171 = arith.addf %gather3A_1169, %add3A_1170 : vector<16xf32>
      %exp3A_1172 = math.exp %add3A_1171 : vector<16xf32>
      %mul3A_1173 = arith.mulf %gather3A_706, %exp3A_1172 : vector<16xf32>
      %add3A_1174 = arith.addf %add3A_1166, %mul3A_1173 : vector<16xf32>
      %add3A_1175 = vector.broadcast %add3A_1134 : i32 to vector<16xi32>
      %add3A_1176 = arith.addi %add3A_661, %add3A_1175 : vector<16xi32>
      %gather3A_1177 = tpu.vector_load_idx %arg8[%add3A_1176] : memref<9792xf32, #tpu.memory_space<vmem>>[vector<16xi32>], vector<16xf32>,
      %add3A_1178 = vector.broadcast %reduce_max3A_1067 : f32 to vector<16xf32>
      %add3A_1179 = arith.addf %gather3A_1177, %add3A_1178 : vector<16xf32>
      %exp3A_1180 = math.exp %add3A_1179 : vector<16xf32>
      %mul3A_1181 = arith.mulf %gather3A_715, %exp3A_1180 : vector<16xf32>
      %add3A_1182 = arith.addf %add3A_1174, %mul3A_1181 : vector<16xf32>
      %add3A_1183 = arith.constant 128 : i32
      %add3A_1184 = arith.addi %add3A_955, %add3A_1183 : i32
      %add3A_1185 = vector.broadcast %add3A_1184 : i32 to vector<16xi32>
      %add3A_1186 = arith.addi %mul3A_104, %add3A_1185 : vector<16xi32>
      %gather3A_1187 = tpu.vector_load_idx %arg9[%add3A_1186] : memref<4608xi32, #tpu.memory_space<vmem>>[vector<16xi32>], vector<16xi32>,
      %eq3A_1188 = arith.constant 0 : i32
      %eq3A_1189 = vector.broadcast %eq3A_1188 : i32 to vector<16xi32>
      %eq3A_1190 = arith.cmpi eq, %gather3A_1187, %eq3A_1189 : vector<16xi32>
      %select_n3A_1191 = arith.select %eq3A_1190, %add3A_1158, %add3A_1182 : vector<16xi1>, vector<16xf32>
      %mul3A_1192 = arith.constant 48 : i32
      %mul3A_1193 = arith.muli %scan3A_950, %mul3A_1192 : i32
      %add3A_1194 = arith.constant 1152 : i32
      %add3A_1195 = arith.addi %add3A_1194, %mul3A_1193 : i32
      %add3A_1196 = arith.constant 16 : i32
      %add3A_1197 = arith.addi %add3A_1195, %add3A_1196 : i32
      %swap3A_1198 = arith.index_cast %add3A_1197 : i32 to index
      %swap3A_1199 = tpu.vector_load %arg13[%swap3A_1198] {strides = array<i32>} : memref<2304xf32, #tpu.memory_space<vmem>>, vector<16xf32>,
      tpu.vector_store %arg13[%swap3A_1198], %select_n3A_1191 {strides = array<i32>} : memref<2304xf32, #tpu.memory_space<vmem>>, vector<16xf32>,
      %add3A_1200 = arith.constant 544 : i32
      %add3A_1201 = arith.addi %mul3A_952, %add3A_1200 : i32
      %add3A_1202 = vector.broadcast %add3A_1201 : i32 to vector<16xi32>
      %add3A_1203 = arith.addi %add3A_601, %add3A_1202 : vector<16xi32>
      %gather3A_1204 = tpu.vector_load_idx %arg8[%add3A_1203] : memref<9792xf32, #tpu.memory_space<vmem>>[vector<16xi32>], vector<16xf32>,
      %add3A_1205 = vector.broadcast %reduce_max3A_972 : f32 to vector<16xf32>
      %add3A_1206 = arith.addf %gather3A_1204, %add3A_1205 : vector<16xf32>
      %exp3A_1207 = math.exp %add3A_1206 : vector<16xf32>
      %mul3A_1208 = arith.mulf %gather3A_670, %exp3A_1207 : vector<16xf32>
      %add3A_1209 = arith.addf %gather3A_722, %mul3A_1208 : vector<16xf32>
      %add3A_1210 = vector.broadcast %add3A_1201 : i32 to vector<16xi32>
      %add3A_1211 = arith.addi %add3A_613, %add3A_1210 : vector<16xi32>
      %gather3A_1212 = tpu.vector_load_idx %arg8[%add3A_1211] : memref<9792xf32, #tpu.memory_space<vmem>>[vector<16xi32>], vector<16xf32>,
      %add3A_1213 = vector.broadcast %reduce_max3A_991 : f32 to vector<16xf32>
      %add3A_1214 = arith.addf %gather3A_1212, %add3A_1213 : vector<16xf32>
      %exp3A_1215 = math.exp %add3A_1214 : vector<16xf32>
      %mul3A_1216 = arith.mulf %gather3A_679, %exp3A_1215 : vector<16xf32>
      %add3A_1217 = arith.addf %add3A_1209, %mul3A_1216 : vector<16xf32>
      %add3A_1218 = vector.broadcast %add3A_1201 : i32 to vector<16xi32>
      %add3A_1219 = arith.addi %add3A_625, %add3A_1218 : vector<16xi32>
      %gather3A_1220 = tpu.vector_load_idx %arg8[%add3A_1219] : memref<9792xf32, #tpu.memory_space<vmem>>[vector<16xi32>], vector<16xf32>,
      %add3A_1221 = vector.broadcast %reduce_max3A_1010 : f32 to vector<16xf32>
      %add3A_1222 = arith.addf %gather3A_1220, %add3A_1221 : vector<16xf32>
      %exp3A_1223 = math.exp %add3A_1222 : vector<16xf32>
      %mul3A_1224 = arith.mulf %gather3A_688, %exp3A_1223 : vector<16xf32>
      %add3A_1225 = arith.addf %add3A_1217, %mul3A_1224 : vector<16xf32>
      %add3A_1226 = vector.broadcast %add3A_1201 : i32 to vector<16xi32>
      %add3A_1227 = arith.addi %add3A_637, %add3A_1226 : vector<16xi32>
      %gather3A_1228 = tpu.vector_load_idx %arg8[%add3A_1227] : memref<9792xf32, #tpu.memory_space<vmem>>[vector<16xi32>], vector<16xf32>,
      %add3A_1229 = vector.broadcast %reduce_max3A_1029 : f32 to vector<16xf32>
      %add3A_1230 = arith.addf %gather3A_1228, %add3A_1229 : vector<16xf32>
      %exp3A_1231 = math.exp %add3A_1230 : vector<16xf32>
      %mul3A_1232 = arith.mulf %gather3A_697, %exp3A_1231 : vector<16xf32>
      %add3A_1233 = arith.addf %gather3A_731, %mul3A_1232 : vector<16xf32>
      %add3A_1234 = vector.broadcast %add3A_1201 : i32 to vector<16xi32>
      %add3A_1235 = arith.addi %add3A_649, %add3A_1234 : vector<16xi32>
      %gather3A_1236 = tpu.vector_load_idx %arg8[%add3A_1235] : memref<9792xf32, #tpu.memory_space<vmem>>[vector<16xi32>], vector<16xf32>,
      %add3A_1237 = vector.broadcast %reduce_max3A_1048 : f32 to vector<16xf32>
      %add3A_1238 = arith.addf %gather3A_1236, %add3A_1237 : vector<16xf32>
      %exp3A_1239 = math.exp %add3A_1238 : vector<16xf32>
      %mul3A_1240 = arith.mulf %gather3A_706, %exp3A_1239 : vector<16xf32>
      %add3A_1241 = arith.addf %add3A_1233, %mul3A_1240 : vector<16xf32>
      %add3A_1242 = vector.broadcast %add3A_1201 : i32 to vector<16xi32>
      %add3A_1243 = arith.addi %add3A_661, %add3A_1242 : vector<16xi32>
      %gather3A_1244 = tpu.vector_load_idx %arg8[%add3A_1243] : memref<9792xf32, #tpu.memory_space<vmem>>[vector<16xi32>], vector<16xf32>,
      %add3A_1245 = vector.broadcast %reduce_max3A_1067 : f32 to vector<16xf32>
      %add3A_1246 = arith.addf %gather3A_1244, %add3A_1245 : vector<16xf32>
      %exp3A_1247 = math.exp %add3A_1246 : vector<16xf32>
      %mul3A_1248 = arith.mulf %gather3A_715, %exp3A_1247 : vector<16xf32>
      %add3A_1249 = arith.addf %add3A_1241, %mul3A_1248 : vector<16xf32>
      %add3A_1250 = arith.constant 256 : i32
      %add3A_1251 = arith.addi %add3A_955, %add3A_1250 : i32
      %add3A_1252 = vector.broadcast %add3A_1251 : i32 to vector<16xi32>
      %add3A_1253 = arith.addi %mul3A_104, %add3A_1252 : vector<16xi32>
      %gather3A_1254 = tpu.vector_load_idx %arg9[%add3A_1253] : memref<4608xi32, #tpu.memory_space<vmem>>[vector<16xi32>], vector<16xi32>,
      %eq3A_1255 = arith.constant 0 : i32
      %eq3A_1256 = vector.broadcast %eq3A_1255 : i32 to vector<16xi32>
      %eq3A_1257 = arith.cmpi eq, %gather3A_1254, %eq3A_1256 : vector<16xi32>
      %select_n3A_1258 = arith.select %eq3A_1257, %add3A_1225, %add3A_1249 : vector<16xi1>, vector<16xf32>
      %mul3A_1259 = arith.constant 48 : i32
      %mul3A_1260 = arith.muli %scan3A_950, %mul3A_1259 : i32
      %add3A_1261 = arith.constant 1152 : i32
      %add3A_1262 = arith.addi %add3A_1261, %mul3A_1260 : i32
      %add3A_1263 = arith.constant 32 : i32
      %add3A_1264 = arith.addi %add3A_1262, %add3A_1263 : i32
      %swap3A_1265 = arith.index_cast %add3A_1264 : i32 to index
      %swap3A_1266 = tpu.vector_load %arg13[%swap3A_1265] {strides = array<i32>} : memref<2304xf32, #tpu.memory_space<vmem>>, vector<16xf32>,
      tpu.vector_store %arg13[%swap3A_1265], %select_n3A_1258 {strides = array<i32>} : memref<2304xf32, #tpu.memory_space<vmem>>, vector<16xf32>,
    }
    %scan3A_737 = arith.constant 12 : i32
    %mul3A_738 = arith.constant 4 : i32
    %mul3A_739 = arith.muli %mul3A_738, %select_n3A_54 : i32
    %add3A_740 = arith.constant 3 : i32
    %add3A_741 = arith.addi %mul3A_739, %add3A_740 : i32
    %mul3A_742 = arith.constant 12 : i32
    %mul3A_743 = arith.muli %mul3A_742, %add3A_741 : i32
    %add3A_744 = arith.constant 0 : i32
    %add3A_745 = arith.addi %mul3A_743, %add3A_744 : i32
    %broadcast_in_dim3A_746 = arith.constant 0 : i32
    %broadcast_in_dim3A_747 = vector.broadcast %broadcast_in_dim3A_746 : i32 to vector<16xi32>
    %add3A_748 = vector.broadcast %add3A_745 : i32 to vector<16xi32>
    %add3A_749 = arith.addi %broadcast_in_dim3A_747, %add3A_748 : vector<16xi32>
    %gather3A_750 = tpu.vector_load_idx %arg10[%add3A_749] : memref<96xi32, #tpu.memory_space<vmem>>[vector<16xi32>], vector<16xi32>,
    %add3A_751 = arith.addi %mul3A_101, %gather3A_750 : vector<16xi32>
    %mul3A_752 = arith.constant 12 : i32
    %mul3A_753 = arith.muli %mul3A_752, %add3A_741 : i32
    %add3A_754 = arith.constant 2 : i32
    %add3A_755 = arith.addi %mul3A_753, %add3A_754 : i32
    %broadcast_in_dim3A_756 = arith.constant 0 : i32
    %broadcast_in_dim3A_757 = vector.broadcast %broadcast_in_dim3A_756 : i32 to vector<16xi32>
    %add3A_758 = vector.broadcast %add3A_755 : i32 to vector<16xi32>
    %add3A_759 = arith.addi %broadcast_in_dim3A_757, %add3A_758 : vector<16xi32>
    %gather3A_760 = tpu.vector_load_idx %arg10[%add3A_759] : memref<96xi32, #tpu.memory_space<vmem>>[vector<16xi32>], vector<16xi32>,
    %add3A_761 = arith.addi %mul3A_101, %gather3A_760 : vector<16xi32>
    %mul3A_762 = arith.constant 12 : i32
    %mul3A_763 = arith.muli %mul3A_762, %add3A_741 : i32
    %add3A_764 = arith.constant 4 : i32
    %add3A_765 = arith.addi %mul3A_763, %add3A_764 : i32
    %broadcast_in_dim3A_766 = arith.constant 0 : i32
    %broadcast_in_dim3A_767 = vector.broadcast %broadcast_in_dim3A_766 : i32 to vector<16xi32>
    %add3A_768 = vector.broadcast %add3A_765 : i32 to vector<16xi32>
    %add3A_769 = arith.addi %broadcast_in_dim3A_767, %add3A_768 : vector<16xi32>
    %gather3A_770 = tpu.vector_load_idx %arg10[%add3A_769] : memref<96xi32, #tpu.memory_space<vmem>>[vector<16xi32>], vector<16xi32>,
    %add3A_771 = arith.addi %mul3A_101, %gather3A_770 : vector<16xi32>
    %mul3A_772 = arith.constant 12 : i32
    %mul3A_773 = arith.muli %mul3A_772, %add3A_741 : i32
    %add3A_774 = arith.constant 6 : i32
    %add3A_775 = arith.addi %mul3A_773, %add3A_774 : i32
    %broadcast_in_dim3A_776 = arith.constant 0 : i32
    %broadcast_in_dim3A_777 = vector.broadcast %broadcast_in_dim3A_776 : i32 to vector<16xi32>
    %add3A_778 = vector.broadcast %add3A_775 : i32 to vector<16xi32>
    %add3A_779 = arith.addi %broadcast_in_dim3A_777, %add3A_778 : vector<16xi32>
    %gather3A_780 = tpu.vector_load_idx %arg10[%add3A_779] : memref<96xi32, #tpu.memory_space<vmem>>[vector<16xi32>], vector<16xi32>,
    %add3A_781 = arith.addi %mul3A_101, %gather3A_780 : vector<16xi32>
    %mul3A_782 = arith.constant 12 : i32
    %mul3A_783 = arith.muli %mul3A_782, %add3A_741 : i32
    %add3A_784 = arith.constant 8 : i32
    %add3A_785 = arith.addi %mul3A_783, %add3A_784 : i32
    %broadcast_in_dim3A_786 = arith.constant 0 : i32
    %broadcast_in_dim3A_787 = vector.broadcast %broadcast_in_dim3A_786 : i32 to vector<16xi32>
    %add3A_788 = vector.broadcast %add3A_785 : i32 to vector<16xi32>
    %add3A_789 = arith.addi %broadcast_in_dim3A_787, %add3A_788 : vector<16xi32>
    %gather3A_790 = tpu.vector_load_idx %arg10[%add3A_789] : memref<96xi32, #tpu.memory_space<vmem>>[vector<16xi32>], vector<16xi32>,
    %add3A_791 = arith.addi %mul3A_101, %gather3A_790 : vector<16xi32>
    %mul3A_792 = arith.constant 12 : i32
    %mul3A_793 = arith.muli %mul3A_792, %add3A_741 : i32
    %add3A_794 = arith.constant 10 : i32
    %add3A_795 = arith.addi %mul3A_793, %add3A_794 : i32
    %broadcast_in_dim3A_796 = arith.constant 0 : i32
    %broadcast_in_dim3A_797 = vector.broadcast %broadcast_in_dim3A_796 : i32 to vector<16xi32>
    %add3A_798 = vector.broadcast %add3A_795 : i32 to vector<16xi32>
    %add3A_799 = arith.addi %broadcast_in_dim3A_797, %add3A_798 : vector<16xi32>
    %gather3A_800 = tpu.vector_load_idx %arg10[%add3A_799] : memref<96xi32, #tpu.memory_space<vmem>>[vector<16xi32>], vector<16xi32>,
    %add3A_801 = arith.addi %mul3A_101, %gather3A_800 : vector<16xi32>
    %mul3A_802 = arith.constant 12 : i32
    %mul3A_803 = arith.muli %mul3A_802, %add3A_741 : i32
    %add3A_804 = arith.constant 0 : i32
    %add3A_805 = arith.addi %mul3A_803, %add3A_804 : i32
    %add3A_806 = arith.constant 1 : i32
    %add3A_807 = arith.addi %add3A_805, %add3A_806 : i32
    %broadcast_in_dim3A_808 = arith.constant 0 : i32
    %broadcast_in_dim3A_809 = vector.broadcast %broadcast_in_dim3A_808 : i32 to vector<16xi32>
    %add3A_810 = vector.broadcast %add3A_807 : i32 to vector<16xi32>
    %add3A_811 = arith.addi %broadcast_in_dim3A_809, %add3A_810 : vector<16xi32>
    %gather3A_812 = tpu.vector_load_idx %arg10[%add3A_811] : memref<96xi32, #tpu.memory_space<vmem>>[vector<16xi32>], vector<16xi32>,
    %add3A_813 = arith.addi %mul3A_101, %gather3A_812 : vector<16xi32>
    %mul3A_814 = arith.constant 12 : i32
    %mul3A_815 = arith.muli %mul3A_814, %add3A_741 : i32
    %add3A_816 = arith.constant 2 : i32
    %add3A_817 = arith.addi %mul3A_815, %add3A_816 : i32
    %add3A_818 = arith.constant 1 : i32
    %add3A_819 = arith.addi %add3A_817, %add3A_818 : i32
    %broadcast_in_dim3A_820 = arith.constant 0 : i32
    %broadcast_in_dim3A_821 = vector.broadcast %broadcast_in_dim3A_820 : i32 to vector<16xi32>
    %add3A_822 = vector.broadcast %add3A_819 : i32 to vector<16xi32>
    %add3A_823 = arith.addi %broadcast_in_dim3A_821, %add3A_822 : vector<16xi32>
    %gather3A_824 = tpu.vector_load_idx %arg10[%add3A_823] : memref<96xi32, #tpu.memory_space<vmem>>[vector<16xi32>], vector<16xi32>,
    %add3A_825 = arith.addi %mul3A_101, %gather3A_824 : vector<16xi32>
    %mul3A_826 = arith.constant 12 : i32
    %mul3A_827 = arith.muli %mul3A_826, %add3A_741 : i32
    %add3A_828 = arith.constant 4 : i32
    %add3A_829 = arith.addi %mul3A_827, %add3A_828 : i32
    %add3A_830 = arith.constant 1 : i32
    %add3A_831 = arith.addi %add3A_829, %add3A_830 : i32
    %broadcast_in_dim3A_832 = arith.constant 0 : i32
    %broadcast_in_dim3A_833 = vector.broadcast %broadcast_in_dim3A_832 : i32 to vector<16xi32>
    %add3A_834 = vector.broadcast %add3A_831 : i32 to vector<16xi32>
    %add3A_835 = arith.addi %broadcast_in_dim3A_833, %add3A_834 : vector<16xi32>
    %gather3A_836 = tpu.vector_load_idx %arg10[%add3A_835] : memref<96xi32, #tpu.memory_space<vmem>>[vector<16xi32>], vector<16xi32>,
    %add3A_837 = arith.addi %mul3A_101, %gather3A_836 : vector<16xi32>
    %mul3A_838 = arith.constant 12 : i32
    %mul3A_839 = arith.muli %mul3A_838, %add3A_741 : i32
    %add3A_840 = arith.constant 6 : i32
    %add3A_841 = arith.addi %mul3A_839, %add3A_840 : i32
    %add3A_842 = arith.constant 1 : i32
    %add3A_843 = arith.addi %add3A_841, %add3A_842 : i32
    %broadcast_in_dim3A_844 = arith.constant 0 : i32
    %broadcast_in_dim3A_845 = vector.broadcast %broadcast_in_dim3A_844 : i32 to vector<16xi32>
    %add3A_846 = vector.broadcast %add3A_843 : i32 to vector<16xi32>
    %add3A_847 = arith.addi %broadcast_in_dim3A_845, %add3A_846 : vector<16xi32>
    %gather3A_848 = tpu.vector_load_idx %arg10[%add3A_847] : memref<96xi32, #tpu.memory_space<vmem>>[vector<16xi32>], vector<16xi32>,
    %add3A_849 = arith.addi %mul3A_101, %gather3A_848 : vector<16xi32>
    %mul3A_850 = arith.constant 12 : i32
    %mul3A_851 = arith.muli %mul3A_850, %add3A_741 : i32
    %add3A_852 = arith.constant 8 : i32
    %add3A_853 = arith.addi %mul3A_851, %add3A_852 : i32
    %add3A_854 = arith.constant 1 : i32
    %add3A_855 = arith.addi %add3A_853, %add3A_854 : i32
    %broadcast_in_dim3A_856 = arith.constant 0 : i32
    %broadcast_in_dim3A_857 = vector.broadcast %broadcast_in_dim3A_856 : i32 to vector<16xi32>
    %add3A_858 = vector.broadcast %add3A_855 : i32 to vector<16xi32>
    %add3A_859 = arith.addi %broadcast_in_dim3A_857, %add3A_858 : vector<16xi32>
    %gather3A_860 = tpu.vector_load_idx %arg10[%add3A_859] : memref<96xi32, #tpu.memory_space<vmem>>[vector<16xi32>], vector<16xi32>,
    %add3A_861 = arith.addi %mul3A_101, %gather3A_860 : vector<16xi32>
    %mul3A_862 = arith.constant 12 : i32
    %mul3A_863 = arith.muli %mul3A_862, %add3A_741 : i32
    %add3A_864 = arith.constant 10 : i32
    %add3A_865 = arith.addi %mul3A_863, %add3A_864 : i32
    %add3A_866 = arith.constant 1 : i32
    %add3A_867 = arith.addi %add3A_865, %add3A_866 : i32
    %broadcast_in_dim3A_868 = arith.constant 0 : i32
    %broadcast_in_dim3A_869 = vector.broadcast %broadcast_in_dim3A_868 : i32 to vector<16xi32>
    %add3A_870 = vector.broadcast %add3A_867 : i32 to vector<16xi32>
    %add3A_871 = arith.addi %broadcast_in_dim3A_869, %add3A_870 : vector<16xi32>
    %gather3A_872 = tpu.vector_load_idx %arg10[%add3A_871] : memref<96xi32, #tpu.memory_space<vmem>>[vector<16xi32>], vector<16xi32>,
    %add3A_873 = arith.addi %mul3A_101, %gather3A_872 : vector<16xi32>
    %mul3A_874 = arith.constant 6 : i32
    %mul3A_875 = arith.muli %mul3A_874, %add3A_741 : i32
    %add3A_876 = arith.constant 0 : i32
    %add3A_877 = arith.addi %mul3A_875, %add3A_876 : i32
    %broadcast_in_dim3A_878 = arith.constant 0 : i32
    %broadcast_in_dim3A_879 = vector.broadcast %broadcast_in_dim3A_878 : i32 to vector<16xi32>
    %add3A_880 = vector.broadcast %add3A_877 : i32 to vector<16xi32>
    %add3A_881 = arith.addi %broadcast_in_dim3A_879, %add3A_880 : vector<16xi32>
    %gather3A_882 = tpu.vector_load_idx %arg11[%add3A_881] : memref<48xf32, #tpu.memory_space<vmem>>[vector<16xi32>], vector<16xf32>,
    %mul3A_883 = arith.constant 6 : i32
    %mul3A_884 = arith.muli %mul3A_883, %add3A_741 : i32
    %add3A_885 = arith.constant 1 : i32
    %add3A_886 = arith.addi %mul3A_884, %add3A_885 : i32
    %broadcast_in_dim3A_887 = arith.constant 0 : i32
    %broadcast_in_dim3A_888 = vector.broadcast %broadcast_in_dim3A_887 : i32 to vector<16xi32>
    %add3A_889 = vector.broadcast %add3A_886 : i32 to vector<16xi32>
    %add3A_890 = arith.addi %broadcast_in_dim3A_888, %add3A_889 : vector<16xi32>
    %gather3A_891 = tpu.vector_load_idx %arg11[%add3A_890] : memref<48xf32, #tpu.memory_space<vmem>>[vector<16xi32>], vector<16xf32>,
    %mul3A_892 = arith.constant 6 : i32
    %mul3A_893 = arith.muli %mul3A_892, %add3A_741 : i32
    %add3A_894 = arith.constant 2 : i32
    %add3A_895 = arith.addi %mul3A_893, %add3A_894 : i32
    %broadcast_in_dim3A_896 = arith.constant 0 : i32
    %broadcast_in_dim3A_897 = vector.broadcast %broadcast_in_dim3A_896 : i32 to vector<16xi32>
    %add3A_898 = vector.broadcast %add3A_895 : i32 to vector<16xi32>
    %add3A_899 = arith.addi %broadcast_in_dim3A_897, %add3A_898 : vector<16xi32>
    %gather3A_900 = tpu.vector_load_idx %arg11[%add3A_899] : memref<48xf32, #tpu.memory_space<vmem>>[vector<16xi32>], vector<16xf32>,
    %mul3A_901 = arith.constant 6 : i32
    %mul3A_902 = arith.muli %mul3A_901, %add3A_741 : i32
    %add3A_903 = arith.constant 3 : i32
    %add3A_904 = arith.addi %mul3A_902, %add3A_903 : i32
    %broadcast_in_dim3A_905 = arith.constant 0 : i32
    %broadcast_in_dim3A_906 = vector.broadcast %broadcast_in_dim3A_905 : i32 to vector<16xi32>
    %add3A_907 = vector.broadcast %add3A_904 : i32 to vector<16xi32>
    %add3A_908 = arith.addi %broadcast_in_dim3A_906, %add3A_907 : vector<16xi32>
    %gather3A_909 = tpu.vector_load_idx %arg11[%add3A_908] : memref<48xf32, #tpu.memory_space<vmem>>[vector<16xi32>], vector<16xf32>,
    %mul3A_910 = arith.constant 6 : i32
    %mul3A_911 = arith.muli %mul3A_910, %add3A_741 : i32
    %add3A_912 = arith.constant 4 : i32
    %add3A_913 = arith.addi %mul3A_911, %add3A_912 : i32
    %broadcast_in_dim3A_914 = arith.constant 0 : i32
    %broadcast_in_dim3A_915 = vector.broadcast %broadcast_in_dim3A_914 : i32 to vector<16xi32>
    %add3A_916 = vector.broadcast %add3A_913 : i32 to vector<16xi32>
    %add3A_917 = arith.addi %broadcast_in_dim3A_915, %add3A_916 : vector<16xi32>
    %gather3A_918 = tpu.vector_load_idx %arg11[%add3A_917] : memref<48xf32, #tpu.memory_space<vmem>>[vector<16xi32>], vector<16xf32>,
    %mul3A_919 = arith.constant 6 : i32
    %mul3A_920 = arith.muli %mul3A_919, %add3A_741 : i32
    %add3A_921 = arith.constant 5 : i32
    %add3A_922 = arith.addi %mul3A_920, %add3A_921 : i32
    %broadcast_in_dim3A_923 = arith.constant 0 : i32
    %broadcast_in_dim3A_924 = vector.broadcast %broadcast_in_dim3A_923 : i32 to vector<16xi32>
    %add3A_925 = vector.broadcast %add3A_922 : i32 to vector<16xi32>
    %add3A_926 = arith.addi %broadcast_in_dim3A_924, %add3A_925 : vector<16xi32>
    %gather3A_927 = tpu.vector_load_idx %arg11[%add3A_926] : memref<48xf32, #tpu.memory_space<vmem>>[vector<16xi32>], vector<16xf32>,
    %mul3A_928 = arith.constant 2 : i32
    %mul3A_929 = arith.muli %mul3A_928, %add3A_741 : i32
    %broadcast_in_dim3A_930 = arith.constant 0 : i32
    %broadcast_in_dim3A_931 = vector.broadcast %broadcast_in_dim3A_930 : i32 to vector<16xi32>
    %add3A_932 = vector.broadcast %mul3A_929 : i32 to vector<16xi32>
    %add3A_933 = arith.addi %broadcast_in_dim3A_931, %add3A_932 : vector<16xi32>
    %gather3A_934 = tpu.vector_load_idx %arg12[%add3A_933] : memref<16xf32, #tpu.memory_space<vmem>>[vector<16xi32>], vector<16xf32>,
    %mul3A_935 = arith.constant 2 : i32
    %mul3A_936 = arith.muli %mul3A_935, %add3A_741 : i32
    %add3A_937 = arith.constant 1 : i32
    %add3A_938 = arith.addi %mul3A_936, %add3A_937 : i32
    %broadcast_in_dim3A_939 = arith.constant 0 : i32
    %broadcast_in_dim3A_940 = vector.broadcast %broadcast_in_dim3A_939 : i32 to vector<16xi32>
    %add3A_941 = vector.broadcast %add3A_938 : i32 to vector<16xi32>
    %add3A_942 = arith.addi %broadcast_in_dim3A_940, %add3A_941 : vector<16xi32>
    %gather3A_943 = tpu.vector_load_idx %arg12[%add3A_942] : memref<16xf32, #tpu.memory_space<vmem>>[vector<16xi32>], vector<16xf32>,
    %scan3A_944 = arith.constant 0 : i32
    %scan3A_945 = arith.constant 0 : i32
    %scan3A_946 = arith.constant 12 : i32
    %scan3A_947 = arith.addi %scan3A_945, %scan3A_946 : i32
    %scan3A_948 = arith.constant 1 : i32
    scf.for %scan3A_950 = %scan3A_945 to %scan3A_947 step %scan3A_948  : i32 {
      %mul3A_951 = arith.constant 816 : i32
      %mul3A_952 = arith.muli %scan3A_950, %mul3A_951 : i32
      %mul3A_953 = arith.constant 384 : i32
      %mul3A_954 = arith.muli %scan3A_950, %mul3A_953 : i32
      %add3A_955 = arith.addi %mul3A_954, %add3A_741 : i32
      %add3A_956 = vector.broadcast %mul3A_952 : i32 to vector<16xi32>
      %add3A_957 = arith.addi %add3A_751, %add3A_956 : vector<16xi32>
      %gather3A_958 = tpu.vector_load_idx %arg8[%add3A_957] : memref<9792xf32, #tpu.memory_space<vmem>>[vector<16xi32>], vector<16xf32>,
      %add3A_959 = arith.constant 272 : i32
      %add3A_960 = arith.addi %mul3A_952, %add3A_959 : i32
      %add3A_961 = vector.broadcast %add3A_960 : i32 to vector<16xi32>
      %add3A_962 = arith.addi %add3A_751, %add3A_961 : vector<16xi32>
      %gather3A_963 = tpu.vector_load_idx %arg8[%add3A_962] : memref<9792xf32, #tpu.memory_space<vmem>>[vector<16xi32>], vector<16xf32>,
      %max3A = arith.maximumf %gather3A_958, %gather3A_963 : vector<16xf32>
      %add3A_964 = arith.constant 544 : i32
      %add3A_965 = arith.addi %mul3A_952, %add3A_964 : i32
      %add3A_966 = vector.broadcast %add3A_965 : i32 to vector<16xi32>
      %add3A_967 = arith.addi %add3A_751, %add3A_966 : vector<16xi32>
      %gather3A_968 = tpu.vector_load_idx %arg8[%add3A_967] : memref<9792xf32, #tpu.memory_space<vmem>>[vector<16xi32>], vector<16xf32>,
      %max3A_969 = arith.maximumf %max3A, %gather3A_968 : vector<16xf32>
      %reduce_max3A = arith.constant true
      %reduce_max3A_970 = vector.broadcast %reduce_max3A : i1 to vector<16xi1>
      %reduce_max3A_971 = tpu.scan <max>, %max3A_969 masked %reduce_max3A_970 : vector<16xf32>, vector<16xi1> -> vector<16xf32>
      %reduce_max3A_972 = vector.extract %reduce_max3A_971[15] : f32 from vector<16xf32>
      %add3A_973 = vector.broadcast %mul3A_952 : i32 to vector<16xi32>
      %add3A_974 = arith.addi %add3A_761, %add3A_973 : vector<16xi32>
      %gather3A_975 = tpu.vector_load_idx %arg8[%add3A_974] : memref<9792xf32, #tpu.memory_space<vmem>>[vector<16xi32>], vector<16xf32>,
      %add3A_976 = arith.constant 272 : i32
      %add3A_977 = arith.addi %mul3A_952, %add3A_976 : i32
      %add3A_978 = vector.broadcast %add3A_977 : i32 to vector<16xi32>
      %add3A_979 = arith.addi %add3A_761, %add3A_978 : vector<16xi32>
      %gather3A_980 = tpu.vector_load_idx %arg8[%add3A_979] : memref<9792xf32, #tpu.memory_space<vmem>>[vector<16xi32>], vector<16xf32>,
      %max3A_981 = arith.maximumf %gather3A_975, %gather3A_980 : vector<16xf32>
      %add3A_982 = arith.constant 544 : i32
      %add3A_983 = arith.addi %mul3A_952, %add3A_982 : i32
      %add3A_984 = vector.broadcast %add3A_983 : i32 to vector<16xi32>
      %add3A_985 = arith.addi %add3A_761, %add3A_984 : vector<16xi32>
      %gather3A_986 = tpu.vector_load_idx %arg8[%add3A_985] : memref<9792xf32, #tpu.memory_space<vmem>>[vector<16xi32>], vector<16xf32>,
      %max3A_987 = arith.maximumf %max3A_981, %gather3A_986 : vector<16xf32>
      %reduce_max3A_988 = arith.constant true
      %reduce_max3A_989 = vector.broadcast %reduce_max3A_988 : i1 to vector<16xi1>
      %reduce_max3A_990 = tpu.scan <max>, %max3A_987 masked %reduce_max3A_989 : vector<16xf32>, vector<16xi1> -> vector<16xf32>
      %reduce_max3A_991 = vector.extract %reduce_max3A_990[15] : f32 from vector<16xf32>
      %add3A_992 = vector.broadcast %mul3A_952 : i32 to vector<16xi32>
      %add3A_993 = arith.addi %add3A_771, %add3A_992 : vector<16xi32>
      %gather3A_994 = tpu.vector_load_idx %arg8[%add3A_993] : memref<9792xf32, #tpu.memory_space<vmem>>[vector<16xi32>], vector<16xf32>,
      %add3A_995 = arith.constant 272 : i32
      %add3A_996 = arith.addi %mul3A_952, %add3A_995 : i32
      %add3A_997 = vector.broadcast %add3A_996 : i32 to vector<16xi32>
      %add3A_998 = arith.addi %add3A_771, %add3A_997 : vector<16xi32>
      %gather3A_999 = tpu.vector_load_idx %arg8[%add3A_998] : memref<9792xf32, #tpu.memory_space<vmem>>[vector<16xi32>], vector<16xf32>,
      %max3A_1000 = arith.maximumf %gather3A_994, %gather3A_999 : vector<16xf32>
      %add3A_1001 = arith.constant 544 : i32
      %add3A_1002 = arith.addi %mul3A_952, %add3A_1001 : i32
      %add3A_1003 = vector.broadcast %add3A_1002 : i32 to vector<16xi32>
      %add3A_1004 = arith.addi %add3A_771, %add3A_1003 : vector<16xi32>
      %gather3A_1005 = tpu.vector_load_idx %arg8[%add3A_1004] : memref<9792xf32, #tpu.memory_space<vmem>>[vector<16xi32>], vector<16xf32>,
      %max3A_1006 = arith.maximumf %max3A_1000, %gather3A_1005 : vector<16xf32>
      %reduce_max3A_1007 = arith.constant true
      %reduce_max3A_1008 = vector.broadcast %reduce_max3A_1007 : i1 to vector<16xi1>
      %reduce_max3A_1009 = tpu.scan <max>, %max3A_1006 masked %reduce_max3A_1008 : vector<16xf32>, vector<16xi1> -> vector<16xf32>
      %reduce_max3A_1010 = vector.extract %reduce_max3A_1009[15] : f32 from vector<16xf32>
      %add3A_1011 = vector.broadcast %mul3A_952 : i32 to vector<16xi32>
      %add3A_1012 = arith.addi %add3A_781, %add3A_1011 : vector<16xi32>
      %gather3A_1013 = tpu.vector_load_idx %arg8[%add3A_1012] : memref<9792xf32, #tpu.memory_space<vmem>>[vector<16xi32>], vector<16xf32>,
      %add3A_1014 = arith.constant 272 : i32
      %add3A_1015 = arith.addi %mul3A_952, %add3A_1014 : i32
      %add3A_1016 = vector.broadcast %add3A_1015 : i32 to vector<16xi32>
      %add3A_1017 = arith.addi %add3A_781, %add3A_1016 : vector<16xi32>
      %gather3A_1018 = tpu.vector_load_idx %arg8[%add3A_1017] : memref<9792xf32, #tpu.memory_space<vmem>>[vector<16xi32>], vector<16xf32>,
      %max3A_1019 = arith.maximumf %gather3A_1013, %gather3A_1018 : vector<16xf32>
      %add3A_1020 = arith.constant 544 : i32
      %add3A_1021 = arith.addi %mul3A_952, %add3A_1020 : i32
      %add3A_1022 = vector.broadcast %add3A_1021 : i32 to vector<16xi32>
      %add3A_1023 = arith.addi %add3A_781, %add3A_1022 : vector<16xi32>
      %gather3A_1024 = tpu.vector_load_idx %arg8[%add3A_1023] : memref<9792xf32, #tpu.memory_space<vmem>>[vector<16xi32>], vector<16xf32>,
      %max3A_1025 = arith.maximumf %max3A_1019, %gather3A_1024 : vector<16xf32>
      %reduce_max3A_1026 = arith.constant true
      %reduce_max3A_1027 = vector.broadcast %reduce_max3A_1026 : i1 to vector<16xi1>
      %reduce_max3A_1028 = tpu.scan <max>, %max3A_1025 masked %reduce_max3A_1027 : vector<16xf32>, vector<16xi1> -> vector<16xf32>
      %reduce_max3A_1029 = vector.extract %reduce_max3A_1028[15] : f32 from vector<16xf32>
      %add3A_1030 = vector.broadcast %mul3A_952 : i32 to vector<16xi32>
      %add3A_1031 = arith.addi %add3A_791, %add3A_1030 : vector<16xi32>
      %gather3A_1032 = tpu.vector_load_idx %arg8[%add3A_1031] : memref<9792xf32, #tpu.memory_space<vmem>>[vector<16xi32>], vector<16xf32>,
      %add3A_1033 = arith.constant 272 : i32
      %add3A_1034 = arith.addi %mul3A_952, %add3A_1033 : i32
      %add3A_1035 = vector.broadcast %add3A_1034 : i32 to vector<16xi32>
      %add3A_1036 = arith.addi %add3A_791, %add3A_1035 : vector<16xi32>
      %gather3A_1037 = tpu.vector_load_idx %arg8[%add3A_1036] : memref<9792xf32, #tpu.memory_space<vmem>>[vector<16xi32>], vector<16xf32>,
      %max3A_1038 = arith.maximumf %gather3A_1032, %gather3A_1037 : vector<16xf32>
      %add3A_1039 = arith.constant 544 : i32
      %add3A_1040 = arith.addi %mul3A_952, %add3A_1039 : i32
      %add3A_1041 = vector.broadcast %add3A_1040 : i32 to vector<16xi32>
      %add3A_1042 = arith.addi %add3A_791, %add3A_1041 : vector<16xi32>
      %gather3A_1043 = tpu.vector_load_idx %arg8[%add3A_1042] : memref<9792xf32, #tpu.memory_space<vmem>>[vector<16xi32>], vector<16xf32>,
      %max3A_1044 = arith.maximumf %max3A_1038, %gather3A_1043 : vector<16xf32>
      %reduce_max3A_1045 = arith.constant true
      %reduce_max3A_1046 = vector.broadcast %reduce_max3A_1045 : i1 to vector<16xi1>
      %reduce_max3A_1047 = tpu.scan <max>, %max3A_1044 masked %reduce_max3A_1046 : vector<16xf32>, vector<16xi1> -> vector<16xf32>
      %reduce_max3A_1048 = vector.extract %reduce_max3A_1047[15] : f32 from vector<16xf32>
      %add3A_1049 = vector.broadcast %mul3A_952 : i32 to vector<16xi32>
      %add3A_1050 = arith.addi %add3A_801, %add3A_1049 : vector<16xi32>
      %gather3A_1051 = tpu.vector_load_idx %arg8[%add3A_1050] : memref<9792xf32, #tpu.memory_space<vmem>>[vector<16xi32>], vector<16xf32>,
      %add3A_1052 = arith.constant 272 : i32
      %add3A_1053 = arith.addi %mul3A_952, %add3A_1052 : i32
      %add3A_1054 = vector.broadcast %add3A_1053 : i32 to vector<16xi32>
      %add3A_1055 = arith.addi %add3A_801, %add3A_1054 : vector<16xi32>
      %gather3A_1056 = tpu.vector_load_idx %arg8[%add3A_1055] : memref<9792xf32, #tpu.memory_space<vmem>>[vector<16xi32>], vector<16xf32>,
      %max3A_1057 = arith.maximumf %gather3A_1051, %gather3A_1056 : vector<16xf32>
      %add3A_1058 = arith.constant 544 : i32
      %add3A_1059 = arith.addi %mul3A_952, %add3A_1058 : i32
      %add3A_1060 = vector.broadcast %add3A_1059 : i32 to vector<16xi32>
      %add3A_1061 = arith.addi %add3A_801, %add3A_1060 : vector<16xi32>
      %gather3A_1062 = tpu.vector_load_idx %arg8[%add3A_1061] : memref<9792xf32, #tpu.memory_space<vmem>>[vector<16xi32>], vector<16xf32>,
      %max3A_1063 = arith.maximumf %max3A_1057, %gather3A_1062 : vector<16xf32>
      %reduce_max3A_1064 = arith.constant true
      %reduce_max3A_1065 = vector.broadcast %reduce_max3A_1064 : i1 to vector<16xi1>
      %reduce_max3A_1066 = tpu.scan <max>, %max3A_1063 masked %reduce_max3A_1065 : vector<16xf32>, vector<16xi1> -> vector<16xf32>
      %reduce_max3A_1067 = vector.extract %reduce_max3A_1066[15] : f32 from vector<16xf32>
      %add3A_1068 = arith.constant 0 : i32
      %add3A_1069 = arith.addi %mul3A_952, %add3A_1068 : i32
      %add3A_1070 = vector.broadcast %add3A_1069 : i32 to vector<16xi32>
      %add3A_1071 = arith.addi %add3A_813, %add3A_1070 : vector<16xi32>
      %gather3A_1072 = tpu.vector_load_idx %arg8[%add3A_1071] : memref<9792xf32, #tpu.memory_space<vmem>>[vector<16xi32>], vector<16xf32>,
      %add3A_1073 = vector.broadcast %reduce_max3A_972 : f32 to vector<16xf32>
      %add3A_1074 = arith.addf %gather3A_1072, %add3A_1073 : vector<16xf32>
      %exp3A = math.exp %add3A_1074 : vector<16xf32>
      %mul3A_1075 = arith.mulf %gather3A_882, %exp3A : vector<16xf32>
      %add3A_1076 = arith.addf %gather3A_934, %mul3A_1075 : vector<16xf32>
      %add3A_1077 = vector.broadcast %add3A_1069 : i32 to vector<16xi32>
      %add3A_1078 = arith.addi %add3A_825, %add3A_1077 : vector<16xi32>
      %gather3A_1079 = tpu.vector_load_idx %arg8[%add3A_1078] : memref<9792xf32, #tpu.memory_space<vmem>>[vector<16xi32>], vector<16xf32>,
      %add3A_1080 = vector.broadcast %reduce_max3A_991 : f32 to vector<16xf32>
      %add3A_1081 = arith.addf %gather3A_1079, %add3A_1080 : vector<16xf32>
      %exp3A_1082 = math.exp %add3A_1081 : vector<16xf32>
      %mul3A_1083 = arith.mulf %gather3A_891, %exp3A_1082 : vector<16xf32>
      %add3A_1084 = arith.addf %add3A_1076, %mul3A_1083 : vector<16xf32>
      %add3A_1085 = vector.broadcast %add3A_1069 : i32 to vector<16xi32>
      %add3A_1086 = arith.addi %add3A_837, %add3A_1085 : vector<16xi32>
      %gather3A_1087 = tpu.vector_load_idx %arg8[%add3A_1086] : memref<9792xf32, #tpu.memory_space<vmem>>[vector<16xi32>], vector<16xf32>,
      %add3A_1088 = vector.broadcast %reduce_max3A_1010 : f32 to vector<16xf32>
      %add3A_1089 = arith.addf %gather3A_1087, %add3A_1088 : vector<16xf32>
      %exp3A_1090 = math.exp %add3A_1089 : vector<16xf32>
      %mul3A_1091 = arith.mulf %gather3A_900, %exp3A_1090 : vector<16xf32>
      %add3A_1092 = arith.addf %add3A_1084, %mul3A_1091 : vector<16xf32>
      %add3A_1093 = vector.broadcast %add3A_1069 : i32 to vector<16xi32>
      %add3A_1094 = arith.addi %add3A_849, %add3A_1093 : vector<16xi32>
      %gather3A_1095 = tpu.vector_load_idx %arg8[%add3A_1094] : memref<9792xf32, #tpu.memory_space<vmem>>[vector<16xi32>], vector<16xf32>,
      %add3A_1096 = vector.broadcast %reduce_max3A_1029 : f32 to vector<16xf32>
      %add3A_1097 = arith.addf %gather3A_1095, %add3A_1096 : vector<16xf32>
      %exp3A_1098 = math.exp %add3A_1097 : vector<16xf32>
      %mul3A_1099 = arith.mulf %gather3A_909, %exp3A_1098 : vector<16xf32>
      %add3A_1100 = arith.addf %gather3A_943, %mul3A_1099 : vector<16xf32>
      %add3A_1101 = vector.broadcast %add3A_1069 : i32 to vector<16xi32>
      %add3A_1102 = arith.addi %add3A_861, %add3A_1101 : vector<16xi32>
      %gather3A_1103 = tpu.vector_load_idx %arg8[%add3A_1102] : memref<9792xf32, #tpu.memory_space<vmem>>[vector<16xi32>], vector<16xf32>,
      %add3A_1104 = vector.broadcast %reduce_max3A_1048 : f32 to vector<16xf32>
      %add3A_1105 = arith.addf %gather3A_1103, %add3A_1104 : vector<16xf32>
      %exp3A_1106 = math.exp %add3A_1105 : vector<16xf32>
      %mul3A_1107 = arith.mulf %gather3A_918, %exp3A_1106 : vector<16xf32>
      %add3A_1108 = arith.addf %add3A_1100, %mul3A_1107 : vector<16xf32>
      %add3A_1109 = vector.broadcast %add3A_1069 : i32 to vector<16xi32>
      %add3A_1110 = arith.addi %add3A_873, %add3A_1109 : vector<16xi32>
      %gather3A_1111 = tpu.vector_load_idx %arg8[%add3A_1110] : memref<9792xf32, #tpu.memory_space<vmem>>[vector<16xi32>], vector<16xf32>,
      %add3A_1112 = vector.broadcast %reduce_max3A_1067 : f32 to vector<16xf32>
      %add3A_1113 = arith.addf %gather3A_1111, %add3A_1112 : vector<16xf32>
      %exp3A_1114 = math.exp %add3A_1113 : vector<16xf32>
      %mul3A_1115 = arith.mulf %gather3A_927, %exp3A_1114 : vector<16xf32>
      %add3A_1116 = arith.addf %add3A_1108, %mul3A_1115 : vector<16xf32>
      %add3A_1117 = arith.constant 0 : i32
      %add3A_1118 = arith.addi %add3A_955, %add3A_1117 : i32
      %add3A_1119 = vector.broadcast %add3A_1118 : i32 to vector<16xi32>
      %add3A_1120 = arith.addi %mul3A_104, %add3A_1119 : vector<16xi32>
      %gather3A_1121 = tpu.vector_load_idx %arg9[%add3A_1120] : memref<4608xi32, #tpu.memory_space<vmem>>[vector<16xi32>], vector<16xi32>,
      %eq3A_1122 = arith.constant 0 : i32
      %eq3A_1123 = vector.broadcast %eq3A_1122 : i32 to vector<16xi32>
      %eq3A_1124 = arith.cmpi eq, %gather3A_1121, %eq3A_1123 : vector<16xi32>
      %select_n3A_1125 = arith.select %eq3A_1124, %add3A_1092, %add3A_1116 : vector<16xi1>, vector<16xf32>
      %mul3A_1126 = arith.constant 48 : i32
      %mul3A_1127 = arith.muli %scan3A_950, %mul3A_1126 : i32
      %add3A_1128 = arith.constant 1728 : i32
      %add3A_1129 = arith.addi %add3A_1128, %mul3A_1127 : i32
      %add3A_1130 = arith.constant 0 : i32
      %add3A_1131 = arith.addi %add3A_1129, %add3A_1130 : i32
      %swap3A = arith.index_cast %add3A_1131 : i32 to index
      %swap3A_1132 = tpu.vector_load %arg13[%swap3A] {strides = array<i32>} : memref<2304xf32, #tpu.memory_space<vmem>>, vector<16xf32>,
      tpu.vector_store %arg13[%swap3A], %select_n3A_1125 {strides = array<i32>} : memref<2304xf32, #tpu.memory_space<vmem>>, vector<16xf32>,
      %add3A_1133 = arith.constant 272 : i32
      %add3A_1134 = arith.addi %mul3A_952, %add3A_1133 : i32
      %add3A_1135 = vector.broadcast %add3A_1134 : i32 to vector<16xi32>
      %add3A_1136 = arith.addi %add3A_813, %add3A_1135 : vector<16xi32>
      %gather3A_1137 = tpu.vector_load_idx %arg8[%add3A_1136] : memref<9792xf32, #tpu.memory_space<vmem>>[vector<16xi32>], vector<16xf32>,
      %add3A_1138 = vector.broadcast %reduce_max3A_972 : f32 to vector<16xf32>
      %add3A_1139 = arith.addf %gather3A_1137, %add3A_1138 : vector<16xf32>
      %exp3A_1140 = math.exp %add3A_1139 : vector<16xf32>
      %mul3A_1141 = arith.mulf %gather3A_882, %exp3A_1140 : vector<16xf32>
      %add3A_1142 = arith.addf %gather3A_934, %mul3A_1141 : vector<16xf32>
      %add3A_1143 = vector.broadcast %add3A_1134 : i32 to vector<16xi32>
      %add3A_1144 = arith.addi %add3A_825, %add3A_1143 : vector<16xi32>
      %gather3A_1145 = tpu.vector_load_idx %arg8[%add3A_1144] : memref<9792xf32, #tpu.memory_space<vmem>>[vector<16xi32>], vector<16xf32>,
      %add3A_1146 = vector.broadcast %reduce_max3A_991 : f32 to vector<16xf32>
      %add3A_1147 = arith.addf %gather3A_1145, %add3A_1146 : vector<16xf32>
      %exp3A_1148 = math.exp %add3A_1147 : vector<16xf32>
      %mul3A_1149 = arith.mulf %gather3A_891, %exp3A_1148 : vector<16xf32>
      %add3A_1150 = arith.addf %add3A_1142, %mul3A_1149 : vector<16xf32>
      %add3A_1151 = vector.broadcast %add3A_1134 : i32 to vector<16xi32>
      %add3A_1152 = arith.addi %add3A_837, %add3A_1151 : vector<16xi32>
      %gather3A_1153 = tpu.vector_load_idx %arg8[%add3A_1152] : memref<9792xf32, #tpu.memory_space<vmem>>[vector<16xi32>], vector<16xf32>,
      %add3A_1154 = vector.broadcast %reduce_max3A_1010 : f32 to vector<16xf32>
      %add3A_1155 = arith.addf %gather3A_1153, %add3A_1154 : vector<16xf32>
      %exp3A_1156 = math.exp %add3A_1155 : vector<16xf32>
      %mul3A_1157 = arith.mulf %gather3A_900, %exp3A_1156 : vector<16xf32>
      %add3A_1158 = arith.addf %add3A_1150, %mul3A_1157 : vector<16xf32>
      %add3A_1159 = vector.broadcast %add3A_1134 : i32 to vector<16xi32>
      %add3A_1160 = arith.addi %add3A_849, %add3A_1159 : vector<16xi32>
      %gather3A_1161 = tpu.vector_load_idx %arg8[%add3A_1160] : memref<9792xf32, #tpu.memory_space<vmem>>[vector<16xi32>], vector<16xf32>,
      %add3A_1162 = vector.broadcast %reduce_max3A_1029 : f32 to vector<16xf32>
      %add3A_1163 = arith.addf %gather3A_1161, %add3A_1162 : vector<16xf32>
      %exp3A_1164 = math.exp %add3A_1163 : vector<16xf32>
      %mul3A_1165 = arith.mulf %gather3A_909, %exp3A_1164 : vector<16xf32>
      %add3A_1166 = arith.addf %gather3A_943, %mul3A_1165 : vector<16xf32>
      %add3A_1167 = vector.broadcast %add3A_1134 : i32 to vector<16xi32>
      %add3A_1168 = arith.addi %add3A_861, %add3A_1167 : vector<16xi32>
      %gather3A_1169 = tpu.vector_load_idx %arg8[%add3A_1168] : memref<9792xf32, #tpu.memory_space<vmem>>[vector<16xi32>], vector<16xf32>,
      %add3A_1170 = vector.broadcast %reduce_max3A_1048 : f32 to vector<16xf32>
      %add3A_1171 = arith.addf %gather3A_1169, %add3A_1170 : vector<16xf32>
      %exp3A_1172 = math.exp %add3A_1171 : vector<16xf32>
      %mul3A_1173 = arith.mulf %gather3A_918, %exp3A_1172 : vector<16xf32>
      %add3A_1174 = arith.addf %add3A_1166, %mul3A_1173 : vector<16xf32>
      %add3A_1175 = vector.broadcast %add3A_1134 : i32 to vector<16xi32>
      %add3A_1176 = arith.addi %add3A_873, %add3A_1175 : vector<16xi32>
      %gather3A_1177 = tpu.vector_load_idx %arg8[%add3A_1176] : memref<9792xf32, #tpu.memory_space<vmem>>[vector<16xi32>], vector<16xf32>,
      %add3A_1178 = vector.broadcast %reduce_max3A_1067 : f32 to vector<16xf32>
      %add3A_1179 = arith.addf %gather3A_1177, %add3A_1178 : vector<16xf32>
      %exp3A_1180 = math.exp %add3A_1179 : vector<16xf32>
      %mul3A_1181 = arith.mulf %gather3A_927, %exp3A_1180 : vector<16xf32>
      %add3A_1182 = arith.addf %add3A_1174, %mul3A_1181 : vector<16xf32>
      %add3A_1183 = arith.constant 128 : i32
      %add3A_1184 = arith.addi %add3A_955, %add3A_1183 : i32
      %add3A_1185 = vector.broadcast %add3A_1184 : i32 to vector<16xi32>
      %add3A_1186 = arith.addi %mul3A_104, %add3A_1185 : vector<16xi32>
      %gather3A_1187 = tpu.vector_load_idx %arg9[%add3A_1186] : memref<4608xi32, #tpu.memory_space<vmem>>[vector<16xi32>], vector<16xi32>,
      %eq3A_1188 = arith.constant 0 : i32
      %eq3A_1189 = vector.broadcast %eq3A_1188 : i32 to vector<16xi32>
      %eq3A_1190 = arith.cmpi eq, %gather3A_1187, %eq3A_1189 : vector<16xi32>
      %select_n3A_1191 = arith.select %eq3A_1190, %add3A_1158, %add3A_1182 : vector<16xi1>, vector<16xf32>
      %mul3A_1192 = arith.constant 48 : i32
      %mul3A_1193 = arith.muli %scan3A_950, %mul3A_1192 : i32
      %add3A_1194 = arith.constant 1728 : i32
      %add3A_1195 = arith.addi %add3A_1194, %mul3A_1193 : i32
      %add3A_1196 = arith.constant 16 : i32
      %add3A_1197 = arith.addi %add3A_1195, %add3A_1196 : i32
      %swap3A_1198 = arith.index_cast %add3A_1197 : i32 to index
      %swap3A_1199 = tpu.vector_load %arg13[%swap3A_1198] {strides = array<i32>} : memref<2304xf32, #tpu.memory_space<vmem>>, vector<16xf32>,
      tpu.vector_store %arg13[%swap3A_1198], %select_n3A_1191 {strides = array<i32>} : memref<2304xf32, #tpu.memory_space<vmem>>, vector<16xf32>,
      %add3A_1200 = arith.constant 544 : i32
      %add3A_1201 = arith.addi %mul3A_952, %add3A_1200 : i32
      %add3A_1202 = vector.broadcast %add3A_1201 : i32 to vector<16xi32>
      %add3A_1203 = arith.addi %add3A_813, %add3A_1202 : vector<16xi32>
      %gather3A_1204 = tpu.vector_load_idx %arg8[%add3A_1203] : memref<9792xf32, #tpu.memory_space<vmem>>[vector<16xi32>], vector<16xf32>,
      %add3A_1205 = vector.broadcast %reduce_max3A_972 : f32 to vector<16xf32>
      %add3A_1206 = arith.addf %gather3A_1204, %add3A_1205 : vector<16xf32>
      %exp3A_1207 = math.exp %add3A_1206 : vector<16xf32>
      %mul3A_1208 = arith.mulf %gather3A_882, %exp3A_1207 : vector<16xf32>
      %add3A_1209 = arith.addf %gather3A_934, %mul3A_1208 : vector<16xf32>
      %add3A_1210 = vector.broadcast %add3A_1201 : i32 to vector<16xi32>
      %add3A_1211 = arith.addi %add3A_825, %add3A_1210 : vector<16xi32>
      %gather3A_1212 = tpu.vector_load_idx %arg8[%add3A_1211] : memref<9792xf32, #tpu.memory_space<vmem>>[vector<16xi32>], vector<16xf32>,
      %add3A_1213 = vector.broadcast %reduce_max3A_991 : f32 to vector<16xf32>
      %add3A_1214 = arith.addf %gather3A_1212, %add3A_1213 : vector<16xf32>
      %exp3A_1215 = math.exp %add3A_1214 : vector<16xf32>
      %mul3A_1216 = arith.mulf %gather3A_891, %exp3A_1215 : vector<16xf32>
      %add3A_1217 = arith.addf %add3A_1209, %mul3A_1216 : vector<16xf32>
      %add3A_1218 = vector.broadcast %add3A_1201 : i32 to vector<16xi32>
      %add3A_1219 = arith.addi %add3A_837, %add3A_1218 : vector<16xi32>
      %gather3A_1220 = tpu.vector_load_idx %arg8[%add3A_1219] : memref<9792xf32, #tpu.memory_space<vmem>>[vector<16xi32>], vector<16xf32>,
      %add3A_1221 = vector.broadcast %reduce_max3A_1010 : f32 to vector<16xf32>
      %add3A_1222 = arith.addf %gather3A_1220, %add3A_1221 : vector<16xf32>
      %exp3A_1223 = math.exp %add3A_1222 : vector<16xf32>
      %mul3A_1224 = arith.mulf %gather3A_900, %exp3A_1223 : vector<16xf32>
      %add3A_1225 = arith.addf %add3A_1217, %mul3A_1224 : vector<16xf32>
      %add3A_1226 = vector.broadcast %add3A_1201 : i32 to vector<16xi32>
      %add3A_1227 = arith.addi %add3A_849, %add3A_1226 : vector<16xi32>
      %gather3A_1228 = tpu.vector_load_idx %arg8[%add3A_1227] : memref<9792xf32, #tpu.memory_space<vmem>>[vector<16xi32>], vector<16xf32>,
      %add3A_1229 = vector.broadcast %reduce_max3A_1029 : f32 to vector<16xf32>
      %add3A_1230 = arith.addf %gather3A_1228, %add3A_1229 : vector<16xf32>
      %exp3A_1231 = math.exp %add3A_1230 : vector<16xf32>
      %mul3A_1232 = arith.mulf %gather3A_909, %exp3A_1231 : vector<16xf32>
      %add3A_1233 = arith.addf %gather3A_943, %mul3A_1232 : vector<16xf32>
      %add3A_1234 = vector.broadcast %add3A_1201 : i32 to vector<16xi32>
      %add3A_1235 = arith.addi %add3A_861, %add3A_1234 : vector<16xi32>
      %gather3A_1236 = tpu.vector_load_idx %arg8[%add3A_1235] : memref<9792xf32, #tpu.memory_space<vmem>>[vector<16xi32>], vector<16xf32>,
      %add3A_1237 = vector.broadcast %reduce_max3A_1048 : f32 to vector<16xf32>
      %add3A_1238 = arith.addf %gather3A_1236, %add3A_1237 : vector<16xf32>
      %exp3A_1239 = math.exp %add3A_1238 : vector<16xf32>
      %mul3A_1240 = arith.mulf %gather3A_918, %exp3A_1239 : vector<16xf32>
      %add3A_1241 = arith.addf %add3A_1233, %mul3A_1240 : vector<16xf32>
      %add3A_1242 = vector.broadcast %add3A_1201 : i32 to vector<16xi32>
      %add3A_1243 = arith.addi %add3A_873, %add3A_1242 : vector<16xi32>
      %gather3A_1244 = tpu.vector_load_idx %arg8[%add3A_1243] : memref<9792xf32, #tpu.memory_space<vmem>>[vector<16xi32>], vector<16xf32>,
      %add3A_1245 = vector.broadcast %reduce_max3A_1067 : f32 to vector<16xf32>
      %add3A_1246 = arith.addf %gather3A_1244, %add3A_1245 : vector<16xf32>
      %exp3A_1247 = math.exp %add3A_1246 : vector<16xf32>
      %mul3A_1248 = arith.mulf %gather3A_927, %exp3A_1247 : vector<16xf32>
      %add3A_1249 = arith.addf %add3A_1241, %mul3A_1248 : vector<16xf32>
      %add3A_1250 = arith.constant 256 : i32
      %add3A_1251 = arith.addi %add3A_955, %add3A_1250 : i32
      %add3A_1252 = vector.broadcast %add3A_1251 : i32 to vector<16xi32>
      %add3A_1253 = arith.addi %mul3A_104, %add3A_1252 : vector<16xi32>
      %gather3A_1254 = tpu.vector_load_idx %arg9[%add3A_1253] : memref<4608xi32, #tpu.memory_space<vmem>>[vector<16xi32>], vector<16xi32>,
      %eq3A_1255 = arith.constant 0 : i32
      %eq3A_1256 = vector.broadcast %eq3A_1255 : i32 to vector<16xi32>
      %eq3A_1257 = arith.cmpi eq, %gather3A_1254, %eq3A_1256 : vector<16xi32>
      %select_n3A_1258 = arith.select %eq3A_1257, %add3A_1225, %add3A_1249 : vector<16xi1>, vector<16xf32>
      %mul3A_1259 = arith.constant 48 : i32
      %mul3A_1260 = arith.muli %scan3A_950, %mul3A_1259 : i32
      %add3A_1261 = arith.constant 1728 : i32
      %add3A_1262 = arith.addi %add3A_1261, %mul3A_1260 : i32
      %add3A_1263 = arith.constant 32 : i32
      %add3A_1264 = arith.addi %add3A_1262, %add3A_1263 : i32
      %swap3A_1265 = arith.index_cast %add3A_1264 : i32 to index
      %swap3A_1266 = tpu.vector_load %arg13[%swap3A_1265] {strides = array<i32>} : memref<2304xf32, #tpu.memory_space<vmem>>, vector<16xf32>,
      tpu.vector_store %arg13[%swap3A_1265], %select_n3A_1258 {strides = array<i32>} : memref<2304xf32, #tpu.memory_space<vmem>>, vector<16xf32>,
    }
    %scan3A_949 = arith.constant 12 : i32
    "tpu.region"() ({
      %run_scoped3A = tpu.sem_alloc : memref<!tpu.dma_semaphore, #tpu.memory_space<semaphore_mem>>
      %dma_start3A_950 = arith.constant 0 : i32
      %dma_start3A_951 = tpu.memref_slice %arg7[%add3A, %dma_start3A_950] : memref<32x2304xf32, #tpu.memory_space<hbm>> -> memref<1x2304xf32, #tpu.memory_space<hbm>>
      %dma_start3A_952 = tpu.memref_squeeze %dma_start3A_951 : memref<1x2304xf32, #tpu.memory_space<hbm>> -> memref<2304xf32, #tpu.memory_space<hbm>>
      %dma_start3A_953 = arith.constant 0 : i32
      %dma_start3A_954 = tpu.memref_slice %arg7[%add3A, %dma_start3A_953] : memref<32x2304xf32, #tpu.memory_space<hbm>> -> memref<1x2304xf32, #tpu.memory_space<hbm>>
      %dma_start3A_955 = tpu.memref_squeeze %dma_start3A_954 : memref<1x2304xf32, #tpu.memory_space<hbm>> -> memref<2304xf32, #tpu.memory_space<hbm>>
      tpu.enqueue_dma source(%arg13 : memref<2304xf32, #tpu.memory_space<vmem>>) target(%dma_start3A_955 : memref<2304xf32, #tpu.memory_space<hbm>>) target_semaphore(%run_scoped3A : memref<!tpu.dma_semaphore, #tpu.memory_space<semaphore_mem>>)
      %dma_wait3A_956 = arith.constant 0 : i32
      %dma_wait3A_957 = tpu.memref_slice %arg7[%add3A, %dma_wait3A_956] : memref<32x2304xf32, #tpu.memory_space<hbm>> -> memref<1x2304xf32, #tpu.memory_space<hbm>>
      %dma_wait3A_958 = tpu.memref_squeeze %dma_wait3A_957 : memref<1x2304xf32, #tpu.memory_space<hbm>> -> memref<2304xf32, #tpu.memory_space<hbm>>
      %dma_wait3A_959 = arith.constant 0 : i32
      %dma_wait3A_960 = tpu.memref_slice %arg7[%add3A, %dma_wait3A_959] : memref<32x2304xf32, #tpu.memory_space<hbm>> -> memref<1x2304xf32, #tpu.memory_space<hbm>>
      %dma_wait3A_961 = tpu.memref_squeeze %dma_wait3A_960 : memref<1x2304xf32, #tpu.memory_space<hbm>> -> memref<2304xf32, #tpu.memory_space<hbm>>
      tpu.wait_dma2 semaphore(%run_scoped3A : memref<!tpu.dma_semaphore, #tpu.memory_space<semaphore_mem>>) src(%arg13 : memref<2304xf32, #tpu.memory_space<vmem>>) dst(%dma_wait3A_961 : memref<2304xf32, #tpu.memory_space<hbm>>)
      tpu.yield
    }) : () -> ()
    return
  }
}

</mosaic_0001>

<sc_bundles>
// kernel: kernel.3.cloned.1.call-start
scs
__scs_entry_jumppad:
0x0: {  	(pc) =	sbr.rel $0x88, $3  }
0x1: {  	(tag) =	ssettag $0x0;
	lr =	simm.s32 $0x1  }
0x2: {  	[smem:$0x3F9C] =	sst lr;
	_ =	strace $0xD0000000  }
0x3: {  	_ = 	snop  }
0x4: {  	_ = 	snop  }
0x5: {  	_ = 	snop  }
0x6: {  	_ = 	snop  }
0x7: {  	_ = 	snop  }
__scs_overlays_trampoline_lowered:
0x8: {  	[smem:$0x3FAB] =	sst s0  }
0x9: {  	[smem:$0x3FAC] =	sst s1  }
0xa: {  	[smem:$0x3FAD] =	sst s2  }
0xb: {  	[smem:$0x3FAE] =	sst s3  }
0xc: {  	[smem:$0x3FAF] =	sst s4  }
0xd: {  	[smem:$0x3FB0] =	sst s5  }
0xe: {  	[smem:$0x3FB1] =	sst s6  }
0xf: {  	[smem:$0x3FB2] =	sst s7  }
0x10: {  	[smem:$0x3FB3] =	sst s8  }
0x11: {  	[smem:$0x3FB4] =	sst s9;
	s0 =	simm.s32 @!p0 $0x0  }
0x12: {  	s1 =	sld [smem:$0x3F9A];
	s0 =	simm.s32 @p0 $0x1  }
0x13: {  	[smem:$0x3FB5] =	sst s0;
	s0 =	simm.s32 @!p1 $0x0  }
0x14: {  	s2 =	sld [smem:$0x3F99];
	s0 =	simm.s32 @p1 $0x1  }
0x15: {  	[smem:$0x3FB6] =	sst s0;
	s0 =	simm.s32 @!p2 $0x0  }
0x16: {  	s3 =	sld [smem:$0x3FDB];
	s0 =	simm.s32 @p2 $0x1  }
0x17: {  	s4 =	simm.s32 $0x1BF5;
	[smem:$0x3FB8] =	sst s0  }
0x18: {  	s0 =	sld [smem:$0x3F9B];
	_ =	swait.ge [sflag:s4], $0x0  }
0x19: {  	s7 =	sld [smem:$0x3F9C]  }
0x1a: {  	s8 =	sadd.s32 $0xFFFFE003, lr  }
0x1b: {  	s9 =	sadd.s32 $0xFFFFFEF7, lr;
	s5 =	simm.s32 $0xFFFFFFFF;
	p2 =	slt.u32 s8, $0xFFFFF086  }
0x1c: {  	p1 =	slt.u32 s9, $0xF7A;
	s5 =	simm.s32 @!p2 $0x0  }
0x1d: {  	s5 =	simm.s32 @p1 $0x1;
	p0 =	seq.s32 s7, s2  }
0x1e: {  	s7 =	smul.u32 @!p0 $0xF7A, s2;
	p2 =	seq.s32 @!p0 s5, $0x0  }
0x1f: {  	s9 =	smul.u32 $0xF7A, s1;
	s8 =	simm.s32 @!p0 $0x1BF5;
	p2 =	por !p2, p0  }
0x20: {  	[sflag:s8] =	ssyncset.s32 @!p0 $0xFFFFF086;
	s6 =	sadd.s32 @!p0 s3, s7;
	s7 =	simm.s32 @!p0 $0x108  }
0x21: {  	s3 =	sadd.s32 s3, s9;
	s6 =	sadd.s32 @!p0 $0x88, s6;
	s7 =	simm.s32 @p2 $0x1082  }
0x22: {  	[simem:s7], [sflag:s8] =	dma.local @!p0 [hbm:s6], $0xF7A  }
0x23: {  	s9 =	sor.u32 $0xD0000000, s2;
	s6 =	simm.s32 $0x108;
	_ =	swait.ge @!p0 [sflag:s8], $0x0  }
0x24: {  	s3 =	sadd.s32 $0x88, s3;
	s6 =	simm.s32 @!p1 $0x1082;
	[sflag:s4] =	ssyncset.s32 $0xFFFFF086  }
0x25: {  	[simem:s6], [sflag:s4] =	dma.local [hbm:s3], $0xF7A  }
0x26: {  	[smem:$0x3F9C] =	sst s1;
	(tag) =	ssettag s2;
	_ =	strace s9  }
0x27: {  	s1 =	sld [smem:$0x3FAC]  }
0x28: {  	s2 =	sld [smem:$0x3FAD]  }
0x29: {  	s4 =	sld [smem:$0x3FAF]  }
0x2a: {  	p0 =	seq.s32 s5, $0x0;
	s5 =	sld [smem:$0x3FB0]  }
0x2b: {  	s6 =	sld [smem:$0x3FB1]  }
0x2c: {  	s7 =	sld [smem:$0x3FB2]  }
0x2d: {  	s3 =	simm.s32 $0x108;
	s8 =	sld [smem:$0x3FB3]  }
0x2e: {  	s3 =	simm.s32 @!p0 $0x1082;
	s9 =	sld [smem:$0x3FB4]  }
0x2f: {  	lr =	sadd.s32 s0, s3;
	s0 =	sld [smem:$0x3FAB]  }
0x30: {  	s3 =	sld [smem:$0x3FAE]  }
0x31: {  	[smem:$0x3FB7] =	sst s10  }
0x32: {  	s10 =	sld [smem:$0x3FB5];
	_ =	sdelay $0x3  }
0x33: {  	p0 =	seq.s32 s10, $0x1;
	s10 =	sld [smem:$0x3FB7];
	_ =	sdelay $0x3  }
0x34: {  	[smem:$0x3FB7] =	sst s10  }
0x35: {  	s10 =	sld [smem:$0x3FB6];
	_ =	sdelay $0x3  }
0x36: {  	p1 =	seq.s32 s10, $0x1;
	s10 =	sld [smem:$0x3FB7];
	_ =	sdelay $0x3  }
0x37: {  	[smem:$0x3FB7] =	sst s10  }
0x38: {  	s10 =	sld [smem:$0x3FB8]  }
0x39: {  	_ = 	snop;
	(pc) =	sbr.ind lr, $3  }
0x3a: {  	_ = 	snop  }
0x3b: {  	_ = 	snop  }
0x3c: {  	p2 =	seq.s32 s10, $0x1;
	s10 =	sld [smem:$0x3FB7]  }
0x3d: {  	_ =	shalt  }
0x3e: {  	_ =	shalt  }
0x3f: {  	_ =	shalt  }
0x40: {  	_ =	shalt  }
0x41: {  	_ =	shalt  }
0x42: {  	_ =	shalt  }
0x43: {  	_ =	shalt  }
0x44: {  	_ =	shalt  }
0x45: {  	_ =	shalt  }
0x46: {  	_ =	shalt  }
0x47: {  	_ =	shalt  }
0x48: {  	_ =	shalt  }
0x49: {  	_ =	shalt  }
0x4a: {  	_ =	shalt  }
0x4b: {  	_ =	shalt  }
0x4c: {  	_ =	shalt  }
0x4d: {  	_ =	shalt  }
0x4e: {  	_ =	shalt  }
0x4f: {  	_ =	shalt  }
0x50: {  	_ =	shalt  }
0x51: {  	_ =	shalt  }
0x52: {  	_ =	shalt  }
0x53: {  	_ =	shalt  }
0x54: {  	_ =	shalt  }
0x55: {  	_ =	shalt  }
0x56: {  	_ =	shalt  }
0x57: {  	_ =	shalt  }
0x58: {  	_ =	shalt  }
0x59: {  	_ =	shalt  }
0x5a: {  	_ =	shalt  }
0x5b: {  	_ =	shalt  }
0x5c: {  	_ =	shalt  }
0x5d: {  	_ =	shalt  }
0x5e: {  	_ =	shalt  }
0x5f: {  	_ =	shalt  }
0x60: {  	_ =	shalt  }
0x61: {  	_ =	shalt  }
0x62: {  	_ =	shalt  }
0x63: {  	_ =	shalt  }
0x64: {  	_ =	shalt  }
0x65: {  	_ =	shalt  }
0x66: {  	_ =	shalt  }
0x67: {  	_ =	shalt  }
0x68: {  	_ =	shalt  }
0x69: {  	_ =	shalt  }
0x6a: {  	_ =	shalt  }
0x6b: {  	_ =	shalt  }
0x6c: {  	_ =	shalt  }
0x6d: {  	_ =	shalt  }
0x6e: {  	_ =	shalt  }
0x6f: {  	_ =	shalt  }
0x70: {  	_ =	shalt  }
0x71: {  	_ =	shalt  }
0x72: {  	_ =	shalt  }
0x73: {  	_ =	shalt  }
0x74: {  	_ =	shalt  }
0x75: {  	_ =	shalt  }
0x76: {  	_ =	shalt  }
0x77: {  	_ =	shalt  }
0x78: {  	_ =	shalt  }
0x79: {  	_ =	shalt  }
0x7a: {  	_ =	shalt  }
0x7b: {  	_ =	shalt  }
0x7c: {  	_ =	shalt  }
0x7d: {  	_ =	shalt  }
0x7e: {  	_ =	shalt  }
0x7f: {  	_ =	shalt  }
0x80: {  	_ =	shalt  }
0x81: {  	_ =	shalt  }
0x82: {  	_ =	shalt  }
0x83: {  	_ =	shalt  }
0x84: {  	_ =	shalt  }
0x85: {  	_ =	shalt  }
0x86: {  	_ =	shalt  }
0x87: {  	_ =	shalt  }
.Lfunc_end0:
.L_simem_size_0:
called_computation_lowered:
.L_overlay_start_0:
0x88: {  	s2 =	sld [smem:$0x3FD9]  }
0x89: {  	s3 =	sld [smem:$0x3FFE];
	_ =	sdelay $0x1  }
0x8a: {  	s1 =	srdreg.scid  }
0x8b: {  	s0 =	sand.u32 $0x1, s1  }
0x8c: {  	s17 =	sshll.u32 s0, $0xA;
	s2 =	sadd.s32 s3, s2  }
0x8d: {  	s2 =	sadd.s32 s2, s17  }
0x8e: {  	[smem:$0x3FC3] =	sst s2  }
0x8f: {  	_ = 	snop  }
0x90: {  	s2 =	sld [smem:$0x3FC5]  }
0x91: {  	s18 =	sld [smem:$0x3FD0];
	(tm) =	ssettm $0x1  }
0x92: {  	s4 =	sld [smem:$0x3FFB];
	_ =	sdelay $0x3  }
0x93: {  	_ =	strace s4  }
0x94: {  	s4 =	sld [smem:$0x3FFC];
	_ =	sdelay $0x3  }
0x95: {  	_ =	strace s4  }
0x96: {  	s4 =	sld [smem:$0x3FFD];
	_ =	sdelay $0x3  }
0x97: {  	_ =	strace s4  }
0x98: {  	_ =	strace $0x8FFFFFFF  }
0x99: {  	s19 =	sld [smem:$0x3FDB];
	_ =	sdelay $0x1  }
0x9a: {  	s5 =	simm.s32 $_scs_section_size  }
0x9b: {  	s6 =	simm.s32 $_size__tile_overlayer_lowered;
	s7 =	simm.s32 $_tile_overlayer_lowered  }
0x9c: {  	s22 =	simm.s32 $0x1BFF;
	s21 =	sshll.u32 s7, $0x1;
	s4 =	sadd.s32 s5, s19  }
0x9d: {  	s8 =	simm.s32 $0x0;
	s20 =	sshll.u32 s6, $0x1;
	s6 =	sadd.s32 s21, s4  }
0x9e: {  	[timem:s8], [sflag:s22] =	dma.local [hbm:s6], s20  }
0x9f: {  	_ =	swait.ge [sflag:s22], s20  }
0xa0: {  	s5 =	ssub.s32 $0x0, s20;
	[sflag:s22] =	ssyncset.done $0x0  }
0xa1: {  	[sflag:s22] =	ssyncadd.s32 s5;
	_ =	sdelay $0x1  }
0xa2: {  	s23 =	simm.s32 $0x1B8B  }
0xa3: {  	_ =	swait.ge [sflag:s23], $0x1  }
0xa4: {  	[sflag:s23] =	ssyncset.done $0x0  }
0xa5: {  	s25 =	simm.s32 $0x1B8E;
	s24 =	sld [smem:$0x3FFE];
	[sflag:s23] =	ssyncadd.s32 $0xFFFFFFFF  }
0xa6: {  	s26 =	simm.s32 $execute0_lowered;
	[smem:$0x3FD2] =	sst s25  }
0xa7: {  	s6 =	sshll.u32 s26, $0x1;
	_ =	strace $0x80000046;
	[dreg:$0x1] =	wrdreg $0xFFFFFFFF  }
0xa8: {  	s28 =	simm.s32 $_size_execute0_lowered;
	s4 =	sadd.s32 s4, s6;
	[dreg:$0x0] =	wrdreg $0x0  }
0xa9: {  	s6 =	sshll.u32 s28, $0x1;
	[dreg:$0x2] =	wrdreg s4  }
0xaa: {  	[dreg:$0x3] =	wrdreg s6  }
0xab: {  	[dreg:$0x4] =	wrdreg $0xC0  }
0xac: {  	_ =	task [dreg:s8], $0x5FFFF  }
0xad: {  	[dreg:$0x1] =	wrdreg $0xFFFFFFFF  }
0xae: {  	[dreg:$0x0] =	wrdreg $0x60  }
0xaf: {  	[dreg:$0x2] =	wrdreg s18  }
0xb0: {  	[dreg:$0x3] =	wrdreg s24  }
0xb1: {  	[dreg:$0x4] =	wrdreg s2  }
0xb2: {  	[dreg:$0x5] =	wrdreg $0x9  }
0xb3: {  	_ =	task.clear_ibuf [dreg:s8], $0x6FFFF;
	_ =	strace $0x90000046  }
0xb4: {  	s29 =	simm.s32 $0x9;
	_ =	strace $0x80000048  }
0xb5: {  	_ =	swait.ge [sflag:s29], $0x1  }
0xb6: {  	[sflag:s29] =	ssyncadd.s32 $0xFFFFFFFF  }
0xb7: {  	_ =	strace $0x90000048  }
0xb8: {  	_ =	sfence  }
0xb9: {  	s30 =	sld [smem:$0x0];
	_ =	sdelay $0x2  }
0xba: {  	s31 =	sshll.u32 s1, $0xD;
	s1 =	sshrl.u32 s1, $0x2  }
0xbb: {  	s3 =	sand.u32 $0x4000, s31;
	s1 =	sadd.s32 s1, s30  }
0xbc: {  	s0 =	sor.u32 s3, s0;
	s1 =	sshll.u32 s1, $0x11  }
0xbd: {  	s0 =	sor.u32 s1, s0  }
0xbe: {  	s0 =	sadd.s32 $0x8F2B, s0  }
0xbf: {  	[sflag:s0] =	ssyncadd.remote.s32 $0x1  }
0xc0: {  	_ =	sfence.sel $0xFFFF  }
0xc1: {  	[dreg:$0x0] =	wrdreg $0xFFFFFFFF;
	(pc) =	sbr.abs _section_cstart, $3  }
0xc2: {  	[dreg:$0x1] =	wrdreg $0xFFFFFFFF  }
0xc3: {  	_ =	task.clear_ibuf [dreg:s8], $0x2FFFF;
	_ =	strace $0x9FFFFFFF  }
0xc4: {  	(tm) =	ssettm $0x7FFFFFFF  }
0xc5: {  	_ =	shalt  }
tec
execute0_lowered:
.L_overlay_start_1:
0x0: {  	(tag) =	ssettag $0x1  }
0x1: {  	s1 =	srdreg.scid;
	s0 =	stileid.u32  }
0x2: {  	s8 =	sand.u32 $0x1, s1;
	s9 =	sshll.u32 s0, $0x1;
	s25 =	sshrl.u32 s0, $0x1  }
0x3: {  	s1 =	sor.u32 s8, s9;
	s13 =	sand.u32 $0x1, s25  }
0x4: {  	s3 =	sand.u32 $0x4, s0;
	s4 =	sand.u32 $0x3, s1;
	s29 =	smul.u32 $0x30, s13  }
0x5: {  	s6 =	rddreg [dreg:$0x0];
	s4 =	sor.u32 s3, s4;
	s3 =	simm.s32 $0x0  }
0x6: {  	[smem:$0x7FF] =	sst s3;
	s30 =	sor.u32 $0x2, s29;
	v0 =	vmov s29  }
0x7: {  	s7 =	rddreg [dreg:$0x1];
	s31 =	sor.u32 $0x4, s29;
	_ =	strace $0x80000047;
	[tilespmem:$0x1FC20] =	vst v0;
	v0 =	vmov s30  }
0x8: {  	s14 =	sor.u32 $0x6, s29;
	[tilespmem:$0x1FC30] =	vst v0;
	v0 =	vmov s31  }
0x9: {  	s15 =	sor.u32 $0x8, s29;
	[tilespmem:$0x1FC40] =	vst v0;
	v0 =	vmov s14  }
0xa: {  	s16 =	sor.u32 $0xA, s29;
	[tilespmem:$0x1FC50] =	vst v0;
	v0 =	vmov s15  }
0xb: {  	s5 =	sshrl.u32 s0, $0x3;
	s17 =	sor.u32 $0x1, s29;
	[tilespmem:$0x1FC60] =	vst v0;
	v0 =	vmov s16  }
0xc: {  	s10 =	smul.u32 $0x9000, s5;
	s18 =	sor.u32 $0x3, s29;
	[tilespmem:$0x1FC70] =	vst v0;
	v0 =	vmov s17  }
0xd: {  	s23 =	sshrl.u32 s0, $0x2;
	s24 =	smul.u32 $0x13400, s5;
	s20 =	sor.u32 $0x5, s29;
	[tilespmem:$0x1FC80] =	vst v0;
	v0 =	vmov s18  }
0xe: {  	s5 =	sadd.s32 $0x3000, s7;
	s8 =	ssub.s32 $0x2, s8;
	s21 =	sor.u32 $0x7, s29;
	[tilespmem:$0x1FC90] =	vst v0;
	v0 =	vmov s20  }
0xf: {  	s1 =	sshll.u32 s1, $0x7;
	s19 =	smul.u32 $0x18, s13;
	s22 =	sor.u32 $0x9, s29;
	[tilespmem:$0x1FCA0] =	vst v0;
	v0 =	vmov s21  }
0x10: {  	s28 =	sshrl.u32 s8, $0x1;
	s1 =	sand.u32 $0x380, s1;
	s0 =	sor.u32 $0xB, s29;
	[tilespmem:$0x1FCB0] =	vst v0;
	v0 =	vmov s22  }
0x11: {  	s11 =	sshll.u32 s4, $0x7;
	s4 =	smul.u32 $0x4800, s23;
	s2 =	sor.u32 $0x1, s19;
	[tilespmem:$0x1FCC0] =	vst v0;
	v0 =	vmov s0  }
0x12: {  	s25 =	sor.u32 $0x4, s19;
	s10 =	sor.u32 s10, s11;
	s26 =	sor.u32 s24, s11;
	[tilespmem:$0x1FCD0] =	vst v0;
	v0 =	vmov s19  }
0x13: {  	s24 =	sor.u32 $0x3, s19;
	s10 =	sshrl.u32 s10, $0x3;
	s14 =	sor.u32 $0x2, s19;
	[tilespmem:$0x1FCE0] =	vst v0;
	v0 =	vmov s2  }
0x14: {  	s1 =	sor.u32 s4, s1;
	s4 =	sadd.s32 $0x2E00, s7;
	s12 =	sadd.s32 s10, s7;
	[tilespmem:$0x1FCF0] =	vst v0;
	v0 =	vmov s14  }
0x15: {  	s1 =	sshrl.u32 s1, $0x3;
	s10 =	ssub.s32 s8, s28;
	s8 =	sand.u32 $0x4, s9;
	[tilespmem:$0x1FD00] =	vst v0;
	v0 =	vmov s24  }
0x16: {  	s1 =	sadd.s32 s1, s7;
	s7 =	sshrl.u32 s26, $0x3;
	s26 =	sor.u32 $0x5, s19;
	[tilespmem:$0x1FD10] =	vst v0;
	v0 =	vmov s25  }
0x17: {  	s13 =	sshll.u32 s13, $0x3;
	s23 =	sor.u32 $0x1, s8;
	[tilespmem:$0x1FD20] =	vst v0;
	v0 =	vmov s26  }
0x18: {  	s28 =	sor.u32 $0x1, s13;
	s15 =	smul.u32 $0xC, s23;
	[tilespmem:$0x1FD30] =	vst v0;
	v0 =	vmov s13  }
0x19: {  	[tilespmem:$0x1FD40] =	vst v0;
	v0 =	vmov s28  }
0x1a: {  	s29 =	sor.u32 $0x2, s15;
	[tilespmem:$0x1FD50] =	vst v0;
	v0 =	vmov s15  }
0x1b: {  	s30 =	sadd.s32 $0x4, s15;
	[tilespmem:$0x1FD60] =	vst v0;
	v0 =	vmov s29  }
0x1c: {  	s31 =	sadd.s32 $0x6, s15;
	[tilespmem:$0x1FD70] =	vst v0;
	v0 =	vmov s30  }
0x1d: {  	s0 =	sadd.s32 $0x8, s15;
	[tilespmem:$0x1FD80] =	vst v0;
	v0 =	vmov s31  }
0x1e: {  	s2 =	sadd.s32 $0xA, s15;
	[tilespmem:$0x1FD90] =	vst v0;
	v0 =	vmov s0  }
0x1f: {  	s14 =	sor.u32 $0x1, s15;
	[tilespmem:$0x1FDA0] =	vst v0;
	v0 =	vmov s2  }
0x20: {  	s22 =	sor.u32 $0x3, s15;
	[tilespmem:$0x1FDB0] =	vst v0;
	v0 =	vmov s14  }
0x21: {  	s24 =	sadd.s32 $0x5, s15;
	[tilespmem:$0x1FDC0] =	vst v0;
	v0 =	vmov s22  }
0x22: {  	s25 =	sadd.s32 $0x7, s15;
	[tilespmem:$0x1FDD0] =	vst v0;
	v0 =	vmov s24  }
0x23: {  	s26 =	sadd.s32 $0x9, s15;
	[tilespmem:$0x1FDE0] =	vst v0;
	v0 =	vmov s25  }
0x24: {  	s16 =	smul.u32 $0x6, s23;
	s15 =	sadd.s32 $0xB, s15;
	[tilespmem:$0x1FDF0] =	vst v0;
	v0 =	vmov s26  }
0x25: {  	[tilespmem:$0x1FE00] =	vst v0;
	v0 =	vmov s15  }
0x26: {  	s28 =	sor.u32 $0x1, s16;
	[tilespmem:$0x1FE10] =	vst v0;
	v0 =	vmov s16  }
0x27: {  	s29 =	sadd.s32 $0x2, s16;
	[tilespmem:$0x1FE20] =	vst v0;
	v0 =	vmov s28  }
0x28: {  	s30 =	sadd.s32 $0x3, s16;
	[tilespmem:$0x1FE30] =	vst v0;
	v0 =	vmov s29  }
0x29: {  	s31 =	sadd.s32 $0x4, s16;
	[tilespmem:$0x1FE40] =	vst v0;
	v0 =	vmov s30  }
0x2a: {  	s0 =	sadd.s32 $0x5, s16;
	[tilespmem:$0x1FE50] =	vst v0;
	v0 =	vmov s31  }
0x2b: {  	s21 =	sor.u32 $0x2, s8;
	s2 =	sshll.u32 s23, $0x1;
	[tilespmem:$0x1FE60] =	vst v0;
	v0 =	vmov s0  }
0x2c: {  	s19 =	smul.u32 $0xC, s21;
	s22 =	sshllo.u32 s23, $0x1;
	[tilespmem:$0x1FE70] =	vst v0;
	v0 =	vmov s2  }
0x2d: {  	[tilespmem:$0x1FE80] =	vst v0;
	v0 =	vmov s22  }
0x2e: {  	s23 =	sor.u32 $0x2, s19;
	[tilespmem:$0x1FE90] =	vst v0;
	v0 =	vmov s19  }
0x2f: {  	s24 =	sor.u32 $0x4, s19;
	[tilespmem:$0x1FEA0] =	vst v0;
	v0 =	vmov s23  }
0x30: {  	s26 =	sadd.s32 $0x8, s19;
	[tilespmem:$0x1FEB0] =	vst v0;
	v0 =	vmov s24  }
0x31: {  	[tilespmem:$0x1FEC0] =	vst v0;
	v0 =	vmov s26  }
0x32: {  	v0 =	vbroadcast v0, $0x0  }
0x33: {  	s28 =	sadd.s32 $0xA, s19  }
0x34: {  	[tilespmem:$0x1FEE0] =	vst v0;
	v0 =	vmov s28  }
0x35: {  	v0 =	vbroadcast v0, $0x0  }
0x36: {  	s29 =	sor.u32 $0x1, s19  }
0x37: {  	s30 =	sor.u32 $0x3, s19;
	[tilespmem:$0x1FEF0] =	vst v0;
	v0 =	vmov s29  }
0x38: {  	s31 =	sor.u32 $0x5, s19;
	[tilespmem:$0x1FF00] =	vst v0;
	v0 =	vmov s30  }
0x39: {  	s2 =	sadd.s32 $0x9, s19;
	[tilespmem:$0x1FF10] =	vst v0;
	v0 =	vmov s31  }
0x3a: {  	s10 =	smax.u32 s10, $0x1;
	s11 =	sor.u32 $0x101, s8;
	s25 =	sor.u32 $0x6, s19;
	[tilespmem:$0x1FF20] =	vst v0;
	v0 =	vmov s2  }
0x3b: {  	s6 =	sadd.s32 s6, s7;
	s7 =	sadd.s32 $0xA00, s12;
	v1 =	vmov s25;
	s24 =	sadd.s32 $0xB, s19;
	v0 =	vbroadcast v0, $0x0  }
0x3c: {  	s18 =	sor.u32 $0x3, s8;
	s13 =	smul.u32 $0x6, s21;
	[tilespmem:$0x1FED0] =	vst v1;
	s0 =	sor.u32 $0x7, s19;
	v1 =	vmov s24  }
0x3d: {  	s9 =	sadd.s32 $0x3200, s1;
	s12 =	sor.u32 $0x102, s8;
	s20 =	smul.u32 $0xC, s18;
	v2 =	vmov s0;
	[tilespmem:$0x1FF40] =	vst v0;
	v0 =	vbroadcast v1, $0x0  }
0x3e: {  	s17 =	sor.u32 $0x1, s13;
	s14 =	simm.s32 $0x80;
	s25 =	sor.u32 $0x2, s13;
	[tilespmem:$0x1FF30] =	vst v2  }
0x3f: {  	s15 =	simm.s32 $0x400;
	s16 =	simm.s32 $0x2680;
	s0 =	sadd.s32 $0x6, s20;
	[tilespmem:$0x1FF50] =	vst v0;
	v0 =	vmov s13  }
0x40: {  	v63 =	vmov s0;
	s0 =	sshll.u32 s18, $0x1;
	s22 =	simm.s32 $0x2;
	s23 =	sshll.u32 s21, $0x1;
	[tilespmem:$0x1FF60] =	vst v0;
	v0 =	vmov s17  }
0x41: {  	s19 =	sor.u32 $0x3, s13;
	s26 =	sadd.s32 $0x4, s13;
	s24 =	sor.u32 $0xA, s20;
	[tilespmem:$0x1FF70] =	vst v0;
	v0 =	vmov s25  }
0x42: {  	v16 =	vlaneseq.u32;
	s28 =	sadd.s32 $0x5, s13;
	s29 =	sshllo.u32 s21, $0x1;
	s30 =	sor.u32 $0x2, s20;
	[tilespmem:$0x1FF80] =	vst v0;
	v0 =	vmov s19  }
0x43: {  	v16 =	vmul.u32 $0x11, v16;
	s31 =	sadd.s32 $0x4, s20;
	s2 =	sor.u32 $0x8, s20;
	v1 =	vmov s24;
	s24 =	simm.s32 $0x0;
	[tilespmem:$0x1FF90] =	vst v0;
	v0 =	vmov s26  }
0x44: {  	v14 =	vmov s0;
	v62 =	vmov s31;
	s13 =	sor.u32 $0x1, s20;
	s17 =	sor.u32 $0x3, s20;
	s25 =	smul.u32 $0x6, s18;
	[tilespmem:$0x1FFA0] =	vst v0;
	v0 =	vmov s28  }
0x45: {  	v2 =	vmov s13;
	s13 =	sor.u32 $0x103, s8;
	v3 =	vmov s17;
	s17 =	simm.s32 $0x3880;
	s19 =	sadd.s32 $0x5, s20;
	[tilespmem:$0x1FFB0] =	vst v0;
	v0 =	vmov s23  }
0x46: {  	s26 =	sadd.s32 $0x7, s20;
	s21 =	sadd.s32 $0x3, s25;
	s31 =	sor.u32 $0x5, s25;
	v4 =	vmov s19;
	v8 =	vmov s25;
	[tilespmem:$0x1FFC0] =	vst v0;
	v0 =	vmov s29  }
0x47: {  	s19 =	simm.s32 $0x3900;
	s28 =	sor.u32 $0x9, s20;
	v5 =	vmov s26;
	v11 =	vmov s21;
	s23 =	sor.u32 $0x1, s25;
	[tilespmem:$0x1FFD0] =	vst v0;
	v0 =	vmov s20  }
0x48: {  	s21 =	simm.s32 $0x1;
	v13 =	vmov s31;
	s29 =	sadd.s32 $0x2, s25;
	v9 =	vmov s23;
	s23 =	simm.s32 $0x3A00;
	[tilespmem:$0x1FFE0] =	vst v0;
	v0 =	vmov s30  }
0x49: {  	v6 =	vmov s28;
	s20 =	sor.u32 $0xB, s20;
	v10 =	vmov s29;
	s30 =	sor.u32 $0x4, s25;
	[tilespmem:$0x1FFF0] =	vst v0;
	v0 =	vmov s2;
	s2 =	sshllo.u32 s18, $0x1  }
0x4a: {  	v7 =	vmov s20;
	s20 =	simm.s32 $0x3980;
	s18 =	simm.s32 $0x3;
	v12 =	vmov s30;
	v15 =	vmov s2;
	s2 =	rddreg [dreg:$0x2]  }
.LBB2_1:
0x4b: {  	[tilespmem:s3], [sflag:$0x1] =	stream.strided.gather [hbm4b:s6+s14], $0x2680, s15, s14, $0x38;
	[tilespmem:$0x4300] =	vst v63  }
0x4c: {  	_ = 	snop  }
0x4d: {  	[tilespmem:s16], [sflag:$0x2] =	stream.strided.gather [hbm4b:s7+s14], $0x1200, s15, s14, $0x38;
	[tilespmem:$0x4300] =	vst v63  }
0x4e: {  	_ = 	snop  }
0x4f: {  	[tilespmem:s17], [sflag:$0x3] =	stream.linear.gather [hbm4b:s4+s3], $0x80, $0x38;
	[tilespmem:$0x4300] =	vst v63  }
0x50: {  	_ =	swait.ge [sflag:s18], $0x80  }
0x51: {  	[sflag:s18] =	ssyncset.done $0x0  }
0x52: {  	[sflag:s18] =	ssyncadd.s32 $0xFFFFFF80  }
0x53: {  	[tilespmem:s19], [sflag:$0x3] =	stream.linear.gather [hbm4b:s5+s3], $0x80, $0x38;
	[tilespmem:$0x4300] =	vst v63  }
0x54: {  	_ =	swait.ge [sflag:s18], $0x80  }
0x55: {  	[sflag:s18] =	ssyncset.done $0x0  }
0x56: {  	[sflag:s18] =	ssyncadd.s32 $0xFFFFFF80  }
0x57: {  	[tilespmem:s20], [sflag:$0x3] =	stream.linear.gather [hbm4b:s2+s3], $0x80, $0x38;
	[tilespmem:$0x4300] =	vst v63  }
0x58: {  	_ =	swait.ge [sflag:s18], $0x80  }
0x59: {  	[sflag:s18] =	ssyncset.done $0x0  }
0x5a: {  	[sflag:s18] =	ssyncadd.s32 $0xFFFFFF80  }
0x5b: {  	_ =	swait.ge [sflag:s21], $0x2680  }
0x5c: {  	[sflag:s21] =	ssyncset.done $0x0  }
0x5d: {  	[sflag:s21] =	ssyncadd.s32 $0xFFFFD980  }
0x5e: {  	_ =	swait.ge [sflag:s22], $0x1200  }
0x5f: {  	v18 =	vld [tilespmem:$0x1FC30];
	_ =	sdelay $0x5  }
0x60: {  	[sflag:s22] =	ssyncset.done $0x0  }
0x61: {  	[sflag:s22] =	ssyncadd.s32 $0xFFFFEE00  }
0x62: {  	v20 =	vld.idx.msk [tilespmem:v18+s17+$0x0], $0xffff  }
0x63: {  	v18 =	vld [tilespmem:$0x1FC70];
	_ =	sdelay $0x7  }
0x64: {  	v19 =	vld.idx.msk [tilespmem:v18+s17+$0x0], $0xffff  }
0x65: {  	v18 =	vld [tilespmem:$0x1FC40];
	_ =	sdelay $0x7  }
0x66: {  	v23 =	vld.idx.msk [tilespmem:v18+s17+$0x0], $0xffff  }
0x67: {  	v18 =	vld [tilespmem:$0x1FC60];
	_ =	sdelay $0x2  }
0x68: {  	v25 =	vld [tilespmem:$0x1FCA0]  }
0x69: {  	v17 =	vld [tilespmem:$0x1FC20]  }
0x6a: {  	v24 =	vld [tilespmem:$0x1FC90]  }
0x6b: {  	v26 =	vld [tilespmem:$0x1FCB0]  }
0x6c: {  	v30 =	vld [tilespmem:$0x1FCC0]  }
0x6d: {  	v21 =	vld.idx.msk [tilespmem:v18+s17+$0x0], $0xffff  }
0x6e: {  	v18 =	vld [tilespmem:$0x1FC50]  }
0x6f: {  	s26 =	simm.s32 $0x220;
	v32 =	vld [tilespmem:$0x1FCD0];
	v19 =	vadd.s32 v16, v19  }
0x70: {  	v29 =	vld.idx.msk [tilespmem:v25+s17+$0x0], $0xffff;
	v25 =	vadd.s32 s26, v19  }
0x71: {  	v17 =	vld.idx.msk [tilespmem:v17+s17+$0x0], $0xffff  }
0x72: {  	v27 =	vld.idx.msk [tilespmem:v24+s17+$0x0], $0xffff;
	v20 =	vadd.s32 v16, v20  }
0x73: {  	s1 =	simm.s32 $0x110;
	v26 =	vld.idx.msk [tilespmem:v26+s17+$0x0], $0xffff;
	v28 =	vadd.s32 s26, v20  }
0x74: {  	v30 =	vld.idx.msk [tilespmem:v30+s17+$0x0], $0xffff;
	v37 =	vadd.s32 s1, v20  }
0x75: {  	s0 =	simm.s32 $0x0;
	v36 =	vld.idx.msk [tilespmem:v25+s3+$0x0], $0xffff  }
0x76: {  	v25 =	vadd.s32 s0, v20;
	v22 =	vld.idx.msk [tilespmem:v18+s17+$0x0], $0xffff;
	v18 =	vadd.s32 v16, v17  }
0x77: {  	v32 =	vld.idx.msk [tilespmem:v32+s17+$0x0], $0xffff;
	v23 =	vadd.s32 v16, v23;
	v24 =	vadd.s32 s26, v18  }
0x78: {  	v28 =	vld.idx.msk [tilespmem:v28+s3+$0x0], $0xffff;
	v44 =	vadd.s32 s1, v23;
	v21 =	vadd.s32 v16, v21  }
0x79: {  	v37 =	vld.idx.msk [tilespmem:v37+s3+$0x0], $0xffff;
	v31 =	vadd.s32 s26, v21  }
0x7a: {  	v38 =	vadd.s32 s0, v21;
	v17 =	vld [tilespmem:$0x1FC80]  }
0x7b: {  	v42 =	vld.idx.msk [tilespmem:v25+s3+$0x0], $0xffff;
	v34 =	vadd.s32 s0, v18  }
0x7c: {  	v35 =	vld.idx.msk [tilespmem:v24+s3+$0x0], $0xffff;
	v24 =	vadd.s32 s1, v21  }
0x7d: {  	v51 =	vld.idx.msk [tilespmem:v44+s3+$0x0], $0xffff;
	v22 =	vadd.s32 v16, v22  }
0x7e: {  	v31 =	vld.idx.msk [tilespmem:v31+s3+$0x0], $0xffff;
	v33 =	vadd.s32 s26, v22  }
0x7f: {  	v38 =	vld.idx.msk [tilespmem:v38+s3+$0x0], $0xffff;
	v39 =	vadd.s32 s0, v22  }
0x80: {  	v34 =	vld.idx.msk [tilespmem:v34+s3+$0x0], $0xffff;
	v40 =	vadd.s32 s1, v22  }
0x81: {  	v41 =	vld.idx.msk [tilespmem:v24+s3+$0x0], $0xffff;
	v24 =	vadd.s32 s1, v18  }
0x82: {  	v25 =	vadd.s32 s1, v19;
	v17 =	vld.idx.msk [tilespmem:v17+s17+$0x0], $0xffff  }
0x83: {  	v43 =	vadd.s32 s0, v19;
	v33 =	vld.idx.msk [tilespmem:v33+s3+$0x0], $0xffff  }
0x84: {  	v45 =	vadd.s32 s0, v23;
	v39 =	vld.idx.msk [tilespmem:v39+s3+$0x0], $0xffff  }
0x85: {  	v46 =	vadd.s32 s26, v23;
	v40 =	vld.idx.msk [tilespmem:v40+s3+$0x0], $0xffff  }
0x86: {  	v47 =	vld.idx.msk [tilespmem:v24+s3+$0x0], $0xffff  }
0x87: {  	v24 =	vadd.s32 v16, v17;
	v17 =	vld.idx.msk [tilespmem:v25+s3+$0x0], $0xffff  }
0x88: {  	v25 =	vadd.s32 v16, v26;
	v26 =	vadd.s32 v16, v30;
	v30 =	vld.idx.msk [tilespmem:v43+s3+$0x0], $0xffff;
	v38 =	vmax.f32 v38, v41  }
0x89: {  	v27 =	vadd.s32 v16, v27;
	v52 =	vld.idx.msk [tilespmem:v45+s3+$0x0], $0xffff;
	v37 =	vmax.f32 v42, v37;
	v31 =	vmax.f32 v38, v31  }
0x8a: {  	v54 =	vld.idx.msk [tilespmem:v46+s3+$0x0], $0xffff;
	v28 =	vmax.f32 v37, v28;
	v53 =	vmax.f32 v39, v40;
	v50 =	vadd.s32 s0, v26;
	(xrf0) =	vmax.scan.msk.f32 $0xffff, v31  }
0x8b: {  	v33 =	vmax.f32 v53, v33;
	v31 =	vadd.s32 s0, v25;
	(xrf0) =	vmax.scan.msk.f32 $0xffff, v28;
	v34 =	vmax.f32 v34, v47  }
0x8c: {  	v29 =	vadd.s32 v16, v29;
	v55 =	vadd.s32 s0, v24;
	(xrf0) =	vmax.scan.msk.f32 $0xffff, v33;
	v28 =	vmax.f32 v34, v35  }
0x8d: {  	v17 =	vmax.f32 v30, v17;
	v30 =	vadd.s32 s0, v27;
	(xrf0) =	vmax.scan.msk.f32 $0xffff, v28;
	v28 =	vadd.s32 v16, v32  }
0x8e: {  	v58 =	vmax.f32 v52, v51;
	v17 =	vmax.f32 v17, v36;
	v57 =	vadd.s32 s0, v28  }
0x8f: {  	v56 =	vld.idx.msk [tilespmem:v50+s3+$0x0], $0xffff;
	v34 =	vmax.f32 v58, v54;
	(xrf0) =	vmax.scan.msk.f32 $0xffff, v17;
	v17 =	vadd.s32 s0, v29  }
0x90: {  	v31 =	vld.idx.msk [tilespmem:v31+s3+$0x0], $0xffff;
	v59, _, _ =	vpop (xrf0);
	(xrf0) =	vmax.scan.msk.f32 $0xffff, v34  }
0x91: {  	v60 =	vld.idx.msk [tilespmem:v55+s3+$0x0], $0xffff;
	v61, _, _ =	vpop (xrf0)  }
0x92: {  	v38 =	vbroadcast v59, $0xF;
	v43, _, _ =	vpop (xrf0);
	v30 =	vld.idx.msk [tilespmem:v30+s3+$0x0], $0xffff  }
0x93: {  	v39 =	vbroadcast v43, $0xF;
	v44, _, _ =	vpop (xrf0);
	v33 =	vld.idx.msk [tilespmem:v57+s3+$0x0], $0xffff  }
0x94: {  	v32 =	vadd.f32 v56, v38;
	v17 =	vld.idx.msk [tilespmem:v17+s3+$0x0], $0xffff;
	v40 =	vbroadcast v44, $0xF  }
0x95: {  	v41 =	vbroadcast v61, $0xF;
	v31 =	vadd.f32 v31, v39;
	v45, _, _ =	vpop (xrf0)  }
0x96: {  	v32 =	vmul.f32 $1.442695020e+00, v32;
	v42 =	vbroadcast v45, $0xF;
	v47, _, _ =	vpop (xrf0);
	v46 =	vadd.f32 v60, v40  }
0x97: {  	v31 =	vmul.f32 $1.442695020e+00, v31;
	v30 =	vadd.f32 v30, v41;
	v43 =	vbroadcast v47, $0xF  }
0x98: {  	(erf) = vpow2.f32 v32;
	v48 =	vmul.f32 $1.442695020e+00, v46;
	v33 =	vadd.f32 v33, v42  }
0x99: {  	(erf) = vpow2.f32 v31;
	v30 =	vmul.f32 $1.442695020e+00, v30;
	v17 =	vadd.f32 v17, v43  }
0x9a: {  	(erf) = vpow2.f32 v48;
	v49 =	vmul.f32 $1.442695020e+00, v33  }
0x9b: {  	v52 =	vld [tilespmem:$0x1FD40];
	v17 =	vmul.f32 $1.442695020e+00, v17;
	(erf) = vpow2.f32 v30  }
0x9c: {  	v50 =	vld [tilespmem:$0x1FD10];
	(erf) = vpow2.f32 v49  }
0x9d: {  	(erf) = vpow2.f32 v17;
	v17 =	vld [tilespmem:$0x1FD20]  }
0x9e: {  	v31 =	vld [tilespmem:$0x1FCE0]  }
0x9f: {  	v51 =	vld [tilespmem:$0x1FD50]  }
0xa0: {  	v30 =	vld [tilespmem:$0x1FCF0]  }
0xa1: {  	v57 =	vld [tilespmem:$0x1FD30]  }
0xa2: {  	v55 =	vld [tilespmem:$0x1FD00]  }
0xa3: {  	v37 =	vld.idx.msk [tilespmem:v52+s20+$0x0], $0xffff  }
0xa4: {  	v35 =	vld.idx.msk [tilespmem:v50+s19+$0x0], $0xffff  }
0xa5: {  	v36 =	vld.idx.msk [tilespmem:v17+s19+$0x0], $0xffff;
	v17 =	vlaneseq.u32  }
0xa6: {  	v31 =	vld.idx.msk [tilespmem:v31+s19+$0x0], $0xffff;
	v17 =	vmul.u32 $0x8, v17  }
0xa7: {  	v33 =	vld.idx.msk [tilespmem:v51+s20+$0x0], $0xffff  }
0xa8: {  	v54 =	vpop (erf);
	v30 =	vld.idx.msk [tilespmem:v30+s19+$0x0], $0xffff;
	v53 =	vor.u32 s8, v17  }
0xa9: {  	v32 =	vld.idx.msk [tilespmem:v57+s19+$0x0], $0xffff;
	v56 =	vpop (erf)  }
0xaa: {  	v34 =	vld.idx.msk [tilespmem:v55+s19+$0x0], $0xffff;
	v46 =	vmul.f32 v56, v35;
	v58 =	vpop (erf)  }
0xab: {  	v47 =	vmul.f32 v58, v31  }
0xac: {  	v46 =	vadd.f32 v46, v33;
	v48 =	vpop (erf)  }
0xad: {  	v49 =	vpop (erf);
	v47 =	vadd.f32 v47, v37;
	v48 =	vmul.f32 v48, v30;
	v45 =	vmul.f32 v54, v36;
	v44 =	vld.idx.msk [tilespmem:v53+s16+$0x0], $0xffff  }
0xae: {  	v59 =	vpop (erf);
	v60 =	vmul.f32 v49, v32  }
0xaf: {  	v47 =	vadd.f32 v48, v47;
	v45 =	vadd.f32 v45, v46;
	v46 =	vmul.f32 v59, v34  }
0xb0: {  	v61 =	vadd.s32 s1, v24  }
0xb1: {  	v52 =	vadd.s32 s1, v25;
	v46 =	vadd.f32 v46, v47;
	v45 =	vadd.f32 v60, v45  }
0xb2: {  	v53 =	vadd.s32 s1, v26;
	vm0 =	veq.s32 v44, $0x0  }
0xb3: {  	s25 =	simm.s32 $0x3A10;
	v54 =	vadd.s32 s1, v27;
	v45 =	vsel vm0, v46, v45  }
0xb4: {  	v55 =	vadd.s32 s1, v29;
	[tilespmem:s25+$0xFFFFFFF0] =	vst v45  }
0xb5: {  	v57 =	vadd.s32 s1, v28;
	v56 =	vld.idx.msk [tilespmem:v61+s3+$0x0], $0xffff  }
0xb6: {  	v47 =	vld.idx.msk [tilespmem:v52+s3+$0x0], $0xffff  }
0xb7: {  	v44 =	vld.idx.msk [tilespmem:v53+s3+$0x0], $0xffff  }
0xb8: {  	v46 =	vld.idx.msk [tilespmem:v54+s3+$0x0], $0xffff  }
0xb9: {  	v45 =	vld.idx.msk [tilespmem:v55+s3+$0x0], $0xffff  }
0xba: {  	v49 =	vld.idx.msk [tilespmem:v57+s3+$0x0], $0xffff;
	v48 =	vadd.f32 v56, v40  }
0xbb: {  	v47 =	vadd.f32 v47, v39  }
0xbc: {  	v44 =	vadd.f32 v44, v38;
	v48 =	vmul.f32 $1.442695020e+00, v48  }
0xbd: {  	v46 =	vadd.f32 v46, v41;
	v47 =	vmul.f32 $1.442695020e+00, v47  }
0xbe: {  	v45 =	vadd.f32 v45, v43;
	v44 =	vmul.f32 $1.442695020e+00, v44;
	(erf) = vpow2.f32 v48  }
0xbf: {  	v58 =	vadd.f32 v49, v42;
	v46 =	vmul.f32 $1.442695020e+00, v46;
	(erf) = vpow2.f32 v47  }
0xc0: {  	v59 =	vmul.f32 $1.442695020e+00, v45;
	(erf) = vpow2.f32 v44  }
0xc1: {  	v60 =	vmul.f32 $1.442695020e+00, v58;
	(erf) = vpow2.f32 v46  }
0xc2: {  	(erf) = vpow2.f32 v59  }
0xc3: {  	(erf) = vpow2.f32 v60;
	_ =	sdelay $0x1  }
0xc4: {  	s30 =	sadd.s32 $0x80, s8  }
0xc5: {  	v61 =	vor.u32 s30, v17  }
0xc6: {  	v50 =	vpop (erf)  }
0xc7: {  	v51 =	vpop (erf);
	v45 =	vmul.f32 v50, v31  }
0xc8: {  	v52 =	vpop (erf);
	v46 =	vmul.f32 v51, v35  }
0xc9: {  	v53 =	vpop (erf);
	v45 =	vadd.f32 v45, v37  }
0xca: {  	v44 =	vld.idx.msk [tilespmem:v61+s16+$0x0], $0xffff;
	v47 =	vmul.f32 v52, v36;
	v48 =	vmul.f32 v53, v30;
	v46 =	vadd.f32 v46, v33;
	v54 =	vpop (erf)  }
0xcb: {  	v55 =	vpop (erf);
	v49 =	vmul.f32 v54, v34  }
0xcc: {  	v45 =	vadd.f32 v48, v45;
	v46 =	vadd.f32 v47, v46;
	v56 =	vmul.f32 v55, v32  }
0xcd: {  	v57 =	vadd.s32 s26, v24  }
0xce: {  	v58 =	vadd.s32 s26, v25;
	v45 =	vadd.f32 v49, v45;
	v46 =	vadd.f32 v56, v46  }
0xcf: {  	v60 =	vadd.s32 s26, v26;
	vm15 =	veq.s32 v44, $0x0  }
0xd0: {  	v61 =	vadd.s32 s26, v27;
	v44 =	vsel vm15, v45, v46  }
0xd1: {  	v52 =	vadd.s32 s26, v29;
	[tilespmem:s25+$0x0] =	vst v44  }
0xd2: {  	v53 =	vadd.s32 s26, v28;
	v59 =	vld.idx.msk [tilespmem:v57+s3+$0x0], $0xffff  }
0xd3: {  	v44 =	vld.idx.msk [tilespmem:v58+s3+$0x0], $0xffff  }
0xd4: {  	v54 =	vld.idx.msk [tilespmem:v60+s3+$0x0], $0xffff  }
0xd5: {  	v55 =	vld.idx.msk [tilespmem:v61+s3+$0x0], $0xffff  }
0xd6: {  	v56 =	vld.idx.msk [tilespmem:v52+s3+$0x0], $0xffff  }
0xd7: {  	v57 =	vld.idx.msk [tilespmem:v53+s3+$0x0], $0xffff;
	v40 =	vadd.f32 v59, v40  }
0xd8: {  	v39 =	vadd.f32 v44, v39  }
0xd9: {  	v38 =	vadd.f32 v54, v38;
	v40 =	vmul.f32 $1.442695020e+00, v40  }
0xda: {  	v41 =	vadd.f32 v55, v41;
	v39 =	vmul.f32 $1.442695020e+00, v39  }
0xdb: {  	v43 =	vadd.f32 v56, v43;
	v38 =	vmul.f32 $1.442695020e+00, v38;
	(erf) = vpow2.f32 v40  }
0xdc: {  	v59 =	vmul.f32 $1.442695020e+00, v41;
	v40 =	vadd.f32 v57, v42;
	(erf) = vpow2.f32 v39  }
0xdd: {  	v60 =	vmul.f32 $1.442695020e+00, v43;
	(erf) = vpow2.f32 v38  }
0xde: {  	s31 =	sadd.s32 $0x100, s8;
	v61 =	vmul.f32 $1.442695020e+00, v40;
	(erf) = vpow2.f32 v59  }
0xdf: {  	v58 =	vor.u32 s31, v17;
	(erf) = vpow2.f32 v60  }
0xe0: {  	(erf) = vpow2.f32 v61;
	_ =	sdelay $0x3  }
0xe1: {  	s28 =	simm.s32 $0x550;
	s29 =	smov.u32 s8;
	s26 =	simm.s32 $0x3A10;
	v42 =	vld.idx.msk [tilespmem:v58+s16+$0x0], $0xffff;
	v38 =	vpop (erf)  }
.LBB2_2:
0xe2: {  	p0 =	sne.s32 s28, $0x2530;
	s29 =	sadd.s32 $0x180, s29;
	s25 =	sadd.s32 $0x30, s25;
	v39 =	vpop (erf)  }
0xe3: {  	v38 =	vmul.f32 v38, v31;
	s30 =	smov.u32 s28;
	s28 =	sadd.s32 $0x330, s28;
	v39 =	vmul.f32 v39, v35;
	v40 =	vpop (erf)  }
0xe4: {  	v40 =	vmul.f32 v40, v36;
	v41 =	vpop (erf)  }
0xe5: {  	v38 =	vadd.f32 v38, v37;
	v41 =	vmul.f32 v41, v30;
	v39 =	vadd.f32 v39, v33;
	v43 =	vpop (erf)  }
0xe6: {  	v43 =	vmul.f32 v43, v34;
	v44 =	vpop (erf)  }
0xe7: {  	v38 =	vadd.f32 v41, v38;
	v39 =	vadd.f32 v40, v39;
	v40 =	vmul.f32 v44, v32;
	_ =	sdelay $0x1  }
0xe8: {  	v38 =	vadd.f32 v43, v38;
	v39 =	vadd.f32 v40, v39  }
0xe9: {  	vm0 =	veq.s32 v42, $0x0  }
0xea: {  	v40 =	vadd.s32 s30, v18;
	v38 =	vsel vm0, v38, v39  }
0xeb: {  	v42 =	vadd.s32 s30, v19;
	v41 =	vadd.s32 s30, v22;
	v39 =	vadd.s32 s30, v23;
	[tilespmem:s26+$0x10] =	vst v38;
	s26 =	smov.u32 s25  }
0xec: {  	v38 =	vadd.s32 s30, v20  }
0xed: {  	s0 =	sadd.s32 $0xFFFFFDE0, s30;
	s1 =	sadd.s32 $0xFFFFFEF0, s30;
	v43 =	vadd.s32 s30, v21  }
0xee: {  	v45 =	vadd.s32 s1, v18;
	v46 =	vadd.s32 s0, v27;
	v44 =	vadd.s32 s0, v18  }
0xef: {  	v47 =	vadd.s32 s1, v22;
	v48 =	vadd.s32 s0, v21;
	v49 =	vadd.s32 s1, v21;
	v40 =	vld.idx.msk [tilespmem:v40+s3+$0x0], $0xffff  }
0xf0: {  	v50 =	vadd.s32 s0, v20;
	v51 =	vadd.s32 s1, v20;
	v52 =	vadd.s32 s0, v23;
	v42 =	vld.idx.msk [tilespmem:v42+s3+$0x0], $0xffff  }
0xf1: {  	v53 =	vadd.s32 s1, v23;
	v54 =	vadd.s32 s0, v19;
	v55 =	vadd.s32 s1, v19;
	v38 =	vld.idx.msk [tilespmem:v38+s3+$0x0], $0xffff  }
0xf2: {  	v56 =	vadd.s32 s0, v24;
	v57 =	vadd.s32 s0, v25;
	v58 =	vadd.s32 s0, v26;
	v43 =	vld.idx.msk [tilespmem:v43+s3+$0x0], $0xffff  }
0xf3: {  	v59 =	vadd.s32 s0, v22;
	v60 =	vadd.s32 s0, v29;
	v61 =	vadd.s32 s0, v28;
	v41 =	vld.idx.msk [tilespmem:v41+s3+$0x0], $0xffff  }
0xf4: {  	v44 =	vld.idx.msk [tilespmem:v44+s3+$0x0], $0xffff  }
0xf5: {  	v49 =	vld.idx.msk [tilespmem:v49+s3+$0x0], $0xffff  }
0xf6: {  	v50 =	vld.idx.msk [tilespmem:v50+s3+$0x0], $0xffff  }
0xf7: {  	v51 =	vld.idx.msk [tilespmem:v51+s3+$0x0], $0xffff  }
0xf8: {  	v48 =	vld.idx.msk [tilespmem:v48+s3+$0x0], $0xffff  }
0xf9: {  	v59 =	vld.idx.msk [tilespmem:v59+s3+$0x0], $0xffff  }
0xfa: {  	v47 =	vld.idx.msk [tilespmem:v47+s3+$0x0], $0xffff  }
0xfb: {  	v45 =	vld.idx.msk [tilespmem:v45+s3+$0x0], $0xffff  }
0xfc: {  	v55 =	vld.idx.msk [tilespmem:v55+s3+$0x0], $0xffff  }
0xfd: {  	v54 =	vld.idx.msk [tilespmem:v54+s3+$0x0], $0xffff  }
0xfe: {  	v48 =	vmax.f32 v48, v49;
	v53 =	vld.idx.msk [tilespmem:v53+s3+$0x0], $0xffff  }
0xff: {  	v49 =	vmax.f32 v50, v51;
	v43 =	vmax.f32 v48, v43;
	v50 =	vld.idx.msk [tilespmem:v52+s3+$0x0], $0xffff  }
0x100: {  	v38 =	vmax.f32 v49, v38;
	v47 =	vmax.f32 v59, v47;
	v39 =	vld.idx.msk [tilespmem:v39+s3+$0x0], $0xffff;
	(xrf0) =	vmax.scan.msk.f32 $0xffff, v43  }
0x101: {  	v43 =	vmax.f32 v44, v45;
	v41 =	vmax.f32 v47, v41;
	(xrf0) =	vmax.scan.msk.f32 $0xffff, v38  }
0x102: {  	v38 =	vmax.f32 v43, v40;
	(xrf0) =	vmax.scan.msk.f32 $0xffff, v41  }
0x103: {  	v40 =	vmax.f32 v54, v55;
	v41 =	vld.idx.msk [tilespmem:v58+s3+$0x0], $0xffff;
	(xrf0) =	vmax.scan.msk.f32 $0xffff, v38  }
0x104: {  	v42 =	vmax.f32 v40, v42;
	v43 =	vld.idx.msk [tilespmem:v46+s3+$0x0], $0xffff  }
0x105: {  	v46 =	vmax.f32 v50, v53;
	v44 =	vld.idx.msk [tilespmem:v57+s3+$0x0], $0xffff;
	(xrf0) =	vmax.scan.msk.f32 $0xffff, v42  }
0x106: {  	v39 =	vmax.f32 v46, v39;
	v45 =	vld.idx.msk [tilespmem:v56+s3+$0x0], $0xffff;
	v38, _, _ =	vpop (xrf0)  }
0x107: {  	v38 =	vbroadcast v38, $0xF;
	v40, _, _ =	vpop (xrf0);
	(xrf0) =	vmax.scan.msk.f32 $0xffff, v39  }
0x108: {  	v39 =	vbroadcast v40, $0xF;
	v46 =	vld.idx.msk [tilespmem:v61+s3+$0x0], $0xffff;
	v40, _, _ =	vpop (xrf0)  }
0x109: {  	v40 =	vbroadcast v40, $0xF;
	v49 =	vadd.f32 v41, v38;
	v42, _, _ =	vpop (xrf0)  }
0x10a: {  	v42 =	vbroadcast v42, $0xF;
	v50 =	vadd.f32 v43, v39;
	v47 =	vld.idx.msk [tilespmem:v60+s3+$0x0], $0xffff  }
0x10b: {  	v44 =	vadd.f32 v44, v40;
	v48 =	vmul.f32 $1.442695020e+00, v49;
	v41, _, _ =	vpop (xrf0)  }
0x10c: {  	v45 =	vadd.f32 v45, v42;
	v49 =	vmul.f32 $1.442695020e+00, v50;
	v41 =	vbroadcast v41, $0xF  }
0x10d: {  	v44 =	vmul.f32 $1.442695020e+00, v44;
	v43, _, _ =	vpop (xrf0);
	(erf) = vpow2.f32 v48  }
0x10e: {  	v45 =	vmul.f32 $1.442695020e+00, v45;
	v43 =	vbroadcast v43, $0xF;
	v46 =	vadd.f32 v46, v41  }
0x10f: {  	(erf) = vpow2.f32 v44  }
0x110: {  	v44 =	vadd.f32 v47, v43;
	v46 =	vmul.f32 $1.442695020e+00, v46;
	(erf) = vpow2.f32 v45  }
0x111: {  	(erf) = vpow2.f32 v49  }
0x112: {  	v44 =	vmul.f32 $1.442695020e+00, v44;
	(erf) = vpow2.f32 v46;
	_ =	sdelay $0x1  }
0x113: {  	(erf) = vpow2.f32 v44;
	_ =	sdelay $0x1  }
0x114: {  	v44 =	vor.u32 s29, v17;
	v45 =	vpop (erf);
	_ =	sdelay $0x1  }
0x115: {  	v46 =	vpop (erf)  }
0x116: {  	v46 =	vmul.f32 v46, v35;
	v47 =	vpop (erf)  }
0x117: {  	v47 =	vmul.f32 v47, v31;
	v48 =	vpop (erf)  }
0x118: {  	v45 =	vmul.f32 v45, v36;
	v50 =	vadd.f32 v46, v33;
	v44 =	vld.idx.msk [tilespmem:v44+s16+$0x0], $0xffff;
	v49 =	vpop (erf)  }
0x119: {  	v48 =	vmul.f32 v48, v30;
	v47 =	vadd.f32 v47, v37  }
0x11a: {  	v45 =	vadd.f32 v45, v50;
	v46 =	vpop (erf)  }
0x11b: {  	v47 =	vadd.f32 v48, v47;
	v46 =	vmul.f32 v46, v34;
	v48 =	vmul.f32 v49, v32  }
0x11c: {  	v49 =	vadd.s32 s1, v24  }
0x11d: {  	v46 =	vadd.f32 v46, v47;
	v45 =	vadd.f32 v48, v45;
	v47 =	vadd.s32 s1, v25  }
0x11e: {  	vm0 =	veq.s32 v44, $0x0;
	v44 =	vadd.s32 s1, v26  }
0x11f: {  	v45 =	vsel vm0, v46, v45;
	v46 =	vadd.s32 s1, v27  }
0x120: {  	[tilespmem:s25+$0xFFFFFFF0] =	vst v45;
	v45 =	vadd.s32 s1, v29  }
0x121: {  	v48 =	vld.idx.msk [tilespmem:v49+s3+$0x0], $0xffff;
	v49 =	vadd.s32 s1, v28  }
0x122: {  	v47 =	vld.idx.msk [tilespmem:v47+s3+$0x0], $0xffff  }
0x123: {  	v44 =	vld.idx.msk [tilespmem:v44+s3+$0x0], $0xffff  }
0x124: {  	v46 =	vld.idx.msk [tilespmem:v46+s3+$0x0], $0xffff  }
0x125: {  	v45 =	vld.idx.msk [tilespmem:v45+s3+$0x0], $0xffff  }
0x126: {  	v49 =	vld.idx.msk [tilespmem:v49+s3+$0x0], $0xffff  }
0x127: {  	v48 =	vadd.f32 v48, v42  }
0x128: {  	v47 =	vadd.f32 v47, v40  }
0x129: {  	v48 =	vmul.f32 $1.442695020e+00, v48;
	v44 =	vadd.f32 v44, v38  }
0x12a: {  	v46 =	vadd.f32 v46, v39;
	v47 =	vmul.f32 $1.442695020e+00, v47  }
0x12b: {  	v45 =	vadd.f32 v45, v43;
	v44 =	vmul.f32 $1.442695020e+00, v44;
	(erf) = vpow2.f32 v48  }
0x12c: {  	v46 =	vmul.f32 $1.442695020e+00, v46;
	v48 =	vadd.f32 v49, v41;
	(erf) = vpow2.f32 v47  }
0x12d: {  	v45 =	vmul.f32 $1.442695020e+00, v45;
	(erf) = vpow2.f32 v44  }
0x12e: {  	v44 =	vmul.f32 $1.442695020e+00, v48;
	(erf) = vpow2.f32 v46  }
0x12f: {  	(erf) = vpow2.f32 v45  }
0x130: {  	(erf) = vpow2.f32 v44  }
0x131: {  	s0 =	sadd.s32 $0x80, s29  }
0x132: {  	v44 =	vor.u32 s0, v17;
	_ =	sdelay $0x1  }
0x133: {  	v45 =	vpop (erf)  }
0x134: {  	v45 =	vmul.f32 v45, v31;
	v46 =	vpop (erf)  }
0x135: {  	v46 =	vmul.f32 v46, v35;
	v47 =	vpop (erf)  }
0x136: {  	v47 =	vmul.f32 v47, v36;
	v44 =	vld.idx.msk [tilespmem:v44+s16+$0x0], $0xffff;
	v48 =	vpop (erf)  }
0x137: {  	v45 =	vadd.f32 v45, v37;
	v48 =	vmul.f32 v48, v30;
	v46 =	vadd.f32 v46, v33;
	v49 =	vpop (erf)  }
0x138: {  	v49 =	vmul.f32 v49, v34;
	v50 =	vpop (erf)  }
0x139: {  	v45 =	vadd.f32 v48, v45;
	v46 =	vadd.f32 v47, v46;
	v47 =	vmul.f32 v50, v32  }
0x13a: {  	v48 =	vadd.s32 s30, v24  }
0x13b: {  	v45 =	vadd.f32 v49, v45;
	v46 =	vadd.f32 v47, v46;
	v47 =	vadd.s32 s30, v25  }
0x13c: {  	vm0 =	veq.s32 v44, $0x0;
	v44 =	vadd.s32 s30, v26  }
0x13d: {  	v45 =	vsel vm0, v45, v46;
	v46 =	vadd.s32 s30, v27  }
0x13e: {  	[tilespmem:s25+$0x0] =	vst v45;
	v45 =	vadd.s32 s30, v29  }
0x13f: {  	s0 =	sadd.s32 $0x100, s29;
	v49 =	vadd.s32 s30, v28;
	v48 =	vld.idx.msk [tilespmem:v48+s3+$0x0], $0xffff  }
0x140: {  	v50 =	vor.u32 s0, v17;
	v47 =	vld.idx.msk [tilespmem:v47+s3+$0x0], $0xffff  }
0x141: {  	v44 =	vld.idx.msk [tilespmem:v44+s3+$0x0], $0xffff  }
0x142: {  	v46 =	vld.idx.msk [tilespmem:v46+s3+$0x0], $0xffff  }
0x143: {  	v45 =	vld.idx.msk [tilespmem:v45+s3+$0x0], $0xffff  }
0x144: {  	v49 =	vld.idx.msk [tilespmem:v49+s3+$0x0], $0xffff  }
0x145: {  	v48 =	vadd.f32 v48, v42;
	v42 =	vld.idx.msk [tilespmem:v50+s16+$0x0], $0xffff  }
0x146: {  	v40 =	vadd.f32 v47, v40  }
0x147: {  	v47 =	vmul.f32 $1.442695020e+00, v48;
	v38 =	vadd.f32 v44, v38  }
0x148: {  	v39 =	vadd.f32 v46, v39;
	v40 =	vmul.f32 $1.442695020e+00, v40  }
0x149: {  	v43 =	vadd.f32 v45, v43;
	v38 =	vmul.f32 $1.442695020e+00, v38;
	(erf) = vpow2.f32 v47  }
0x14a: {  	v39 =	vmul.f32 $1.442695020e+00, v39;
	v41 =	vadd.f32 v49, v41;
	(erf) = vpow2.f32 v40  }
0x14b: {  	v40 =	vmul.f32 $1.442695020e+00, v43;
	(erf) = vpow2.f32 v38  }
0x14c: {  	v38 =	vmul.f32 $1.442695020e+00, v41;
	(erf) = vpow2.f32 v39  }
0x14d: {  	(erf) = vpow2.f32 v40  }
.Ltmp0:
0x14e: {  	(erf) = vpow2.f32 v38;
	(pc) =	sbr.rel @p0 .LBB2_2-.Ltmp0, $2  }
0x14f: {  	_ =	sdelay $0x2  }
0x150: {  	v38 =	vpop (erf)  }
0x151: {  	v18 =	vpop (erf)  }
0x152: {  	v19 =	vmul.f32 v38, v31;
	v18 =	vmul.f32 v18, v35;
	v20 =	vpop (erf)  }
0x153: {  	v20 =	vmul.f32 v20, v36;
	v21 =	vpop (erf)  }
0x154: {  	v19 =	vadd.f32 v19, v37;
	v21 =	vmul.f32 v21, v30;
	v18 =	vadd.f32 v18, v33;
	v22 =	vpop (erf)  }
0x155: {  	v22 =	vmul.f32 v22, v34;
	v23 =	vpop (erf)  }
0x156: {  	v19 =	vadd.f32 v21, v19;
	v18 =	vadd.f32 v20, v18;
	v20 =	vmul.f32 v23, v32;
	_ =	sdelay $0x1  }
0x157: {  	v19 =	vadd.f32 v22, v19;
	v18 =	vadd.f32 v20, v18  }
0x158: {  	vm0 =	veq.s32 v42, $0x0  }
0x159: {  	v18 =	vsel vm0, v19, v18  }
0x15a: {  	[tilespmem:s26+$0x10] =	vst v18;
	v18 =	vld [tilespmem:$0x1FD60]  }
0x15b: {  	v24 =	vld [tilespmem:$0x1FDC0]  }
0x15c: {  	v25 =	vld [tilespmem:$0x1FDD0]  }
0x15d: {  	v27 =	vld [tilespmem:$0x1FDE0]  }
0x15e: {  	v29 =	vld [tilespmem:$0x1FDF0]  }
0x15f: {  	v23 =	vld [tilespmem:$0x1FDB0]  }
0x160: {  	v20 =	vld [tilespmem:$0x1FD90]  }
0x161: {  	v31 =	vld [tilespmem:$0x1FE00]  }
0x162: {  	v21 =	vld.idx.msk [tilespmem:v18+s17+$0x0], $0xffff  }
0x163: {  	v18 =	vld [tilespmem:$0x1FD80]  }
0x164: {  	v22 =	vld [tilespmem:$0x1FDA0]  }
0x165: {  	v19 =	vld [tilespmem:$0x1FD70]  }
0x166: {  	v58 =	vld [tilespmem:$0x1FE10]  }
0x167: {  	v23 =	vld.idx.msk [tilespmem:v23+s17+$0x0], $0xffff  }
0x168: {  	v20 =	vld.idx.msk [tilespmem:v20+s17+$0x0], $0xffff  }
0x169: {  	v24 =	vld.idx.msk [tilespmem:v24+s17+$0x0], $0xffff  }
0x16a: {  	v26 =	vld.idx.msk [tilespmem:v25+s17+$0x0], $0xffff  }
0x16b: {  	v18 =	vld.idx.msk [tilespmem:v18+s17+$0x0], $0xffff  }
0x16c: {  	s25 =	simm.s32 $0x0;
	v22 =	vld.idx.msk [tilespmem:v22+s17+$0x0], $0xffff;
	v23 =	vadd.s32 v16, v23  }
0x16d: {  	s30 =	simm.s32 $0x220;
	v19 =	vld.idx.msk [tilespmem:v19+s17+$0x0], $0xffff;
	v46 =	vadd.s32 s25, v23;
	v20 =	vadd.s32 v16, v20  }
0x16e: {  	v28 =	vld.idx.msk [tilespmem:v27+s17+$0x0], $0xffff;
	v30 =	vadd.s32 s30, v20  }
0x16f: {  	s1 =	simm.s32 $0x110;
	v29 =	vld.idx.msk [tilespmem:v29+s17+$0x0], $0xffff;
	v40 =	vadd.s32 s25, v20  }
0x170: {  	v31 =	vld.idx.msk [tilespmem:v31+s17+$0x0], $0xffff;
	v41 =	vadd.s32 s1, v20;
	v18 =	vadd.s32 v16, v18  }
0x171: {  	v33 =	vld.idx.msk [tilespmem:v58+s17+$0x0], $0xffff;
	v22 =	vadd.s32 v16, v22;
	v25 =	vadd.s32 s30, v18  }
0x172: {  	v43 =	vadd.s32 s25, v22;
	v19 =	vadd.s32 v16, v19;
	v58 =	vld.idx.msk [tilespmem:v46+s3+$0x0], $0xffff  }
0x173: {  	v21 =	vadd.s32 v16, v21;
	v60 =	vadd.s32 s25, v19;
	v30 =	vld.idx.msk [tilespmem:v30+s3+$0x0], $0xffff  }
0x174: {  	v59 =	vadd.s32 s25, v21;
	v40 =	vld.idx.msk [tilespmem:v40+s3+$0x0], $0xffff  }
0x175: {  	v41 =	vld.idx.msk [tilespmem:v41+s3+$0x0], $0xffff;
	v52 =	vadd.s32 s25, v18  }
0x176: {  	v61 =	vld.idx.msk [tilespmem:v25+s3+$0x0], $0xffff;
	v25 =	vadd.s32 s1, v19  }
0x177: {  	v43 =	vld.idx.msk [tilespmem:v43+s3+$0x0], $0xffff;
	v53 =	vadd.s32 s1, v18  }
0x178: {  	v39 =	vadd.s32 s1, v21;
	v35 =	vld.idx.msk [tilespmem:v60+s3+$0x0], $0xffff  }
0x179: {  	v57 =	vadd.s32 s30, v21;
	v34 =	vld.idx.msk [tilespmem:v59+s3+$0x0], $0xffff  }
0x17a: {  	v27 =	vadd.s32 s30, v19;
	v37 =	vld.idx.msk [tilespmem:v52+s3+$0x0], $0xffff  }
0x17b: {  	v54 =	vld.idx.msk [tilespmem:v25+s3+$0x0], $0xffff;
	v25 =	vadd.s32 s1, v22  }
0x17c: {  	v44 =	vadd.s32 s30, v22;
	v38 =	vld.idx.msk [tilespmem:v53+s3+$0x0], $0xffff  }
0x17d: {  	v45 =	vadd.s32 s1, v23;
	v39 =	vld.idx.msk [tilespmem:v39+s3+$0x0], $0xffff  }
0x17e: {  	v48 =	vadd.s32 s30, v23;
	v32 =	vld.idx.msk [tilespmem:v57+s3+$0x0], $0xffff  }
0x17f: {  	v27 =	vld.idx.msk [tilespmem:v27+s3+$0x0], $0xffff  }
0x180: {  	v47 =	vld.idx.msk [tilespmem:v25+s3+$0x0], $0xffff  }
0x181: {  	v24 =	vadd.s32 v16, v24;
	v26 =	vadd.s32 v16, v26;
	v55 =	vld.idx.msk [tilespmem:v44+s3+$0x0], $0xffff;
	v37 =	vmax.f32 v37, v38  }
0x182: {  	v57 =	vld.idx.msk [tilespmem:v45+s3+$0x0], $0xffff;
	v56 =	vmax.f32 v37, v61;
	v25 =	vadd.s32 v16, v29;
	v29 =	vmax.f32 v34, v39  }
0x183: {  	v59 =	vadd.s32 s25, v24;
	v61 =	vld.idx.msk [tilespmem:v48+s3+$0x0], $0xffff;
	(xrf0) =	vmax.scan.msk.f32 $0xffff, v56;
	v35 =	vmax.f32 v35, v54;
	v29 =	vmax.f32 v29, v32  }
0x184: {  	v60 =	vmax.f32 v40, v41;
	v27 =	vmax.f32 v35, v27;
	v42 =	vadd.s32 s25, v25;
	(xrf0) =	vmax.scan.msk.f32 $0xffff, v29  }
0x185: {  	v29 =	vmax.f32 v60, v30;
	(xrf0) =	vmax.scan.msk.f32 $0xffff, v27;
	v27 =	vadd.s32 v16, v31;
	v31 =	vmax.f32 v43, v47  }
0x186: {  	v30 =	vadd.s32 s25, v26;
	(xrf0) =	vmax.scan.msk.f32 $0xffff, v29;
	v31 =	vmax.f32 v31, v55  }
0x187: {  	(xrf0) =	vmax.scan.msk.f32 $0xffff, v31;
	v31 =	vmax.f32 v58, v57  }
0x188: {  	v31 =	vmax.f32 v31, v61  }
0x189: {  	v34 =	vld.idx.msk [tilespmem:v59+s3+$0x0], $0xffff;
	v46, _, _ =	vpop (xrf0)  }
0x18a: {  	v47 =	vld.idx.msk [tilespmem:v42+s3+$0x0], $0xffff;
	v48, _, _ =	vpop (xrf0)  }
0x18b: {  	v30 =	vld.idx.msk [tilespmem:v30+s3+$0x0], $0xffff;
	(xrf0) =	vmax.scan.msk.f32 $0xffff, v31;
	v31, _, _ =	vpop (xrf0)  }
0x18c: {  	v38 =	vbroadcast v48, $0xF;
	v49, _, _ =	vpop (xrf0)  }
0x18d: {  	v39 =	vbroadcast v49, $0xF  }
0x18e: {  	v34 =	vadd.f32 v34, v38;
	v40 =	vbroadcast v31, $0xF  }
0x18f: {  	v37 =	vadd.f32 v47, v39  }
0x190: {  	v28 =	vadd.s32 v16, v28;
	v51 =	vmul.f32 $1.442695020e+00, v34;
	v30 =	vadd.f32 v30, v40  }
0x191: {  	v29 =	vadd.s32 v16, v33;
	v43 =	vadd.s32 s25, v27;
	v53 =	vmul.f32 $1.442695020e+00, v37  }
0x192: {  	v45 =	vadd.s32 s25, v29;
	(erf) = vpow2.f32 v51;
	v30 =	vmul.f32 $1.442695020e+00, v30  }
0x193: {  	v44 =	vadd.s32 s25, v28;
	(erf) = vpow2.f32 v53  }
0x194: {  	(erf) = vpow2.f32 v30;
	v30 =	vld [tilespmem:$0x1FE20]  }
0x195: {  	v59 =	vld [tilespmem:$0x1FE80]  }
0x196: {  	v35 =	vld.idx.msk [tilespmem:v43+s3+$0x0], $0xffff  }
0x197: {  	v31 =	vld.idx.msk [tilespmem:v45+s3+$0x0], $0xffff  }
0x198: {  	v33 =	vld.idx.msk [tilespmem:v44+s3+$0x0], $0xffff;
	v50, _, _ =	vpop (xrf0)  }
0x199: {  	v60 =	vld [tilespmem:$0x1FE90];
	v41 =	vbroadcast v50, $0xF;
	v52, _, _ =	vpop (xrf0)  }
0x19a: {  	v57 =	vld [tilespmem:$0x1FE50];
	v43 =	vbroadcast v52, $0xF  }
0x19b: {  	v42 =	vbroadcast v46, $0xF;
	v58 =	vld [tilespmem:$0x1FE60];
	v35 =	vadd.f32 v35, v41  }
0x19c: {  	v34 =	vadd.f32 v31, v43;
	v31 =	vld.idx.msk [tilespmem:v30+s19+$0x0], $0xffff  }
0x19d: {  	v54 =	vadd.f32 v33, v42;
	v55 =	vmul.f32 $1.442695020e+00, v35;
	v30 =	vld [tilespmem:$0x1FE30]  }
0x19e: {  	v48 =	vld [tilespmem:$0x1FE40]  }
0x19f: {  	v32 =	vmul.f32 $1.442695020e+00, v54;
	v50 =	vld [tilespmem:$0x1FE70];
	(erf) = vpow2.f32 v55  }
0x1a0: {  	v56 =	vmul.f32 $1.442695020e+00, v34  }
0x1a1: {  	v33 =	vld.idx.msk [tilespmem:v59+s20+$0x0], $0xffff;
	(erf) = vpow2.f32 v32  }
0x1a2: {  	v36 =	vld.idx.msk [tilespmem:v57+s19+$0x0], $0xffff;
	(erf) = vpow2.f32 v56  }
0x1a3: {  	v37 =	vld.idx.msk [tilespmem:v60+s20+$0x0], $0xffff  }
0x1a4: {  	s0 =	sadd.s32 $0xFFFFFF00, s11;
	v34 =	vld.idx.msk [tilespmem:v58+s19+$0x0], $0xffff  }
0x1a5: {  	v61 =	vor.u32 s0, v17;
	v49 =	vpop (erf);
	v30 =	vld.idx.msk [tilespmem:v30+s19+$0x0], $0xffff  }
0x1a6: {  	v32 =	vld.idx.msk [tilespmem:v48+s19+$0x0], $0xffff;
	v51 =	vpop (erf)  }
0x1a7: {  	v35 =	vld.idx.msk [tilespmem:v50+s19+$0x0], $0xffff;
	v46 =	vmul.f32 v51, v36;
	v52 =	vpop (erf)  }
0x1a8: {  	v53 =	vpop (erf);
	v45 =	vmul.f32 v49, v31  }
0x1a9: {  	v46 =	vadd.f32 v46, v37;
	v48 =	vmul.f32 v53, v34  }
0x1aa: {  	v44 =	vld.idx.msk [tilespmem:v61+s16+$0x0], $0xffff;
	v49 =	vpop (erf);
	v45 =	vadd.f32 v45, v33;
	v47 =	vmul.f32 v52, v30  }
0x1ab: {  	v46 =	vadd.f32 v48, v46;
	v54 =	vpop (erf)  }
0x1ac: {  	v49 =	vmul.f32 v49, v32;
	v45 =	vadd.f32 v47, v45;
	v47 =	vmul.f32 v54, v35  }
0x1ad: {  	v55 =	vadd.s32 s1, v24  }
0x1ae: {  	v56 =	vadd.s32 s1, v25;
	v45 =	vadd.f32 v49, v45;
	v46 =	vadd.f32 v47, v46  }
0x1af: {  	v57 =	vadd.s32 s1, v26;
	vm14 =	veq.s32 v44, $0x0  }
0x1b0: {  	s25 =	simm.s32 $0x3C60;
	v58 =	vadd.s32 s1, v27;
	v45 =	vsel vm14, v45, v46  }
0x1b1: {  	v59 =	vadd.s32 s1, v29;
	[tilespmem:s25+$0xFFFFFFE0] =	vst v45  }
0x1b2: {  	v60 =	vadd.s32 s1, v28;
	v48 =	vld.idx.msk [tilespmem:v55+s3+$0x0], $0xffff  }
0x1b3: {  	v47 =	vld.idx.msk [tilespmem:v56+s3+$0x0], $0xffff  }
0x1b4: {  	v44 =	vld.idx.msk [tilespmem:v57+s3+$0x0], $0xffff  }
0x1b5: {  	v46 =	vld.idx.msk [tilespmem:v58+s3+$0x0], $0xffff  }
0x1b6: {  	v45 =	vld.idx.msk [tilespmem:v59+s3+$0x0], $0xffff  }
0x1b7: {  	v49 =	vld.idx.msk [tilespmem:v60+s3+$0x0], $0xffff;
	v48 =	vadd.f32 v48, v38  }
0x1b8: {  	v47 =	vadd.f32 v47, v39  }
0x1b9: {  	v44 =	vadd.f32 v44, v40;
	v48 =	vmul.f32 $1.442695020e+00, v48  }
0x1ba: {  	v46 =	vadd.f32 v46, v41;
	v47 =	vmul.f32 $1.442695020e+00, v47  }
0x1bb: {  	v45 =	vadd.f32 v45, v43;
	v44 =	vmul.f32 $1.442695020e+00, v44;
	(erf) = vpow2.f32 v48  }
0x1bc: {  	v61 =	vadd.f32 v49, v42;
	v46 =	vmul.f32 $1.442695020e+00, v46;
	(erf) = vpow2.f32 v47  }
0x1bd: {  	v45 =	vmul.f32 $1.442695020e+00, v45;
	(erf) = vpow2.f32 v44  }
0x1be: {  	v51 =	vmul.f32 $1.442695020e+00, v61;
	(erf) = vpow2.f32 v46  }
0x1bf: {  	(erf) = vpow2.f32 v45  }
0x1c0: {  	(erf) = vpow2.f32 v51;
	_ =	sdelay $0x1  }
0x1c1: {  	s31 =	sadd.s32 $0xFFFFFF80, s11  }
0x1c2: {  	v52 =	vor.u32 s31, v17  }
0x1c3: {  	v53 =	vpop (erf)  }
0x1c4: {  	v45 =	vmul.f32 v53, v31;
	v54 =	vpop (erf)  }
0x1c5: {  	v46 =	vmul.f32 v54, v36;
	v55 =	vpop (erf)  }
0x1c6: {  	v45 =	vadd.f32 v45, v33;
	v47 =	vmul.f32 v55, v30;
	v56 =	vpop (erf)  }
0x1c7: {  	v44 =	vld.idx.msk [tilespmem:v52+s16+$0x0], $0xffff;
	v46 =	vadd.f32 v46, v37;
	v48 =	vmul.f32 v56, v34;
	v57 =	vpop (erf)  }
0x1c8: {  	v45 =	vadd.f32 v47, v45;
	v58 =	vpop (erf)  }
0x1c9: {  	v59 =	vmul.f32 v57, v35;
	v47 =	vmul.f32 v58, v32;
	v46 =	vadd.f32 v48, v46  }
0x1ca: {  	v60 =	vadd.s32 s30, v25  }
0x1cb: {  	v61 =	vadd.s32 s30, v24;
	v45 =	vadd.f32 v47, v45;
	v46 =	vadd.f32 v59, v46  }
0x1cc: {  	v52 =	vadd.s32 s30, v27;
	vm15 =	veq.s32 v44, $0x0  }
0x1cd: {  	v53 =	vadd.s32 s30, v26;
	v45 =	vsel vm15, v45, v46  }
0x1ce: {  	v54 =	vadd.s32 s30, v29;
	[tilespmem:s25+$0xFFFFFFF0] =	vst v45  }
0x1cf: {  	v56 =	vadd.s32 s30, v28;
	v55 =	vld.idx.msk [tilespmem:v60+s3+$0x0], $0xffff  }
0x1d0: {  	v47 =	vld.idx.msk [tilespmem:v61+s3+$0x0], $0xffff  }
0x1d1: {  	v44 =	vld.idx.msk [tilespmem:v52+s3+$0x0], $0xffff  }
0x1d2: {  	v46 =	vld.idx.msk [tilespmem:v53+s3+$0x0], $0xffff  }
0x1d3: {  	v45 =	vld.idx.msk [tilespmem:v54+s3+$0x0], $0xffff  }
0x1d4: {  	v57 =	vld.idx.msk [tilespmem:v56+s3+$0x0], $0xffff;
	v39 =	vadd.f32 v55, v39  }
0x1d5: {  	v38 =	vadd.f32 v47, v38  }
0x1d6: {  	v41 =	vadd.f32 v44, v41;
	v39 =	vmul.f32 $1.442695020e+00, v39  }
0x1d7: {  	v58 =	vor.u32 s11, v17;
	v40 =	vadd.f32 v46, v40;
	v38 =	vmul.f32 $1.442695020e+00, v38  }
0x1d8: {  	v43 =	vadd.f32 v45, v43;
	v41 =	vmul.f32 $1.442695020e+00, v41;
	(erf) = vpow2.f32 v39  }
0x1d9: {  	v42 =	vadd.f32 v57, v42;
	v59 =	vmul.f32 $1.442695020e+00, v40;
	(erf) = vpow2.f32 v38  }
0x1da: {  	v60 =	vmul.f32 $1.442695020e+00, v43;
	(erf) = vpow2.f32 v41  }
0x1db: {  	v61 =	vmul.f32 $1.442695020e+00, v42;
	(erf) = vpow2.f32 v59  }
0x1dc: {  	(erf) = vpow2.f32 v60  }
0x1dd: {  	s28 =	simm.s32 $0x550;
	s29 =	smov.u32 s11;
	s26 =	simm.s32 $0x3C60;
	v40 =	vld.idx.msk [tilespmem:v58+s16+$0x0], $0xffff;
	(erf) = vpow2.f32 v61  }
.LBB2_4:
0x1de: {  	_ =	sdelay $0x2  }
0x1df: {  	p0 =	sne.s32 s28, $0x2530;
	s29 =	sadd.s32 $0x180, s29;
	s25 =	sadd.s32 $0x30, s25;
	v38 =	vpop (erf)  }
0x1e0: {  	s30 =	smov.u32 s28;
	s28 =	sadd.s32 $0x330, s28;
	v38 =	vmul.f32 v38, v36;
	v39 =	vpop (erf)  }
0x1e1: {  	v39 =	vmul.f32 v39, v31;
	v41 =	vpop (erf)  }
0x1e2: {  	v38 =	vadd.f32 v38, v37;
	v41 =	vmul.f32 v41, v34;
	v42 =	vpop (erf)  }
0x1e3: {  	v39 =	vadd.f32 v39, v33;
	v42 =	vmul.f32 v42, v30;
	v43 =	vpop (erf)  }
0x1e4: {  	v38 =	vadd.f32 v41, v38;
	v41 =	vmul.f32 v43, v35;
	v43 =	vpop (erf)  }
0x1e5: {  	v39 =	vadd.f32 v42, v39;
	v42 =	vmul.f32 v43, v32  }
0x1e6: {  	v44 =	vadd.s32 s30, v20;
	v43 =	vadd.s32 s30, v18;
	v38 =	vadd.f32 v41, v38  }
0x1e7: {  	v41 =	vadd.s32 s30, v19;
	v39 =	vadd.f32 v42, v39  }
0x1e8: {  	vm0 =	veq.s32 v40, $0x0;
	v42 =	vadd.s32 s30, v22  }
0x1e9: {  	s0 =	sadd.s32 $0xFFFFFDE0, s30;
	s31 =	sadd.s32 $0xFFFFFEF0, s30;
	v40 =	vadd.s32 s30, v21;
	v38 =	vsel vm0, v39, v38  }
0x1ea: {  	v45 =	vadd.s32 s31, v21;
	v46 =	vadd.s32 s0, v20;
	v39 =	vadd.s32 s0, v21;
	[tilespmem:s26+$0x0] =	vst v38;
	s26 =	smov.u32 s25  }
0x1eb: {  	v47 =	vadd.s32 s31, v19;
	v48 =	vadd.s32 s31, v20;
	v38 =	vadd.s32 s0, v19;
	v43 =	vld.idx.msk [tilespmem:v43+s3+$0x0], $0xffff  }
0x1ec: {  	v49 =	vadd.s32 s0, v18;
	v50 =	vadd.s32 s0, v22;
	v51 =	vadd.s32 s31, v22;
	v41 =	vld.idx.msk [tilespmem:v41+s3+$0x0], $0xffff  }
0x1ed: {  	v52 =	vadd.s32 s31, v18;
	v53 =	vadd.s32 s0, v23;
	v54 =	vadd.s32 s31, v23;
	v44 =	vld.idx.msk [tilespmem:v44+s3+$0x0], $0xffff  }
0x1ee: {  	v55 =	vadd.s32 s0, v24;
	v56 =	vadd.s32 s0, v26;
	v57 =	vadd.s32 s0, v25;
	v40 =	vld.idx.msk [tilespmem:v40+s3+$0x0], $0xffff  }
0x1ef: {  	v58 =	vadd.s32 s0, v28;
	v59 =	vadd.s32 s0, v27;
	v60 =	vadd.s32 s0, v29;
	v39 =	vld.idx.msk [tilespmem:v39+s3+$0x0], $0xffff  }
0x1f0: {  	v38 =	vld.idx.msk [tilespmem:v38+s3+$0x0], $0xffff  }
0x1f1: {  	v47 =	vld.idx.msk [tilespmem:v47+s3+$0x0], $0xffff  }
0x1f2: {  	v49 =	vld.idx.msk [tilespmem:v49+s3+$0x0], $0xffff  }
0x1f3: {  	v52 =	vld.idx.msk [tilespmem:v52+s3+$0x0], $0xffff  }
0x1f4: {  	v45 =	vld.idx.msk [tilespmem:v45+s3+$0x0], $0xffff  }
0x1f5: {  	v46 =	vld.idx.msk [tilespmem:v46+s3+$0x0], $0xffff  }
0x1f6: {  	v48 =	vld.idx.msk [tilespmem:v48+s3+$0x0], $0xffff  }
0x1f7: {  	v61 =	vadd.s32 s30, v23;
	v51 =	vld.idx.msk [tilespmem:v51+s3+$0x0], $0xffff  }
0x1f8: {  	v50 =	vld.idx.msk [tilespmem:v50+s3+$0x0], $0xffff  }
0x1f9: {  	v49 =	vmax.f32 v49, v52;
	v42 =	vld.idx.msk [tilespmem:v42+s3+$0x0], $0xffff  }
0x1fa: {  	v38 =	vmax.f32 v38, v47;
	v39 =	vmax.f32 v39, v45;
	v43 =	vmax.f32 v49, v43;
	v45 =	vld.idx.msk [tilespmem:v54+s3+$0x0], $0xffff  }
0x1fb: {  	v38 =	vmax.f32 v38, v41;
	v39 =	vmax.f32 v39, v40;
	v40 =	vld.idx.msk [tilespmem:v53+s3+$0x0], $0xffff;
	(xrf0) =	vmax.scan.msk.f32 $0xffff, v43  }
0x1fc: {  	v41 =	vmax.f32 v46, v48;
	v43 =	vld.idx.msk [tilespmem:v61+s3+$0x0], $0xffff;
	(xrf0) =	vmax.scan.msk.f32 $0xffff, v39  }
0x1fd: {  	v39 =	vmax.f32 v41, v44;
	(xrf0) =	vmax.scan.msk.f32 $0xffff, v38  }
0x1fe: {  	v38 =	vmax.f32 v50, v51;
	(xrf0) =	vmax.scan.msk.f32 $0xffff, v39  }
0x1ff: {  	v38 =	vmax.f32 v38, v42;
	v39 =	vld.idx.msk [tilespmem:v55+s3+$0x0], $0xffff  }
0x200: {  	(xrf0) =	vmax.scan.msk.f32 $0xffff, v38  }
0x201: {  	v40 =	vmax.f32 v40, v45;
	v41 =	vld.idx.msk [tilespmem:v57+s3+$0x0], $0xffff;
	v44, _, _ =	vpop (xrf0)  }
0x202: {  	v46 =	vmax.f32 v40, v43;
	v43 =	vld.idx.msk [tilespmem:v56+s3+$0x0], $0xffff;
	v38, _, _ =	vpop (xrf0)  }
0x203: {  	v38 =	vbroadcast v38, $0xF;
	v45 =	vld.idx.msk [tilespmem:v59+s3+$0x0], $0xffff;
	v42, _, _ =	vpop (xrf0);
	(xrf0) =	vmax.scan.msk.f32 $0xffff, v46  }
0x204: {  	v40, _, _ =	vpop (xrf0)  }
0x205: {  	v46 =	vadd.f32 v39, v38;
	v39 =	vbroadcast v42, $0xF;
	v40 =	vbroadcast v40, $0xF;
	v47 =	vld.idx.msk [tilespmem:v60+s3+$0x0], $0xffff  }
0x206: {  	v48 =	vld.idx.msk [tilespmem:v58+s3+$0x0], $0xffff;
	v42, _, _ =	vpop (xrf0)  }
0x207: {  	v46 =	vmul.f32 $1.442695020e+00, v46;
	v41 =	vadd.f32 v41, v40;
	v42 =	vbroadcast v42, $0xF  }
0x208: {  	v49 =	vadd.f32 v43, v39  }
0x209: {  	v50 =	vmul.f32 $1.442695020e+00, v41;
	v45 =	vadd.f32 v45, v42;
	v43, _, _ =	vpop (xrf0);
	(erf) = vpow2.f32 v46  }
0x20a: {  	v41 =	vbroadcast v44, $0xF;
	v43 =	vbroadcast v43, $0xF  }
0x20b: {  	v44 =	vmul.f32 $1.442695020e+00, v49;
	(erf) = vpow2.f32 v50  }
0x20c: {  	v46 =	vadd.f32 v48, v41;
	v45 =	vmul.f32 $1.442695020e+00, v45;
	v47 =	vadd.f32 v47, v43  }
0x20d: {  	(erf) = vpow2.f32 v44  }
0x20e: {  	v44 =	vmul.f32 $1.442695020e+00, v46;
	(erf) = vpow2.f32 v45  }
0x20f: {  	v45 =	vmul.f32 $1.442695020e+00, v47  }
0x210: {  	(erf) = vpow2.f32 v44  }
0x211: {  	(erf) = vpow2.f32 v45  }
0x212: {  	s0 =	sadd.s32 $0xFFFFFF00, s29;
	v44 =	vpop (erf)  }
0x213: {  	v45 =	vor.u32 s0, v17;
	v44 =	vmul.f32 v44, v31  }
0x214: {  	v46 =	vpop (erf)  }
0x215: {  	v44 =	vadd.f32 v44, v33;
	v46 =	vmul.f32 v46, v36  }
0x216: {  	v47 =	vpop (erf)  }
0x217: {  	v49 =	vmul.f32 v47, v30;
	v46 =	vadd.f32 v46, v37;
	v48 =	vpop (erf)  }
0x218: {  	v50 =	vmul.f32 v48, v34;
	v45 =	vld.idx.msk [tilespmem:v45+s16+$0x0], $0xffff  }
0x219: {  	v44 =	vadd.f32 v49, v44;
	v47 =	vpop (erf)  }
0x21a: {  	v47 =	vmul.f32 v47, v32;
	v46 =	vadd.f32 v50, v46;
	v48 =	vpop (erf)  }
0x21b: {  	v48 =	vmul.f32 v48, v35  }
0x21c: {  	v44 =	vadd.f32 v47, v44;
	v47 =	vadd.s32 s31, v24  }
0x21d: {  	v46 =	vadd.f32 v48, v46;
	v48 =	vadd.s32 s31, v25  }
0x21e: {  	vm0 =	veq.s32 v45, $0x0;
	v45 =	vadd.s32 s31, v26  }
0x21f: {  	v44 =	vsel vm0, v44, v46;
	v46 =	vadd.s32 s31, v27  }
0x220: {  	[tilespmem:s25+$0xFFFFFFE0] =	vst v44;
	v44 =	vadd.s32 s31, v29  }
0x221: {  	v49 =	vadd.s32 s31, v28;
	v47 =	vld.idx.msk [tilespmem:v47+s3+$0x0], $0xffff  }
0x222: {  	v48 =	vld.idx.msk [tilespmem:v48+s3+$0x0], $0xffff  }
0x223: {  	v45 =	vld.idx.msk [tilespmem:v45+s3+$0x0], $0xffff  }
0x224: {  	v46 =	vld.idx.msk [tilespmem:v46+s3+$0x0], $0xffff  }
0x225: {  	v44 =	vld.idx.msk [tilespmem:v44+s3+$0x0], $0xffff  }
0x226: {  	v49 =	vld.idx.msk [tilespmem:v49+s3+$0x0], $0xffff  }
0x227: {  	v47 =	vadd.f32 v47, v38  }
0x228: {  	v48 =	vadd.f32 v48, v40  }
0x229: {  	v47 =	vmul.f32 $1.442695020e+00, v47;
	v45 =	vadd.f32 v45, v39  }
0x22a: {  	v48 =	vmul.f32 $1.442695020e+00, v48;
	v46 =	vadd.f32 v46, v42  }
0x22b: {  	v45 =	vmul.f32 $1.442695020e+00, v45;
	v44 =	vadd.f32 v44, v43;
	(erf) = vpow2.f32 v47  }
0x22c: {  	v47 =	vadd.f32 v49, v41;
	v46 =	vmul.f32 $1.442695020e+00, v46;
	(erf) = vpow2.f32 v48  }
0x22d: {  	v44 =	vmul.f32 $1.442695020e+00, v44;
	(erf) = vpow2.f32 v45  }
0x22e: {  	v45 =	vmul.f32 $1.442695020e+00, v47;
	(erf) = vpow2.f32 v46  }
0x22f: {  	(erf) = vpow2.f32 v44  }
0x230: {  	(erf) = vpow2.f32 v45  }
0x231: {  	s0 =	sadd.s32 $0xFFFFFF80, s29  }
0x232: {  	v44 =	vor.u32 s0, v17;
	_ =	sdelay $0x1  }
0x233: {  	v45 =	vpop (erf)  }
0x234: {  	v45 =	vmul.f32 v45, v31;
	v46 =	vpop (erf)  }
0x235: {  	v46 =	vmul.f32 v46, v36;
	v47 =	vpop (erf)  }
0x236: {  	v45 =	vadd.f32 v45, v33;
	v50 =	vmul.f32 v47, v30;
	v44 =	vld.idx.msk [tilespmem:v44+s16+$0x0], $0xffff;
	v48 =	vpop (erf)  }
0x237: {  	v46 =	vadd.f32 v46, v37;
	v48 =	vmul.f32 v48, v34;
	v49 =	vpop (erf)  }
0x238: {  	v45 =	vadd.f32 v50, v45;
	v47 =	vpop (erf)  }
0x239: {  	v47 =	vmul.f32 v47, v32;
	v46 =	vadd.f32 v48, v46;
	v48 =	vmul.f32 v49, v35  }
0x23a: {  	v49 =	vadd.s32 s30, v25  }
0x23b: {  	v45 =	vadd.f32 v47, v45;
	v46 =	vadd.f32 v48, v46;
	v47 =	vadd.s32 s30, v24  }
0x23c: {  	vm0 =	veq.s32 v44, $0x0;
	v44 =	vadd.s32 s30, v27  }
0x23d: {  	v45 =	vsel vm0, v45, v46;
	v46 =	vadd.s32 s30, v26  }
0x23e: {  	[tilespmem:s25+$0xFFFFFFF0] =	vst v45;
	v45 =	vadd.s32 s30, v29  }
0x23f: {  	v48 =	vadd.s32 s30, v28;
	v49 =	vld.idx.msk [tilespmem:v49+s3+$0x0], $0xffff  }
0x240: {  	v50 =	vor.u32 s29, v17;
	v47 =	vld.idx.msk [tilespmem:v47+s3+$0x0], $0xffff  }
0x241: {  	v44 =	vld.idx.msk [tilespmem:v44+s3+$0x0], $0xffff  }
0x242: {  	v46 =	vld.idx.msk [tilespmem:v46+s3+$0x0], $0xffff  }
0x243: {  	v45 =	vld.idx.msk [tilespmem:v45+s3+$0x0], $0xffff  }
0x244: {  	v48 =	vld.idx.msk [tilespmem:v48+s3+$0x0], $0xffff  }
0x245: {  	v49 =	vadd.f32 v49, v40;
	v40 =	vld.idx.msk [tilespmem:v50+s16+$0x0], $0xffff  }
0x246: {  	v38 =	vadd.f32 v47, v38  }
0x247: {  	v47 =	vmul.f32 $1.442695020e+00, v49;
	v42 =	vadd.f32 v44, v42  }
0x248: {  	v38 =	vmul.f32 $1.442695020e+00, v38;
	v39 =	vadd.f32 v46, v39  }
0x249: {  	v42 =	vmul.f32 $1.442695020e+00, v42;
	v43 =	vadd.f32 v45, v43;
	(erf) = vpow2.f32 v47  }
.Ltmp1:
0x24a: {  	v39 =	vmul.f32 $1.442695020e+00, v39;
	v41 =	vadd.f32 v48, v41;
	(erf) = vpow2.f32 v38;
	(pc) =	sbr.rel @p0 .LBB2_4-.Ltmp1, $4  }
0x24b: {  	v38 =	vmul.f32 $1.442695020e+00, v43;
	(erf) = vpow2.f32 v42  }
0x24c: {  	v41 =	vmul.f32 $1.442695020e+00, v41;
	(erf) = vpow2.f32 v39  }
0x24d: {  	(erf) = vpow2.f32 v38  }
0x24e: {  	(erf) = vpow2.f32 v41  }
0x24f: {  	_ =	sdelay $0x2  }
0x250: {  	v18 =	vpop (erf)  }
0x251: {  	v19 =	vpop (erf)  }
0x252: {  	v20 =	vpop (erf)  }
0x253: {  	v18 =	vmul.f32 v18, v36;
	v20 =	vmul.f32 v20, v34  }
0x254: {  	v19 =	vmul.f32 v19, v31  }
0x255: {  	v18 =	vadd.f32 v18, v37;
	v21 =	vpop (erf)  }
0x256: {  	v19 =	vadd.f32 v19, v33;
	v21 =	vmul.f32 v21, v30;
	v22 =	vpop (erf)  }
0x257: {  	v18 =	vadd.f32 v20, v18;
	v20 =	vpop (erf)  }
0x258: {  	v22 =	vmul.f32 v22, v35;
	v19 =	vadd.f32 v21, v19;
	v20 =	vmul.f32 v20, v32;
	_ =	sdelay $0x1  }
0x259: {  	v18 =	vadd.f32 v22, v18;
	v19 =	vadd.f32 v20, v19  }
0x25a: {  	vm0 =	veq.s32 v40, $0x0  }
0x25b: {  	v22 =	vld [tilespmem:$0x1FEC0];
	v18 =	vsel vm0, v19, v18  }
0x25c: {  	[tilespmem:s26+$0x0] =	vst v18;
	v18 =	vld [tilespmem:$0x1FEA0]  }
0x25d: {  	v24 =	vld [tilespmem:$0x1FF00]  }
0x25e: {  	v25 =	vld [tilespmem:$0x1FF10]  }
0x25f: {  	v20 =	vld [tilespmem:$0x1FEB0]  }
0x260: {  	v26 =	vld [tilespmem:$0x1FF20]  }
0x261: {  	v28 =	vld [tilespmem:$0x1FF30]  }
0x262: {  	v31 =	vld [tilespmem:$0x1FF40]  }
0x263: {  	v23 =	vld.idx.msk [tilespmem:v22+s17+$0x0], $0xffff  }
0x264: {  	v19 =	vld.idx.msk [tilespmem:v18+s17+$0x0], $0xffff  }
0x265: {  	v18 =	vld [tilespmem:$0x1FEF0]  }
0x266: {  	v22 =	vld [tilespmem:$0x1FED0]  }
0x267: {  	v21 =	vld.idx.msk [tilespmem:v20+s17+$0x0], $0xffff  }
0x268: {  	v20 =	vld [tilespmem:$0x1FEE0]  }
0x269: {  	v52 =	vld [tilespmem:$0x1FF50]  }
0x26a: {  	v27 =	vld.idx.msk [tilespmem:v25+s17+$0x0], $0xffff  }
0x26b: {  	v29 =	vld.idx.msk [tilespmem:v26+s17+$0x0], $0xffff  }
0x26c: {  	s25 =	simm.s32 $0x0;
	v28 =	vld.idx.msk [tilespmem:v28+s17+$0x0], $0xffff;
	v23 =	vadd.s32 v16, v23  }
0x26d: {  	s28 =	simm.s32 $0x220;
	v46 =	vadd.s32 s25, v23;
	v21 =	vadd.s32 v16, v21;
	v18 =	vld.idx.msk [tilespmem:v18+s17+$0x0], $0xffff  }
0x26e: {  	s1 =	simm.s32 $0x110;
	v22 =	vld.idx.msk [tilespmem:v22+s17+$0x0], $0xffff;
	v51 =	vadd.s32 s28, v21  }
0x26f: {  	v31 =	vld.idx.msk [tilespmem:v31+s17+$0x0], $0xffff;
	v38 =	vadd.s32 s1, v21;
	v19 =	vadd.s32 v16, v19  }
0x270: {  	v20 =	vld.idx.msk [tilespmem:v20+s17+$0x0], $0xffff;
	v26 =	vadd.s32 s28, v19  }
0x271: {  	v33 =	vld.idx.msk [tilespmem:v52+s17+$0x0], $0xffff;
	v53 =	vadd.s32 s25, v19  }
0x272: {  	v58 =	vld.idx.msk [tilespmem:v46+s3+$0x0], $0xffff;
	v41 =	vadd.s32 s1, v19;
	v18 =	vadd.s32 v16, v18  }
0x273: {  	v22 =	vadd.s32 v16, v22;
	v32 =	vld.idx.msk [tilespmem:v51+s3+$0x0], $0xffff;
	v25 =	vadd.s32 s28, v18  }
0x274: {  	v39 =	vadd.s32 s25, v22;
	v38 =	vld.idx.msk [tilespmem:v38+s3+$0x0], $0xffff  }
0x275: {  	v57 =	vadd.s32 s1, v22;
	v20 =	vadd.s32 v16, v20;
	v56 =	vld.idx.msk [tilespmem:v26+s3+$0x0], $0xffff  }
0x276: {  	v54 =	vadd.s32 s1, v20;
	v34 =	vld.idx.msk [tilespmem:v53+s3+$0x0], $0xffff  }
0x277: {  	v26 =	vadd.s32 s25, v20;
	v41 =	vld.idx.msk [tilespmem:v41+s3+$0x0], $0xffff  }
0x278: {  	v55 =	vld.idx.msk [tilespmem:v25+s3+$0x0], $0xffff;
	v25 =	vadd.s32 s25, v21  }
0x279: {  	v30 =	vadd.s32 s28, v20;
	v39 =	vld.idx.msk [tilespmem:v39+s3+$0x0], $0xffff  }
0x27a: {  	v42 =	vadd.s32 s28, v22;
	v40 =	vld.idx.msk [tilespmem:v57+s3+$0x0], $0xffff  }
0x27b: {  	v43 =	vadd.s32 s1, v18;
	v35 =	vld.idx.msk [tilespmem:v54+s3+$0x0], $0xffff  }
0x27c: {  	v44 =	vadd.s32 s25, v18;
	v26 =	vld.idx.msk [tilespmem:v26+s3+$0x0], $0xffff  }
0x27d: {  	v45 =	vadd.s32 s1, v23;
	v25 =	vld.idx.msk [tilespmem:v25+s3+$0x0], $0xffff  }
0x27e: {  	v47 =	vadd.s32 s28, v23;
	v30 =	vld.idx.msk [tilespmem:v30+s3+$0x0], $0xffff  }
0x27f: {  	v42 =	vld.idx.msk [tilespmem:v42+s3+$0x0], $0xffff  }
0x280: {  	v43 =	vld.idx.msk [tilespmem:v43+s3+$0x0], $0xffff  }
0x281: {  	v44 =	vld.idx.msk [tilespmem:v44+s3+$0x0], $0xffff  }
0x282: {  	v26 =	vmax.f32 v26, v35;
	v38 =	vmax.f32 v25, v38;
	v25 =	vadd.s32 v16, v31;
	v31 =	vld.idx.msk [tilespmem:v45+s3+$0x0], $0xffff  }
0x283: {  	v26 =	vmax.f32 v26, v30;
	v30 =	vld.idx.msk [tilespmem:v47+s3+$0x0], $0xffff;
	v32 =	vmax.f32 v38, v32  }
0x284: {  	v24 =	vld.idx.msk [tilespmem:v24+s17+$0x0], $0xffff;
	v59 =	vmax.f32 v39, v40;
	(xrf0) =	vmax.scan.msk.f32 $0xffff, v32  }
0x285: {  	v34 =	vmax.f32 v34, v41;
	v38 =	vmax.f32 v59, v42;
	(xrf0) =	vmax.scan.msk.f32 $0xffff, v26  }
0x286: {  	v26 =	vadd.s32 v16, v28;
	v28 =	vmax.f32 v34, v56;
	(xrf0) =	vmax.scan.msk.f32 $0xffff, v38  }
0x287: {  	v44 =	vmax.f32 v44, v43;
	(xrf0) =	vmax.scan.msk.f32 $0xffff, v28;
	v31 =	vmax.f32 v58, v31  }
0x288: {  	v60 =	vadd.s32 s25, v25;
	v28 =	vadd.s32 v16, v33;
	v30 =	vmax.f32 v31, v30  }
0x289: {  	v24 =	vadd.s32 v16, v24;
	v45 =	vmax.f32 v44, v55;
	v46 =	vadd.s32 s25, v28  }
0x28a: {  	v61 =	vadd.s32 s25, v24;
	(xrf0) =	vmax.scan.msk.f32 $0xffff, v45;
	v31, _, _ =	vpop (xrf0)  }
0x28b: {  	v27 =	vadd.s32 v16, v27;
	v41 =	vadd.s32 s25, v26;
	(xrf0) =	vmax.scan.msk.f32 $0xffff, v30;
	v30, _, _ =	vpop (xrf0)  }
0x28c: {  	v42 =	vadd.s32 s25, v27;
	v49, _, _ =	vpop (xrf0)  }
0x28d: {  	v29 =	vadd.s32 v16, v29;
	v32 =	vld.idx.msk [tilespmem:v60+s3+$0x0], $0xffff;
	v38 =	vbroadcast v30, $0xF;
	v30, _, _ =	vpop (xrf0)  }
0x28e: {  	v47 =	vadd.s32 s25, v29;
	v40 =	vbroadcast v30, $0xF;
	v30 =	vld.idx.msk [tilespmem:v46+s3+$0x0], $0xffff  }
0x28f: {  	v48 =	vld.idx.msk [tilespmem:v61+s3+$0x0], $0xffff  }
0x290: {  	v34 =	vld.idx.msk [tilespmem:v41+s3+$0x0], $0xffff;
	v50, _, _ =	vpop (xrf0)  }
0x291: {  	v37 =	vld.idx.msk [tilespmem:v42+s3+$0x0], $0xffff;
	v42 =	vbroadcast v50, $0xF  }
0x292: {  	v41 =	vbroadcast v31, $0xF  }
0x293: {  	v31 =	vld.idx.msk [tilespmem:v47+s3+$0x0], $0xffff;
	v39 =	vbroadcast v49, $0xF;
	v32 =	vadd.f32 v32, v38;
	v30 =	vadd.f32 v30, v42  }
0x294: {  	v51 =	vadd.f32 v48, v40  }
0x295: {  	v32 =	vmul.f32 $1.442695020e+00, v32;
	v34 =	vadd.f32 v34, v39;
	v52, _, _ =	vpop (xrf0);
	v56 =	vmul.f32 $1.442695020e+00, v30;
	v30 =	vld [tilespmem:$0x1FF60]  }
0x296: {  	v53 =	vadd.f32 v37, v41;
	v43 =	vbroadcast v52, $0xF;
	v35 =	vmul.f32 $1.442695020e+00, v51  }
0x297: {  	v54 =	vmul.f32 $1.442695020e+00, v34;
	(erf) = vpow2.f32 v32  }
0x298: {  	v55 =	vmul.f32 $1.442695020e+00, v53;
	v31 =	vadd.f32 v31, v43;
	(erf) = vpow2.f32 v35  }
0x299: {  	v57 =	vld [tilespmem:$0x1FF90];
	(erf) = vpow2.f32 v54  }
0x29a: {  	v59 =	vld [tilespmem:$0x1FFD0];
	v31 =	vmul.f32 $1.442695020e+00, v31;
	(erf) = vpow2.f32 v55  }
0x29b: {  	v58 =	vld [tilespmem:$0x1FFC0];
	(erf) = vpow2.f32 v56  }
0x29c: {  	(erf) = vpow2.f32 v31;
	v31 =	vld [tilespmem:$0x1FFA0]  }
0x29d: {  	v32 =	vld.idx.msk [tilespmem:v30+s19+$0x0], $0xffff  }
0x29e: {  	v30 =	vld [tilespmem:$0x1FF70]  }
0x29f: {  	v53 =	vld [tilespmem:$0x1FFB0]  }
0x2a0: {  	v51 =	vld [tilespmem:$0x1FF80];
	_ =	sdelay $0x1  }
0x2a1: {  	v36 =	vld.idx.msk [tilespmem:v59+s20+$0x0], $0xffff  }
0x2a2: {  	v35 =	vld.idx.msk [tilespmem:v57+s19+$0x0], $0xffff  }
0x2a3: {  	v37 =	vld.idx.msk [tilespmem:v58+s20+$0x0], $0xffff  }
0x2a4: {  	s0 =	sadd.s32 $0xFFFFFF00, s12;
	v61 =	vpop (erf);
	v31 =	vld.idx.msk [tilespmem:v31+s19+$0x0], $0xffff  }
0x2a5: {  	v60 =	vor.u32 s0, v17;
	v52 =	vpop (erf);
	v30 =	vld.idx.msk [tilespmem:v30+s19+$0x0], $0xffff  }
0x2a6: {  	v34 =	vld.idx.msk [tilespmem:v53+s19+$0x0], $0xffff;
	v54 =	vpop (erf)  }
0x2a7: {  	v33 =	vld.idx.msk [tilespmem:v51+s19+$0x0], $0xffff;
	v47 =	vmul.f32 v54, v35  }
0x2a8: {  	v46 =	vmul.f32 v52, v32  }
0x2a9: {  	v48 =	vpop (erf);
	v47 =	vadd.f32 v47, v36  }
0x2aa: {  	v44 =	vld.idx.msk [tilespmem:v60+s16+$0x0], $0xffff;
	v49 =	vpop (erf);
	v46 =	vadd.f32 v46, v37;
	v45 =	vmul.f32 v61, v31;
	v48 =	vmul.f32 v48, v30  }
0x2ab: {  	v55 =	vpop (erf);
	v49 =	vmul.f32 v49, v34  }
0x2ac: {  	v45 =	vadd.f32 v45, v47;
	v46 =	vadd.f32 v48, v46;
	v48 =	vmul.f32 v55, v33  }
0x2ad: {  	v56 =	vadd.s32 s1, v26  }
0x2ae: {  	v57 =	vadd.s32 s1, v24;
	v45 =	vadd.f32 v49, v45;
	v46 =	vadd.f32 v48, v46  }
0x2af: {  	s25 =	simm.s32 $0x0;
	v58 =	vadd.s32 s1, v25;
	vm14 =	veq.s32 v44, $0x0  }
0x2b0: {  	s26 =	sand.u32 $0x3F0, s25;
	v59 =	vadd.s32 s1, v27;
	v45 =	vsel vm14, v46, v45  }
0x2b1: {  	v60 =	vadd.s32 s1, v28;
	[tilespmem:s26+$0x3E80] =	vst v45  }
0x2b2: {  	v61 =	vadd.s32 s1, v29;
	v47 =	vld.idx.msk [tilespmem:v56+s3+$0x0], $0xffff  }
0x2b3: {  	v48 =	vld.idx.msk [tilespmem:v57+s3+$0x0], $0xffff  }
0x2b4: {  	v44 =	vld.idx.msk [tilespmem:v58+s3+$0x0], $0xffff  }
0x2b5: {  	v46 =	vld.idx.msk [tilespmem:v59+s3+$0x0], $0xffff  }
0x2b6: {  	v45 =	vld.idx.msk [tilespmem:v60+s3+$0x0], $0xffff  }
0x2b7: {  	v49 =	vld.idx.msk [tilespmem:v61+s3+$0x0], $0xffff;
	v47 =	vadd.f32 v47, v39  }
0x2b8: {  	v48 =	vadd.f32 v48, v40  }
0x2b9: {  	v44 =	vadd.f32 v44, v38;
	v47 =	vmul.f32 $1.442695020e+00, v47  }
0x2ba: {  	v46 =	vadd.f32 v46, v41;
	v48 =	vmul.f32 $1.442695020e+00, v48  }
0x2bb: {  	v45 =	vadd.f32 v45, v42;
	v44 =	vmul.f32 $1.442695020e+00, v44;
	(erf) = vpow2.f32 v47  }
0x2bc: {  	v51 =	vadd.f32 v49, v43;
	v46 =	vmul.f32 $1.442695020e+00, v46;
	(erf) = vpow2.f32 v48  }
0x2bd: {  	v45 =	vmul.f32 $1.442695020e+00, v45;
	(erf) = vpow2.f32 v44  }
0x2be: {  	v52 =	vmul.f32 $1.442695020e+00, v51;
	(erf) = vpow2.f32 v46  }
0x2bf: {  	(erf) = vpow2.f32 v45  }
0x2c0: {  	(erf) = vpow2.f32 v52;
	_ =	sdelay $0x1  }
0x2c1: {  	s31 =	sadd.s32 $0xFFFFFF80, s12  }
0x2c2: {  	v53 =	vor.u32 s31, v17  }
0x2c3: {  	v54 =	vpop (erf)  }
0x2c4: {  	v45 =	vmul.f32 v54, v35;
	v55 =	vpop (erf)  }
0x2c5: {  	v46 =	vmul.f32 v55, v32;
	v56 =	vpop (erf)  }
0x2c6: {  	v45 =	vadd.f32 v45, v36;
	v47 =	vmul.f32 v56, v31;
	v57 =	vpop (erf)  }
0x2c7: {  	v44 =	vld.idx.msk [tilespmem:v53+s16+$0x0], $0xffff;
	v46 =	vadd.f32 v46, v37;
	v48 =	vmul.f32 v57, v30;
	v58 =	vpop (erf)  }
0x2c8: {  	v45 =	vadd.f32 v47, v45;
	v59 =	vpop (erf)  }
0x2c9: {  	v60 =	vmul.f32 v58, v34;
	v46 =	vadd.f32 v48, v46;
	v47 =	vmul.f32 v59, v33  }
0x2ca: {  	v61 =	vadd.s32 s28, v24  }
0x2cb: {  	v52 =	vadd.s32 s28, v26;
	v45 =	vadd.f32 v60, v45;
	v46 =	vadd.f32 v47, v46  }
0x2cc: {  	v53 =	vadd.s32 s28, v27;
	vm15 =	veq.s32 v44, $0x0  }
0x2cd: {  	s26 =	simm.s32 $0x3EA0;
	v54 =	vadd.s32 s28, v25;
	v45 =	vsel vm15, v46, v45  }
0x2ce: {  	v55 =	vadd.s32 s28, v29;
	[tilespmem:s26+$0xFFFFFFF0] =	vst v45  }
0x2cf: {  	v57 =	vadd.s32 s28, v28;
	v56 =	vld.idx.msk [tilespmem:v61+s3+$0x0], $0xffff  }
0x2d0: {  	v47 =	vld.idx.msk [tilespmem:v52+s3+$0x0], $0xffff  }
0x2d1: {  	v44 =	vld.idx.msk [tilespmem:v53+s3+$0x0], $0xffff  }
0x2d2: {  	v46 =	vld.idx.msk [tilespmem:v54+s3+$0x0], $0xffff  }
0x2d3: {  	v45 =	vld.idx.msk [tilespmem:v55+s3+$0x0], $0xffff  }
0x2d4: {  	v58 =	vld.idx.msk [tilespmem:v57+s3+$0x0], $0xffff;
	v40 =	vadd.f32 v56, v40  }
0x2d5: {  	v39 =	vadd.f32 v47, v39  }
0x2d6: {  	v41 =	vadd.f32 v44, v41;
	v40 =	vmul.f32 $1.442695020e+00, v40  }
0x2d7: {  	v59 =	vor.u32 s12, v17;
	v38 =	vadd.f32 v46, v38;
	v39 =	vmul.f32 $1.442695020e+00, v39  }
0x2d8: {  	v43 =	vadd.f32 v45, v43;
	v41 =	vmul.f32 $1.442695020e+00, v41;
	(erf) = vpow2.f32 v40  }
0x2d9: {  	v42 =	vadd.f32 v58, v42;
	v38 =	vmul.f32 $1.442695020e+00, v38;
	(erf) = vpow2.f32 v39  }
0x2da: {  	v60 =	vmul.f32 $1.442695020e+00, v43;
	(erf) = vpow2.f32 v41  }
0x2db: {  	v61 =	vmul.f32 $1.442695020e+00, v42;
	(erf) = vpow2.f32 v38  }
0x2dc: {  	(erf) = vpow2.f32 v60  }
0x2dd: {  	s29 =	simm.s32 $0x550;
	s30 =	smov.u32 s12;
	s28 =	simm.s32 $0x3EA0;
	v41 =	vld.idx.msk [tilespmem:v59+s16+$0x0], $0xffff;
	(erf) = vpow2.f32 v61  }
.LBB2_6:
0x2de: {  	_ =	sdelay $0x1  }
0x2df: {  	s26 =	sadd.s32 $0x30, s26;
	s25 =	sadd.s32 $0x30, s25;
	s30 =	sadd.s32 $0x180, s30  }
0x2e0: {  	p0 =	sne.s32 s29, $0x2530;
	s31 =	smov.u32 s29;
	s29 =	sadd.s32 $0x330, s29;
	v38 =	vpop (erf)  }
0x2e1: {  	v38 =	vmul.f32 v38, v32;
	v39 =	vpop (erf)  }
0x2e2: {  	v39 =	vmul.f32 v39, v35;
	v40 =	vpop (erf)  }
0x2e3: {  	v38 =	vadd.f32 v38, v37;
	v44 =	vmul.f32 v40, v30;
	v42 =	vpop (erf)  }
0x2e4: {  	v39 =	vadd.f32 v39, v36;
	v42 =	vmul.f32 v42, v31;
	v43 =	vpop (erf)  }
0x2e5: {  	v38 =	vadd.f32 v44, v38;
	v40 =	vpop (erf)  }
0x2e6: {  	v43 =	vmul.f32 v43, v33;
	v39 =	vadd.f32 v42, v39;
	v40 =	vmul.f32 v40, v34;
	_ =	sdelay $0x1  }
0x2e7: {  	v42 =	vadd.s32 s31, v23;
	v38 =	vadd.f32 v43, v38;
	v39 =	vadd.f32 v40, v39  }
0x2e8: {  	vm0 =	veq.s32 v41, $0x0;
	v40 =	vadd.s32 s31, v18  }
0x2e9: {  	v41 =	vadd.s32 s31, v19;
	v38 =	vsel vm0, v38, v39  }
0x2ea: {  	v39 =	vadd.s32 s31, v20;
	[tilespmem:s28+$0x0] =	vst v38;
	s28 =	smov.u32 s26  }
0x2eb: {  	s0 =	sadd.s32 $0xFFFFFDE0, s31;
	s1 =	sadd.s32 $0xFFFFFEF0, s31;
	v38 =	vadd.s32 s31, v21  }
0x2ec: {  	v45 =	vadd.s32 s0, v22;
	v44 =	vadd.s32 s1, v19;
	v43 =	vadd.s32 s0, v19;
	v42 =	vld.idx.msk [tilespmem:v42+s3+$0x0], $0xffff  }
0x2ed: {  	v46 =	vadd.s32 s1, v22;
	v47 =	vadd.s32 s0, v20;
	v48 =	vadd.s32 s1, v20;
	v40 =	vld.idx.msk [tilespmem:v40+s3+$0x0], $0xffff  }
0x2ee: {  	v49 =	vadd.s32 s0, v21;
	v50 =	vadd.s32 s1, v21;
	v51 =	vadd.s32 s0, v23;
	v41 =	vld.idx.msk [tilespmem:v41+s3+$0x0], $0xffff  }
0x2ef: {  	v52 =	vadd.s32 s1, v23;
	v53 =	vadd.s32 s0, v18;
	v54 =	vadd.s32 s1, v18;
	v39 =	vld.idx.msk [tilespmem:v39+s3+$0x0], $0xffff  }
0x2f0: {  	v55 =	vadd.s32 s0, v24;
	v56 =	vadd.s32 s0, v27;
	v57 =	vadd.s32 s0, v25;
	v38 =	vld.idx.msk [tilespmem:v38+s3+$0x0], $0xffff  }
0x2f1: {  	v58 =	vadd.s32 s0, v29;
	v59 =	vadd.s32 s0, v26;
	v60 =	vadd.s32 s0, v28;
	v43 =	vld.idx.msk [tilespmem:v43+s3+$0x0], $0xffff  }
0x2f2: {  	v48 =	vld.idx.msk [tilespmem:v48+s3+$0x0], $0xffff  }
0x2f3: {  	v49 =	vld.idx.msk [tilespmem:v49+s3+$0x0], $0xffff  }
0x2f4: {  	v61 =	vadd.s32 s31, v22;
	v47 =	vld.idx.msk [tilespmem:v47+s3+$0x0], $0xffff  }
0x2f5: {  	v50 =	vld.idx.msk [tilespmem:v50+s3+$0x0], $0xffff  }
0x2f6: {  	v45 =	vld.idx.msk [tilespmem:v45+s3+$0x0], $0xffff  }
0x2f7: {  	v46 =	vld.idx.msk [tilespmem:v46+s3+$0x0], $0xffff  }
0x2f8: {  	v44 =	vld.idx.msk [tilespmem:v44+s3+$0x0], $0xffff  }
0x2f9: {  	v61 =	vld.idx.msk [tilespmem:v61+s3+$0x0], $0xffff  }
0x2fa: {  	v54 =	vld.idx.msk [tilespmem:v54+s3+$0x0], $0xffff  }
0x2fb: {  	v53 =	vld.idx.msk [tilespmem:v53+s3+$0x0], $0xffff  }
0x2fc: {  	v49 =	vmax.f32 v49, v50;
	v50 =	vld.idx.msk [tilespmem:v52+s3+$0x0], $0xffff  }
0x2fd: {  	v47 =	vmax.f32 v47, v48;
	v38 =	vmax.f32 v49, v38;
	v49 =	vld.idx.msk [tilespmem:v51+s3+$0x0], $0xffff  }
0x2fe: {  	v39 =	vmax.f32 v47, v39;
	v43 =	vmax.f32 v43, v44;
	v44 =	vmax.f32 v45, v46;
	(xrf0) =	vmax.scan.msk.f32 $0xffff, v38  }
0x2ff: {  	v38 =	vmax.f32 v44, v61;
	(xrf0) =	vmax.scan.msk.f32 $0xffff, v39  }
0x300: {  	v39 =	vmax.f32 v43, v41;
	(xrf0) =	vmax.scan.msk.f32 $0xffff, v38  }
0x301: {  	v38 =	vmax.f32 v53, v54;
	v43 =	vld.idx.msk [tilespmem:v57+s3+$0x0], $0xffff;
	(xrf0) =	vmax.scan.msk.f32 $0xffff, v39  }
0x302: {  	v38 =	vmax.f32 v38, v40;
	v40 =	vld.idx.msk [tilespmem:v56+s3+$0x0], $0xffff  }
0x303: {  	v41 =	vmax.f32 v49, v50;
	(xrf0) =	vmax.scan.msk.f32 $0xffff, v38  }
0x304: {  	v41 =	vmax.f32 v41, v42;
	v44 =	vld.idx.msk [tilespmem:v55+s3+$0x0], $0xffff;
	v39, _, _ =	vpop (xrf0)  }
0x305: {  	v45 =	vld.idx.msk [tilespmem:v59+s3+$0x0], $0xffff;
	(xrf0) =	vmax.scan.msk.f32 $0xffff, v41;
	v38, _, _ =	vpop (xrf0)  }
0x306: {  	v39 =	vbroadcast v39, $0xF;
	v38 =	vbroadcast v38, $0xF;
	v42, _, _ =	vpop (xrf0)  }
0x307: {  	v46 =	vld.idx.msk [tilespmem:v60+s3+$0x0], $0xffff;
	v41, _, _ =	vpop (xrf0)  }
0x308: {  	v40 =	vadd.f32 v40, v39;
	v41 =	vbroadcast v41, $0xF;
	v47 =	vld.idx.msk [tilespmem:v58+s3+$0x0], $0xffff;
	v51 =	vadd.f32 v43, v38  }
0x309: {  	v42 =	vbroadcast v42, $0xF;
	v48, _, _ =	vpop (xrf0)  }
0x30a: {  	v49 =	vmul.f32 $1.442695020e+00, v40;
	v44 =	vadd.f32 v44, v41;
	v50 =	vmul.f32 $1.442695020e+00, v51  }
0x30b: {  	v45 =	vadd.f32 v45, v42;
	v40 =	vbroadcast v48, $0xF;
	v43, _, _ =	vpop (xrf0)  }
0x30c: {  	v44 =	vmul.f32 $1.442695020e+00, v44;
	v43 =	vbroadcast v43, $0xF  }
0x30d: {  	v45 =	vmul.f32 $1.442695020e+00, v45;
	v46 =	vadd.f32 v46, v40;
	(erf) = vpow2.f32 v50  }
0x30e: {  	v47 =	vadd.f32 v47, v43;
	(erf) = vpow2.f32 v44  }
0x30f: {  	v44 =	vmul.f32 $1.442695020e+00, v46;
	(erf) = vpow2.f32 v45  }
0x310: {  	v45 =	vmul.f32 $1.442695020e+00, v47;
	(erf) = vpow2.f32 v49  }
0x311: {  	(erf) = vpow2.f32 v44  }
0x312: {  	(erf) = vpow2.f32 v45;
	_ =	sdelay $0x1  }
0x313: {  	s0 =	sadd.s32 $0xFFFFFF00, s30  }
0x314: {  	v44 =	vor.u32 s0, v17  }
0x315: {  	v45 =	vpop (erf)  }
0x316: {  	v46 =	vpop (erf)  }
0x317: {  	v46 =	vmul.f32 v46, v32;
	v47 =	vpop (erf)  }
0x318: {  	v47 =	vmul.f32 v47, v35;
	v48 =	vpop (erf)  }
0x319: {  	v48 =	vmul.f32 v48, v30;
	v44 =	vld.idx.msk [tilespmem:v44+s16+$0x0], $0xffff;
	v49 =	vpop (erf)  }
0x31a: {  	v45 =	vmul.f32 v45, v31;
	v46 =	vadd.f32 v46, v37;
	v47 =	vadd.f32 v47, v36;
	v50 =	vpop (erf)  }
0x31b: {  	v49 =	vmul.f32 v49, v34  }
0x31c: {  	v46 =	vadd.f32 v48, v46;
	v48 =	vmul.f32 v50, v33;
	v45 =	vadd.f32 v45, v47  }
0x31d: {  	v47 =	vadd.s32 s1, v26  }
0x31e: {  	v46 =	vadd.f32 v48, v46;
	v48 =	vadd.s32 s1, v24;
	v45 =	vadd.f32 v49, v45  }
0x31f: {  	vm0 =	veq.s32 v44, $0x0  }
0x320: {  	s0 =	sand.u32 $0x3F0, s25;
	v44 =	vsel vm0, v46, v45;
	v45 =	vadd.s32 s1, v25  }
0x321: {  	[tilespmem:s0+$0x3E80] =	vst v44;
	v44 =	vadd.s32 s1, v27  }
0x322: {  	v46 =	vld.idx.msk [tilespmem:v47+s3+$0x0], $0xffff;
	v47 =	vadd.s32 s1, v28  }
0x323: {  	v49 =	vadd.s32 s1, v29;
	v48 =	vld.idx.msk [tilespmem:v48+s3+$0x0], $0xffff;
	_ =	sdelay $0x1  }
0x324: {  	v45 =	vld.idx.msk [tilespmem:v45+s3+$0x0], $0xffff  }
0x325: {  	v44 =	vld.idx.msk [tilespmem:v44+s3+$0x0], $0xffff  }
0x326: {  	v47 =	vld.idx.msk [tilespmem:v47+s3+$0x0], $0xffff  }
0x327: {  	v49 =	vld.idx.msk [tilespmem:v49+s3+$0x0], $0xffff  }
0x328: {  	v46 =	vadd.f32 v46, v42;
	v48 =	vadd.f32 v48, v41;
	_ =	sdelay $0x1  }
0x329: {  	v46 =	vmul.f32 $1.442695020e+00, v46;
	v48 =	vmul.f32 $1.442695020e+00, v48;
	v45 =	vadd.f32 v45, v38  }
0x32a: {  	v44 =	vadd.f32 v44, v39  }
0x32b: {  	v45 =	vmul.f32 $1.442695020e+00, v45;
	v47 =	vadd.f32 v47, v40;
	(erf) = vpow2.f32 v46  }
0x32c: {  	v44 =	vmul.f32 $1.442695020e+00, v44;
	v46 =	vadd.f32 v49, v43;
	(erf) = vpow2.f32 v48  }
0x32d: {  	v47 =	vmul.f32 $1.442695020e+00, v47;
	(erf) = vpow2.f32 v45  }
0x32e: {  	v45 =	vmul.f32 $1.442695020e+00, v46;
	(erf) = vpow2.f32 v44  }
0x32f: {  	(erf) = vpow2.f32 v47  }
0x330: {  	(erf) = vpow2.f32 v45  }
0x331: {  	s0 =	sadd.s32 $0xFFFFFF80, s30  }
0x332: {  	v44 =	vor.u32 s0, v17;
	_ =	sdelay $0x1  }
0x333: {  	v45 =	vpop (erf)  }
0x334: {  	v45 =	vmul.f32 v45, v35;
	v46 =	vpop (erf)  }
0x335: {  	v46 =	vmul.f32 v46, v32;
	v47 =	vpop (erf)  }
0x336: {  	v45 =	vadd.f32 v45, v36;
	v50 =	vmul.f32 v47, v31;
	v44 =	vld.idx.msk [tilespmem:v44+s16+$0x0], $0xffff;
	v48 =	vpop (erf)  }
0x337: {  	v46 =	vadd.f32 v46, v37;
	v48 =	vmul.f32 v48, v30;
	v49 =	vpop (erf)  }
0x338: {  	v45 =	vadd.f32 v50, v45;
	v47 =	vpop (erf)  }
0x339: {  	v46 =	vadd.f32 v48, v46;
	v47 =	vmul.f32 v47, v33;
	v48 =	vmul.f32 v49, v34  }
0x33a: {  	v49 =	vadd.s32 s31, v24  }
0x33b: {  	v46 =	vadd.f32 v47, v46;
	v45 =	vadd.f32 v48, v45;
	v47 =	vadd.s32 s31, v26  }
0x33c: {  	vm0 =	veq.s32 v44, $0x0;
	v44 =	vadd.s32 s31, v27  }
0x33d: {  	v45 =	vsel vm0, v46, v45;
	v46 =	vadd.s32 s31, v25  }
0x33e: {  	[tilespmem:s26+$0xFFFFFFF0] =	vst v45;
	v45 =	vadd.s32 s31, v29  }
0x33f: {  	v48 =	vld.idx.msk [tilespmem:v49+s3+$0x0], $0xffff;
	v49 =	vadd.s32 s31, v28  }
0x340: {  	v50 =	vor.u32 s30, v17;
	v47 =	vld.idx.msk [tilespmem:v47+s3+$0x0], $0xffff  }
0x341: {  	v44 =	vld.idx.msk [tilespmem:v44+s3+$0x0], $0xffff  }
0x342: {  	v46 =	vld.idx.msk [tilespmem:v46+s3+$0x0], $0xffff  }
0x343: {  	v45 =	vld.idx.msk [tilespmem:v45+s3+$0x0], $0xffff  }
0x344: {  	v49 =	vld.idx.msk [tilespmem:v49+s3+$0x0], $0xffff  }
0x345: {  	v48 =	vadd.f32 v48, v41;
	v41 =	vld.idx.msk [tilespmem:v50+s16+$0x0], $0xffff  }
0x346: {  	v42 =	vadd.f32 v47, v42  }
0x347: {  	v47 =	vmul.f32 $1.442695020e+00, v48;
	v39 =	vadd.f32 v44, v39  }
0x348: {  	v42 =	vmul.f32 $1.442695020e+00, v42;
	v38 =	vadd.f32 v46, v38  }
0x349: {  	v39 =	vmul.f32 $1.442695020e+00, v39;
	v43 =	vadd.f32 v45, v43;
	(erf) = vpow2.f32 v47  }
.Ltmp2:
0x34a: {  	v38 =	vmul.f32 $1.442695020e+00, v38;
	v40 =	vadd.f32 v49, v40;
	(erf) = vpow2.f32 v42;
	(pc) =	sbr.rel @p0 .LBB2_6-.Ltmp2, $4  }
0x34b: {  	v42 =	vmul.f32 $1.442695020e+00, v43;
	(erf) = vpow2.f32 v39  }
0x34c: {  	v39 =	vmul.f32 $1.442695020e+00, v40;
	(erf) = vpow2.f32 v38  }
0x34d: {  	(erf) = vpow2.f32 v42  }
0x34e: {  	(erf) = vpow2.f32 v39  }
0x34f: {  	_ =	sdelay $0x2  }
0x350: {  	v18 =	vpop (erf)  }
0x351: {  	v19 =	vpop (erf)  }
0x352: {  	v20 =	vpop (erf)  }
0x353: {  	v18 =	vmul.f32 v18, v32;
	v20 =	vmul.f32 v20, v30  }
0x354: {  	v19 =	vmul.f32 v19, v35  }
0x355: {  	v18 =	vadd.f32 v18, v37;
	v21 =	vpop (erf)  }
0x356: {  	v19 =	vadd.f32 v19, v36;
	v21 =	vmul.f32 v21, v31;
	v22 =	vpop (erf)  }
0x357: {  	v18 =	vadd.f32 v20, v18;
	v20 =	vpop (erf)  }
0x358: {  	v22 =	vmul.f32 v22, v33;
	v19 =	vadd.f32 v21, v19;
	v20 =	vmul.f32 v20, v34;
	_ =	sdelay $0x1  }
0x359: {  	v18 =	vadd.f32 v22, v18;
	v19 =	vadd.f32 v20, v19  }
0x35a: {  	vm0 =	veq.s32 v41, $0x0  }
0x35b: {  	v18 =	vsel vm0, v18, v19  }
0x35c: {  	[tilespmem:s28+$0x0] =	vst v18;
	v18 =	vld [tilespmem:$0x1FFE0];
	_ =	sdelay $0x1  }
0x35d: {  	v19 =	vld [tilespmem:$0x1FFF0]  }
0x35e: {  	v20 =	vld.idx.msk [tilespmem:v63+s17+$0x0], $0xffff  }
0x35f: {  	v22 =	vld.idx.msk [tilespmem:v0+s17+$0x0], $0xffff  }
0x360: {  	v23 =	vld.idx.msk [tilespmem:v1+s17+$0x0], $0xffff  }
0x361: {  	v24 =	vld.idx.msk [tilespmem:v2+s17+$0x0], $0xffff  }
0x362: {  	v26 =	vld.idx.msk [tilespmem:v3+s17+$0x0], $0xffff  }
0x363: {  	v21 =	vld.idx.msk [tilespmem:v18+s17+$0x0], $0xffff  }
0x364: {  	s26 =	simm.s32 $0x220;
	v20 =	vadd.s32 v16, v20;
	v18 =	vld.idx.msk [tilespmem:v62+s17+$0x0], $0xffff  }
0x365: {  	s25 =	simm.s32 $0x0;
	v28 =	vld.idx.msk [tilespmem:v4+s17+$0x0], $0xffff;
	v30 =	vadd.s32 s26, v20  }
0x366: {  	s1 =	simm.s32 $0x110;
	v19 =	vld.idx.msk [tilespmem:v19+s17+$0x0], $0xffff;
	v40 =	vadd.s32 s25, v20  }
0x367: {  	v29 =	vld.idx.msk [tilespmem:v5+s17+$0x0], $0xffff;
	v22 =	vadd.s32 v16, v22;
	v57 =	vadd.s32 s1, v20  }
0x368: {  	v31 =	vld.idx.msk [tilespmem:v6+s17+$0x0], $0xffff;
	v43 =	vadd.s32 s25, v22  }
0x369: {  	v52 =	vld.idx.msk [tilespmem:v7+s17+$0x0], $0xffff;
	v44 =	vadd.s32 s26, v22;
	v18 =	vadd.s32 v16, v18  }
0x36a: {  	v23 =	vadd.s32 v16, v23;
	v30 =	vld.idx.msk [tilespmem:v30+s3+$0x0], $0xffff;
	v25 =	vadd.s32 s26, v18  }
0x36b: {  	v45 =	vadd.s32 s1, v23;
	v19 =	vadd.s32 v16, v19;
	v40 =	vld.idx.msk [tilespmem:v40+s3+$0x0], $0xffff  }
0x36c: {  	v41 =	vld.idx.msk [tilespmem:v57+s3+$0x0], $0xffff;
	v21 =	vadd.s32 v16, v21;
	v54 =	vadd.s32 s25, v19  }
0x36d: {  	v43 =	vld.idx.msk [tilespmem:v43+s3+$0x0], $0xffff;
	v53 =	vadd.s32 s25, v21  }
0x36e: {  	v58 =	vld.idx.msk [tilespmem:v44+s3+$0x0], $0xffff;
	v56 =	vadd.s32 s25, v18  }
0x36f: {  	v55 =	vld.idx.msk [tilespmem:v25+s3+$0x0], $0xffff;
	v25 =	vadd.s32 s1, v19  }
0x370: {  	v60 =	vld.idx.msk [tilespmem:v45+s3+$0x0], $0xffff;
	v38 =	vadd.s32 s1, v18  }
0x371: {  	v39 =	vadd.s32 s1, v21;
	v35 =	vld.idx.msk [tilespmem:v54+s3+$0x0], $0xffff  }
0x372: {  	v51 =	vadd.s32 s26, v21;
	v34 =	vld.idx.msk [tilespmem:v53+s3+$0x0], $0xffff  }
0x373: {  	v27 =	vadd.s32 s26, v19;
	v37 =	vld.idx.msk [tilespmem:v56+s3+$0x0], $0xffff  }
0x374: {  	v42 =	vld.idx.msk [tilespmem:v25+s3+$0x0], $0xffff;
	v25 =	vadd.s32 s1, v22  }
0x375: {  	v46 =	vadd.s32 s25, v23;
	v38 =	vld.idx.msk [tilespmem:v38+s3+$0x0], $0xffff  }
0x376: {  	v48 =	vadd.s32 s26, v23;
	v39 =	vld.idx.msk [tilespmem:v39+s3+$0x0], $0xffff  }
0x377: {  	v32 =	vld.idx.msk [tilespmem:v51+s3+$0x0], $0xffff  }
0x378: {  	v27 =	vld.idx.msk [tilespmem:v27+s3+$0x0], $0xffff  }
0x379: {  	v47 =	vld.idx.msk [tilespmem:v25+s3+$0x0], $0xffff  }
0x37a: {  	v24 =	vadd.s32 v16, v24;
	v26 =	vadd.s32 v16, v26;
	v61 =	vld.idx.msk [tilespmem:v46+s3+$0x0], $0xffff;
	v37 =	vmax.f32 v37, v38  }
0x37b: {  	v45 =	vld.idx.msk [tilespmem:v48+s3+$0x0], $0xffff;
	v59 =	vmax.f32 v37, v55;
	v25 =	vadd.s32 v16, v29;
	v29 =	vmax.f32 v34, v39  }
0x37c: {  	v44 =	vmax.f32 v40, v41;
	(xrf0) =	vmax.scan.msk.f32 $0xffff, v59;
	v35 =	vmax.f32 v35, v42;
	v29 =	vmax.f32 v29, v32  }
0x37d: {  	v42 =	vadd.s32 s25, v24;
	v27 =	vmax.f32 v35, v27;
	v46 =	vadd.s32 s25, v25;
	(xrf0) =	vmax.scan.msk.f32 $0xffff, v29  }
0x37e: {  	v29 =	vmax.f32 v44, v30;
	(xrf0) =	vmax.scan.msk.f32 $0xffff, v27;
	v27 =	vadd.s32 v16, v31;
	v31 =	vmax.f32 v43, v47  }
0x37f: {  	v30 =	vadd.s32 s25, v26;
	(xrf0) =	vmax.scan.msk.f32 $0xffff, v29;
	v31 =	vmax.f32 v31, v58  }
0x380: {  	v28 =	vadd.s32 v16, v28;
	v47 =	vadd.s32 s25, v27;
	(xrf0) =	vmax.scan.msk.f32 $0xffff, v31;
	v31 =	vmax.f32 v61, v60  }
0x381: {  	v48 =	vadd.s32 s25, v28;
	v29 =	vadd.s32 v16, v52;
	v31 =	vmax.f32 v31, v45  }
0x382: {  	v50, _, _ =	vpop (xrf0);
	v49 =	vadd.s32 s25, v29;
	v34 =	vld.idx.msk [tilespmem:v42+s3+$0x0], $0xffff  }
0x383: {  	v51 =	vld.idx.msk [tilespmem:v46+s3+$0x0], $0xffff;
	v52, _, _ =	vpop (xrf0);
	(xrf0) =	vmax.scan.msk.f32 $0xffff, v31  }
0x384: {  	v30 =	vld.idx.msk [tilespmem:v30+s3+$0x0], $0xffff;
	v31, _, _ =	vpop (xrf0)  }
0x385: {  	v38 =	vbroadcast v52, $0xF;
	v35 =	vld.idx.msk [tilespmem:v47+s3+$0x0], $0xffff;
	v53, _, _ =	vpop (xrf0)  }
0x386: {  	v33 =	vld.idx.msk [tilespmem:v48+s3+$0x0], $0xffff;
	v39 =	vbroadcast v53, $0xF  }
0x387: {  	v34 =	vadd.f32 v34, v38;
	v40 =	vbroadcast v31, $0xF;
	v31 =	vld.idx.msk [tilespmem:v49+s3+$0x0], $0xffff;
	v54, _, _ =	vpop (xrf0)  }
0x388: {  	v41 =	vbroadcast v54, $0xF;
	v37 =	vadd.f32 v51, v39  }
0x389: {  	v42 =	vbroadcast v50, $0xF;
	v55 =	vmul.f32 $1.442695020e+00, v34;
	v30 =	vadd.f32 v30, v40;
	v56, _, _ =	vpop (xrf0)  }
0x38a: {  	v35 =	vadd.f32 v35, v41;
	v43 =	vbroadcast v56, $0xF;
	v57 =	vmul.f32 $1.442695020e+00, v37  }
0x38b: {  	v58 =	vadd.f32 v33, v42;
	(erf) = vpow2.f32 v55;
	v30 =	vmul.f32 $1.442695020e+00, v30  }
0x38c: {  	v59 =	vmul.f32 $1.442695020e+00, v35;
	v34 =	vadd.f32 v31, v43;
	(erf) = vpow2.f32 v57  }
0x38d: {  	v32 =	vmul.f32 $1.442695020e+00, v58;
	(erf) = vpow2.f32 v30  }
0x38e: {  	v36 =	vld.idx.msk [tilespmem:v11+s19+$0x0], $0xffff;
	v60 =	vmul.f32 $1.442695020e+00, v34;
	(erf) = vpow2.f32 v59  }
0x38f: {  	v33 =	vld.idx.msk [tilespmem:v14+s20+$0x0], $0xffff;
	(erf) = vpow2.f32 v32  }
0x390: {  	v31 =	vld.idx.msk [tilespmem:v8+s19+$0x0], $0xffff;
	(erf) = vpow2.f32 v60  }
0x391: {  	v37 =	vld.idx.msk [tilespmem:v15+s20+$0x0], $0xffff  }
0x392: {  	s0 =	sadd.s32 $0xFFFFFF00, s13;
	v30 =	vld.idx.msk [tilespmem:v9+s19+$0x0], $0xffff  }
0x393: {  	v61 =	vor.u32 s0, v17;
	v34 =	vld.idx.msk [tilespmem:v12+s19+$0x0], $0xffff  }
0x394: {  	v35 =	vld.idx.msk [tilespmem:v13+s19+$0x0], $0xffff;
	v50 =	vpop (erf)  }
0x395: {  	v32 =	vld.idx.msk [tilespmem:v10+s19+$0x0], $0xffff;
	v45 =	vmul.f32 v50, v31;
	v51 =	vpop (erf)  }
0x396: {  	v46 =	vmul.f32 v51, v36;
	v52 =	vpop (erf)  }
0x397: {  	v45 =	vadd.f32 v45, v33;
	v47 =	vmul.f32 v52, v30;
	v53 =	vpop (erf)  }
0x398: {  	v44 =	vld.idx.msk [tilespmem:v61+s16+$0x0], $0xffff;
	v46 =	vadd.f32 v46, v37;
	v48 =	vmul.f32 v53, v34;
	v49 =	vpop (erf)  }
0x399: {  	v45 =	vadd.f32 v47, v45;
	v54 =	vpop (erf)  }
0x39a: {  	v49 =	vmul.f32 v49, v32;
	v46 =	vadd.f32 v48, v46;
	v47 =	vmul.f32 v54, v35  }
0x39b: {  	v55 =	vadd.s32 s1, v24  }
0x39c: {  	v56 =	vadd.s32 s1, v25;
	v45 =	vadd.f32 v49, v45;
	v46 =	vadd.f32 v47, v46  }
0x39d: {  	vm14 =	veq.s32 v44, $0x0;
	v57 =	vadd.s32 s1, v26  }
0x39e: {  	s25 =	simm.s32 $0x40E0;
	v58 =	vadd.s32 s1, v27;
	v45 =	vsel vm14, v45, v46  }
0x39f: {  	v59 =	vadd.s32 s1, v29;
	[tilespmem:s25+$0xFFFFFFE0] =	vst v45  }
0x3a0: {  	v60 =	vadd.s32 s1, v28;
	v48 =	vld.idx.msk [tilespmem:v55+s3+$0x0], $0xffff  }
0x3a1: {  	v47 =	vld.idx.msk [tilespmem:v56+s3+$0x0], $0xffff  }
0x3a2: {  	v44 =	vld.idx.msk [tilespmem:v57+s3+$0x0], $0xffff  }
0x3a3: {  	v46 =	vld.idx.msk [tilespmem:v58+s3+$0x0], $0xffff  }
0x3a4: {  	v45 =	vld.idx.msk [tilespmem:v59+s3+$0x0], $0xffff  }
0x3a5: {  	v49 =	vld.idx.msk [tilespmem:v60+s3+$0x0], $0xffff;
	v48 =	vadd.f32 v48, v38  }
0x3a6: {  	v47 =	vadd.f32 v47, v39  }
0x3a7: {  	v44 =	vadd.f32 v44, v40;
	v48 =	vmul.f32 $1.442695020e+00, v48  }
0x3a8: {  	v46 =	vadd.f32 v46, v41;
	v47 =	vmul.f32 $1.442695020e+00, v47  }
0x3a9: {  	v45 =	vadd.f32 v45, v43;
	v44 =	vmul.f32 $1.442695020e+00, v44;
	(erf) = vpow2.f32 v48  }
0x3aa: {  	v61 =	vadd.f32 v49, v42;
	v46 =	vmul.f32 $1.442695020e+00, v46;
	(erf) = vpow2.f32 v47  }
0x3ab: {  	v45 =	vmul.f32 $1.442695020e+00, v45;
	(erf) = vpow2.f32 v44  }
0x3ac: {  	v51 =	vmul.f32 $1.442695020e+00, v61;
	(erf) = vpow2.f32 v46  }
0x3ad: {  	(erf) = vpow2.f32 v45  }
0x3ae: {  	(erf) = vpow2.f32 v51;
	_ =	sdelay $0x1  }
0x3af: {  	s31 =	sadd.s32 $0xFFFFFF80, s13  }
0x3b0: {  	v52 =	vor.u32 s31, v17  }
0x3b1: {  	v53 =	vpop (erf)  }
0x3b2: {  	v45 =	vmul.f32 v53, v31;
	v54 =	vpop (erf)  }
0x3b3: {  	v46 =	vmul.f32 v54, v36;
	v55 =	vpop (erf)  }
0x3b4: {  	v45 =	vadd.f32 v45, v33;
	v47 =	vmul.f32 v55, v30;
	v56 =	vpop (erf)  }
0x3b5: {  	v44 =	vld.idx.msk [tilespmem:v52+s16+$0x0], $0xffff;
	v46 =	vadd.f32 v46, v37;
	v48 =	vmul.f32 v56, v34;
	v57 =	vpop (erf)  }
0x3b6: {  	v45 =	vadd.f32 v47, v45;
	v58 =	vpop (erf)  }
0x3b7: {  	v59 =	vmul.f32 v57, v35;
	v47 =	vmul.f32 v58, v32;
	v46 =	vadd.f32 v48, v46  }
0x3b8: {  	v60 =	vadd.s32 s26, v25  }
0x3b9: {  	v61 =	vadd.s32 s26, v24;
	v45 =	vadd.f32 v47, v45;
	v46 =	vadd.f32 v59, v46  }
0x3ba: {  	v52 =	vadd.s32 s26, v27;
	vm15 =	veq.s32 v44, $0x0  }
0x3bb: {  	v53 =	vadd.s32 s26, v26;
	v45 =	vsel vm15, v45, v46  }
0x3bc: {  	v54 =	vadd.s32 s26, v29;
	[tilespmem:s25+$0xFFFFFFF0] =	vst v45  }
0x3bd: {  	v56 =	vadd.s32 s26, v28;
	v55 =	vld.idx.msk [tilespmem:v60+s3+$0x0], $0xffff  }
0x3be: {  	v47 =	vld.idx.msk [tilespmem:v61+s3+$0x0], $0xffff  }
0x3bf: {  	v44 =	vld.idx.msk [tilespmem:v52+s3+$0x0], $0xffff  }
0x3c0: {  	v46 =	vld.idx.msk [tilespmem:v53+s3+$0x0], $0xffff  }
0x3c1: {  	v45 =	vld.idx.msk [tilespmem:v54+s3+$0x0], $0xffff  }
0x3c2: {  	v57 =	vld.idx.msk [tilespmem:v56+s3+$0x0], $0xffff;
	v39 =	vadd.f32 v55, v39  }
0x3c3: {  	v38 =	vadd.f32 v47, v38  }
0x3c4: {  	v41 =	vadd.f32 v44, v41;
	v39 =	vmul.f32 $1.442695020e+00, v39  }
0x3c5: {  	v58 =	vor.u32 s13, v17;
	v40 =	vadd.f32 v46, v40;
	v38 =	vmul.f32 $1.442695020e+00, v38  }
0x3c6: {  	v43 =	vadd.f32 v45, v43;
	v41 =	vmul.f32 $1.442695020e+00, v41;
	(erf) = vpow2.f32 v39  }
0x3c7: {  	v42 =	vadd.f32 v57, v42;
	v59 =	vmul.f32 $1.442695020e+00, v40;
	(erf) = vpow2.f32 v38  }
0x3c8: {  	v60 =	vmul.f32 $1.442695020e+00, v43;
	(erf) = vpow2.f32 v41  }
0x3c9: {  	v61 =	vmul.f32 $1.442695020e+00, v42;
	(erf) = vpow2.f32 v59  }
0x3ca: {  	(erf) = vpow2.f32 v60  }
0x3cb: {  	s29 =	smov.u32 s13;
	s28 =	simm.s32 $0x550;
	s26 =	simm.s32 $0x40E0;
	v40 =	vld.idx.msk [tilespmem:v58+s16+$0x0], $0xffff;
	(erf) = vpow2.f32 v61  }
.LBB2_8:
0x3cc: {  	_ =	sdelay $0x2  }
0x3cd: {  	p0 =	sne.s32 s28, $0x2530;
	s29 =	sadd.s32 $0x180, s29;
	s25 =	sadd.s32 $0x30, s25;
	v38 =	vpop (erf)  }
0x3ce: {  	s30 =	smov.u32 s28;
	s28 =	sadd.s32 $0x330, s28;
	v38 =	vmul.f32 v38, v36;
	v39 =	vpop (erf)  }
0x3cf: {  	v39 =	vmul.f32 v39, v31;
	v41 =	vpop (erf)  }
0x3d0: {  	v38 =	vadd.f32 v38, v37;
	v41 =	vmul.f32 v41, v34;
	v42 =	vpop (erf)  }
0x3d1: {  	v39 =	vadd.f32 v39, v33;
	v42 =	vmul.f32 v42, v30;
	v43 =	vpop (erf)  }
0x3d2: {  	v38 =	vadd.f32 v41, v38;
	v41 =	vmul.f32 v43, v35;
	v43 =	vpop (erf)  }
0x3d3: {  	v39 =	vadd.f32 v42, v39;
	v42 =	vmul.f32 v43, v32  }
0x3d4: {  	v44 =	vadd.s32 s30, v20;
	v43 =	vadd.s32 s30, v18;
	v38 =	vadd.f32 v41, v38  }
0x3d5: {  	v41 =	vadd.s32 s30, v19;
	v39 =	vadd.f32 v42, v39  }
0x3d6: {  	vm0 =	veq.s32 v40, $0x0;
	v42 =	vadd.s32 s30, v22  }
0x3d7: {  	s0 =	sadd.s32 $0xFFFFFDE0, s30;
	s1 =	sadd.s32 $0xFFFFFEF0, s30;
	v40 =	vadd.s32 s30, v21;
	v38 =	vsel vm0, v39, v38  }
0x3d8: {  	v45 =	vadd.s32 s1, v21;
	v46 =	vadd.s32 s0, v20;
	v39 =	vadd.s32 s0, v21;
	[tilespmem:s26+$0x0] =	vst v38;
	s26 =	smov.u32 s25  }
0x3d9: {  	v47 =	vadd.s32 s1, v19;
	v48 =	vadd.s32 s1, v20;
	v38 =	vadd.s32 s0, v19;
	v43 =	vld.idx.msk [tilespmem:v43+s3+$0x0], $0xffff  }
0x3da: {  	v49 =	vadd.s32 s0, v18;
	v50 =	vadd.s32 s0, v22;
	v51 =	vadd.s32 s1, v22;
	v41 =	vld.idx.msk [tilespmem:v41+s3+$0x0], $0xffff  }
0x3db: {  	v52 =	vadd.s32 s1, v18;
	v53 =	vadd.s32 s0, v23;
	v54 =	vadd.s32 s1, v23;
	v44 =	vld.idx.msk [tilespmem:v44+s3+$0x0], $0xffff  }
0x3dc: {  	v55 =	vadd.s32 s0, v24;
	v56 =	vadd.s32 s0, v26;
	v57 =	vadd.s32 s0, v25;
	v40 =	vld.idx.msk [tilespmem:v40+s3+$0x0], $0xffff  }
0x3dd: {  	v58 =	vadd.s32 s0, v28;
	v59 =	vadd.s32 s0, v27;
	v60 =	vadd.s32 s0, v29;
	v39 =	vld.idx.msk [tilespmem:v39+s3+$0x0], $0xffff  }
0x3de: {  	v38 =	vld.idx.msk [tilespmem:v38+s3+$0x0], $0xffff  }
0x3df: {  	v47 =	vld.idx.msk [tilespmem:v47+s3+$0x0], $0xffff  }
0x3e0: {  	v49 =	vld.idx.msk [tilespmem:v49+s3+$0x0], $0xffff  }
0x3e1: {  	v52 =	vld.idx.msk [tilespmem:v52+s3+$0x0], $0xffff  }
0x3e2: {  	v45 =	vld.idx.msk [tilespmem:v45+s3+$0x0], $0xffff  }
0x3e3: {  	v46 =	vld.idx.msk [tilespmem:v46+s3+$0x0], $0xffff  }
0x3e4: {  	v48 =	vld.idx.msk [tilespmem:v48+s3+$0x0], $0xffff  }
0x3e5: {  	v61 =	vadd.s32 s30, v23;
	v51 =	vld.idx.msk [tilespmem:v51+s3+$0x0], $0xffff  }
0x3e6: {  	v50 =	vld.idx.msk [tilespmem:v50+s3+$0x0], $0xffff  }
0x3e7: {  	v49 =	vmax.f32 v49, v52;
	v42 =	vld.idx.msk [tilespmem:v42+s3+$0x0], $0xffff  }
0x3e8: {  	v38 =	vmax.f32 v38, v47;
	v39 =	vmax.f32 v39, v45;
	v43 =	vmax.f32 v49, v43;
	v45 =	vld.idx.msk [tilespmem:v54+s3+$0x0], $0xffff  }
0x3e9: {  	v38 =	vmax.f32 v38, v41;
	v39 =	vmax.f32 v39, v40;
	v40 =	vld.idx.msk [tilespmem:v53+s3+$0x0], $0xffff;
	(xrf0) =	vmax.scan.msk.f32 $0xffff, v43  }
0x3ea: {  	v41 =	vmax.f32 v46, v48;
	v43 =	vld.idx.msk [tilespmem:v61+s3+$0x0], $0xffff;
	(xrf0) =	vmax.scan.msk.f32 $0xffff, v39  }
0x3eb: {  	v39 =	vmax.f32 v41, v44;
	(xrf0) =	vmax.scan.msk.f32 $0xffff, v38  }
0x3ec: {  	v38 =	vmax.f32 v50, v51;
	(xrf0) =	vmax.scan.msk.f32 $0xffff, v39  }
0x3ed: {  	v38 =	vmax.f32 v38, v42;
	v39 =	vld.idx.msk [tilespmem:v55+s3+$0x0], $0xffff  }
0x3ee: {  	(xrf0) =	vmax.scan.msk.f32 $0xffff, v38  }
0x3ef: {  	v40 =	vmax.f32 v40, v45;
	v41 =	vld.idx.msk [tilespmem:v57+s3+$0x0], $0xffff;
	v44, _, _ =	vpop (xrf0)  }
0x3f0: {  	v46 =	vmax.f32 v40, v43;
	v43 =	vld.idx.msk [tilespmem:v56+s3+$0x0], $0xffff;
	v38, _, _ =	vpop (xrf0)  }
0x3f1: {  	v38 =	vbroadcast v38, $0xF;
	v45 =	vld.idx.msk [tilespmem:v59+s3+$0x0], $0xffff;
	v42, _, _ =	vpop (xrf0);
	(xrf0) =	vmax.scan.msk.f32 $0xffff, v46  }
0x3f2: {  	v40, _, _ =	vpop (xrf0)  }
0x3f3: {  	v46 =	vadd.f32 v39, v38;
	v39 =	vbroadcast v42, $0xF;
	v40 =	vbroadcast v40, $0xF;
	v47 =	vld.idx.msk [tilespmem:v60+s3+$0x0], $0xffff  }
0x3f4: {  	v48 =	vld.idx.msk [tilespmem:v58+s3+$0x0], $0xffff;
	v42, _, _ =	vpop (xrf0)  }
0x3f5: {  	v46 =	vmul.f32 $1.442695020e+00, v46;
	v41 =	vadd.f32 v41, v40;
	v42 =	vbroadcast v42, $0xF  }
0x3f6: {  	v49 =	vadd.f32 v43, v39  }
0x3f7: {  	v50 =	vmul.f32 $1.442695020e+00, v41;
	v45 =	vadd.f32 v45, v42;
	v43, _, _ =	vpop (xrf0);
	(erf) = vpow2.f32 v46  }
0x3f8: {  	v41 =	vbroadcast v44, $0xF;
	v43 =	vbroadcast v43, $0xF  }
0x3f9: {  	v44 =	vmul.f32 $1.442695020e+00, v49;
	(erf) = vpow2.f32 v50  }
0x3fa: {  	v46 =	vadd.f32 v48, v41;
	v45 =	vmul.f32 $1.442695020e+00, v45;
	v47 =	vadd.f32 v47, v43  }
0x3fb: {  	(erf) = vpow2.f32 v44  }
0x3fc: {  	v44 =	vmul.f32 $1.442695020e+00, v46;
	(erf) = vpow2.f32 v45  }
0x3fd: {  	v45 =	vmul.f32 $1.442695020e+00, v47  }
0x3fe: {  	(erf) = vpow2.f32 v44  }
0x3ff: {  	(erf) = vpow2.f32 v45  }
0x400: {  	s0 =	sadd.s32 $0xFFFFFF00, s29;
	v44 =	vpop (erf)  }
0x401: {  	v45 =	vor.u32 s0, v17;
	v44 =	vmul.f32 v44, v31  }
0x402: {  	v46 =	vpop (erf)  }
0x403: {  	v44 =	vadd.f32 v44, v33;
	v46 =	vmul.f32 v46, v36  }
0x404: {  	v47 =	vpop (erf)  }
0x405: {  	v49 =	vmul.f32 v47, v30;
	v46 =	vadd.f32 v46, v37;
	v48 =	vpop (erf)  }
0x406: {  	v50 =	vmul.f32 v48, v34;
	v45 =	vld.idx.msk [tilespmem:v45+s16+$0x0], $0xffff  }
0x407: {  	v44 =	vadd.f32 v49, v44;
	v47 =	vpop (erf)  }
0x408: {  	v47 =	vmul.f32 v47, v32;
	v46 =	vadd.f32 v50, v46;
	v48 =	vpop (erf)  }
0x409: {  	v48 =	vmul.f32 v48, v35  }
0x40a: {  	v44 =	vadd.f32 v47, v44;
	v47 =	vadd.s32 s1, v24  }
0x40b: {  	v46 =	vadd.f32 v48, v46;
	v48 =	vadd.s32 s1, v25  }
0x40c: {  	vm0 =	veq.s32 v45, $0x0;
	v45 =	vadd.s32 s1, v26  }
0x40d: {  	v44 =	vsel vm0, v44, v46;
	v46 =	vadd.s32 s1, v27  }
0x40e: {  	[tilespmem:s25+$0xFFFFFFE0] =	vst v44;
	v44 =	vadd.s32 s1, v29  }
0x40f: {  	v49 =	vadd.s32 s1, v28;
	v47 =	vld.idx.msk [tilespmem:v47+s3+$0x0], $0xffff  }
0x410: {  	v48 =	vld.idx.msk [tilespmem:v48+s3+$0x0], $0xffff  }
0x411: {  	v45 =	vld.idx.msk [tilespmem:v45+s3+$0x0], $0xffff  }
0x412: {  	v46 =	vld.idx.msk [tilespmem:v46+s3+$0x0], $0xffff  }
0x413: {  	v44 =	vld.idx.msk [tilespmem:v44+s3+$0x0], $0xffff  }
0x414: {  	v49 =	vld.idx.msk [tilespmem:v49+s3+$0x0], $0xffff  }
0x415: {  	v47 =	vadd.f32 v47, v38  }
0x416: {  	v48 =	vadd.f32 v48, v40  }
0x417: {  	v47 =	vmul.f32 $1.442695020e+00, v47;
	v45 =	vadd.f32 v45, v39  }
0x418: {  	v48 =	vmul.f32 $1.442695020e+00, v48;
	v46 =	vadd.f32 v46, v42  }
0x419: {  	v45 =	vmul.f32 $1.442695020e+00, v45;
	v44 =	vadd.f32 v44, v43;
	(erf) = vpow2.f32 v47  }
0x41a: {  	v47 =	vadd.f32 v49, v41;
	v46 =	vmul.f32 $1.442695020e+00, v46;
	(erf) = vpow2.f32 v48  }
0x41b: {  	v44 =	vmul.f32 $1.442695020e+00, v44;
	(erf) = vpow2.f32 v45  }
0x41c: {  	v45 =	vmul.f32 $1.442695020e+00, v47;
	(erf) = vpow2.f32 v46  }
0x41d: {  	(erf) = vpow2.f32 v44  }
0x41e: {  	(erf) = vpow2.f32 v45  }
0x41f: {  	s0 =	sadd.s32 $0xFFFFFF80, s29  }
0x420: {  	v44 =	vor.u32 s0, v17;
	_ =	sdelay $0x1  }
0x421: {  	v45 =	vpop (erf)  }
0x422: {  	v45 =	vmul.f32 v45, v31;
	v46 =	vpop (erf)  }
0x423: {  	v46 =	vmul.f32 v46, v36;
	v47 =	vpop (erf)  }
0x424: {  	v45 =	vadd.f32 v45, v33;
	v50 =	vmul.f32 v47, v30;
	v44 =	vld.idx.msk [tilespmem:v44+s16+$0x0], $0xffff;
	v48 =	vpop (erf)  }
0x425: {  	v46 =	vadd.f32 v46, v37;
	v48 =	vmul.f32 v48, v34;
	v49 =	vpop (erf)  }
0x426: {  	v45 =	vadd.f32 v50, v45;
	v47 =	vpop (erf)  }
0x427: {  	v47 =	vmul.f32 v47, v32;
	v46 =	vadd.f32 v48, v46;
	v48 =	vmul.f32 v49, v35  }
0x428: {  	v49 =	vadd.s32 s30, v25  }
0x429: {  	v45 =	vadd.f32 v47, v45;
	v46 =	vadd.f32 v48, v46;
	v47 =	vadd.s32 s30, v24  }
0x42a: {  	vm0 =	veq.s32 v44, $0x0;
	v44 =	vadd.s32 s30, v27  }
0x42b: {  	v45 =	vsel vm0, v45, v46;
	v46 =	vadd.s32 s30, v26  }
0x42c: {  	[tilespmem:s25+$0xFFFFFFF0] =	vst v45;
	v45 =	vadd.s32 s30, v29  }
0x42d: {  	v48 =	vadd.s32 s30, v28;
	v49 =	vld.idx.msk [tilespmem:v49+s3+$0x0], $0xffff  }
0x42e: {  	v50 =	vor.u32 s29, v17;
	v47 =	vld.idx.msk [tilespmem:v47+s3+$0x0], $0xffff  }
0x42f: {  	v44 =	vld.idx.msk [tilespmem:v44+s3+$0x0], $0xffff  }
0x430: {  	v46 =	vld.idx.msk [tilespmem:v46+s3+$0x0], $0xffff  }
0x431: {  	v45 =	vld.idx.msk [tilespmem:v45+s3+$0x0], $0xffff  }
0x432: {  	v48 =	vld.idx.msk [tilespmem:v48+s3+$0x0], $0xffff  }
0x433: {  	v49 =	vadd.f32 v49, v40;
	v40 =	vld.idx.msk [tilespmem:v50+s16+$0x0], $0xffff  }
0x434: {  	v38 =	vadd.f32 v47, v38  }
0x435: {  	v47 =	vmul.f32 $1.442695020e+00, v49;
	v42 =	vadd.f32 v44, v42  }
0x436: {  	v38 =	vmul.f32 $1.442695020e+00, v38;
	v39 =	vadd.f32 v46, v39  }
0x437: {  	v42 =	vmul.f32 $1.442695020e+00, v42;
	v43 =	vadd.f32 v45, v43;
	(erf) = vpow2.f32 v47  }
.Ltmp3:
0x438: {  	v39 =	vmul.f32 $1.442695020e+00, v39;
	v41 =	vadd.f32 v48, v41;
	(erf) = vpow2.f32 v38;
	(pc) =	sbr.rel @p0 .LBB2_8-.Ltmp3, $4  }
0x439: {  	v38 =	vmul.f32 $1.442695020e+00, v43;
	(erf) = vpow2.f32 v42  }
0x43a: {  	v41 =	vmul.f32 $1.442695020e+00, v41;
	(erf) = vpow2.f32 v39  }
0x43b: {  	(erf) = vpow2.f32 v38  }
0x43c: {  	(erf) = vpow2.f32 v41  }
0x43d: {  	_ =	sdelay $0x2  }
0x43e: {  	v17 =	vpop (erf)  }
0x43f: {  	v18 =	vpop (erf)  }
0x440: {  	v19 =	vpop (erf)  }
0x441: {  	v17 =	vmul.f32 v17, v36;
	v19 =	vmul.f32 v19, v34  }
0x442: {  	v18 =	vmul.f32 v18, v31  }
0x443: {  	v17 =	vadd.f32 v17, v37;
	v20 =	vpop (erf)  }
0x444: {  	v18 =	vadd.f32 v18, v33;
	v20 =	vmul.f32 v20, v30;
	v21 =	vpop (erf)  }
0x445: {  	v17 =	vadd.f32 v19, v17;
	v19 =	vpop (erf)  }
0x446: {  	v21 =	vmul.f32 v21, v35;
	v18 =	vadd.f32 v20, v18;
	v19 =	vmul.f32 v19, v32;
	_ =	sdelay $0x1  }
0x447: {  	v17 =	vadd.f32 v21, v17;
	v18 =	vadd.f32 v19, v18  }
0x448: {  	vm0 =	veq.s32 v40, $0x0;
	s24 =	sadd.s32 $0x1, s24  }
0x449: {  	p0 =	sne.s32 s24, s10;
	v17 =	vsel vm0, v18, v17  }
.Ltmp4:
0x44a: {  	[tilespmem:s26+$0x0] =	vst v17;
	(pc) =	sbr.rel @p0 .LBB2_1-.Ltmp4, $4  }
0x44b: {  	[hbm4b:s9+s14] =	stream.strided.scatter [tilespmem:s23], [sflag:$0x3], $0x900, s15, s14, $0x38;
	[tilespmem:$0x4300] =	vst v63  }
0x44c: {  	_ =	swait.ge [sflag:s18], $0x900  }
0x44d: {  	[sflag:s18] =	ssyncset.done $0x0  }
0x44e: {  	[sflag:s18] =	ssyncadd.s32 $0xFFFFF700  }
0x44f: {  	_ =	sfence.sel $0x180000  }
0x450: {  	[bflag:$0x0] =	sbarrier.arrive $0xFFFF  }
0x451: {  	_ =	strace $0x90000047  }
0x452: {  	s0 =	stileid.u32;
	[bflag:$0x2] =	sbarrier.arrive $0xFFFF  }
0x453: {  	p0 =	sne.s32 s0, $0x0;
	s0 =	rddreg [dreg:$0x3]  }
0x454: {  	s0 =	sadd.s32 @!p0 $0x100000, s0  }
0x455: {  	[sflag:s0] =	ssyncadd.tile.s32 @!p0 $0x1;
	_ =	shalt  }
.Lfunc_end2:
_tile_overlayer_lowered:
.L_overlay_start_2:
0x456: {  	(tag) =	ssettag $0x2  }
0x457: {  	s0 =	rddreg [dreg:$0x0];
	s2 =	stileid.u32  }
0x458: {  	s1 =	rddreg [dreg:$0x1];
	p0 =	sne.s32 s2, $0x0  }
0x459: {  	s3 =	rddreg [dreg:$0x2];
	[bflag:$0x3] =	sbarrier.arrive $0xFFFF;
	s2 =	simm.s32 @!p0 $0x1C03  }
0x45a: {  	[timem:s3], [sflag:s2] =	dma.local @!p0 [hbm:s0], s1  }
0x45b: {  	s0 =	simm.s32 @!p0 $0x3  }
0x45c: {  	_ =	swait.ge @!p0 [sflag:s0], s1  }
0x45d: {  	s1 =	ssub.s32 @!p0 $0x0, s1;
	[sflag:s0] =	ssyncset.done @!p0 $0x0  }
0x45e: {  	[sflag:s0] =	ssyncadd.s32 @!p0 s1  }
0x45f: {  	[bflag:$0x3] =	sbarrier.arrive $0xFFFF  }
0x460: {  	_ =	shalt  }

</sc_bundles>
